<compile_context>
chip_gen: v7x
topology: tpu7x:2x2x1
jax: 0.10.2.dev20260603
libtpu: 0.0.44.dev20260713+nightly
codegen_flags: <defaults>
</compile_context>

<pallas_src>
import functools

import jax
import jax.numpy as jnp
from jax import lax
from jax.experimental import pallas as pl
from jax.experimental.pallas import tpu as pltpu
from jax.experimental.pallas import tpu_sc as plsc

_BETA = 5.0
_H = 64
_HP = 128
_NC = 2
_NS = 16
_NW = _NC * _NS
_LANES = 16
_TBLK = 8192
_OFF = (0, 96)
_LEN = (96, 104)


def _transpose_body(at_ref, o_ref):
    o_ref[:, :_H] = at_ref[...].T


def _sc_body(tok_hbm, table_hbm, boost_hbm, out_hbm, *s):
    idx = (s[0], s[1])
    g = (s[2], s[3])
    o = (s[4], s[5])
    b = (s[6], s[7])
    sem_i = (s[8], s[9])
    sem_g = (s[10], s[11])
    sem_b = (s[12], s[13])
    sem_o = (s[14], s[15])

    wid = lax.axis_index("s") * _NC + lax.axis_index("c")
    L = out_hbm.shape[1]
    rows_per_w = out_hbm.shape[0] // _NW
    base = wid * rows_per_w

    def idx_cp(r, k):
        return pltpu.make_async_copy(
            tok_hbm.at[pl.ds((base + r) * L + _OFF[k], _LEN[k])],
            idx[k].at[pl.ds(0, _LEN[k])], sem_i[k])

    def gather_cp(k):
        return pltpu.make_async_copy(
            table_hbm.at[idx[k].at[pl.ds(0, _LEN[k])]],
            g[k].at[pl.ds(0, _LEN[k])], sem_g[k])

    def boost_cp(k):
        return pltpu.make_async_copy(
            boost_hbm.at[idx[k].at[pl.ds(0, _LEN[k])]],
            b[k].at[pl.ds(0, _LEN[k])], sem_b[k])

    def out_cp(r, k):
        return pltpu.make_async_copy(
            o[k].at[pl.ds(0, _LEN[k])],
            out_hbm.at[base + r, pl.ds(_OFF[k], _LEN[k])], sem_o[k])

    def start_in(r, k):
        gather_cp(k).start()
        boost_cp(k).start()

    def wait_in(r, k):
        gather_cp(k).wait()
        boost_cp(k).wait()

    def scale_add(k, tok, coef):
        for j in range(_H // _LANES):
            sl = pl.ds(j * _LANES, _LANES)
            o[k][tok, sl] = coef * g[k][tok, sl]

    def compute(k):
        ln = _LEN[k]

        def group(gi, c):
            b16 = b[k][pl.ds(gi * _LANES, _LANES)] * _BETA
            for t in range(_LANES):
                scale_add(k, gi * _LANES + t,
                          jnp.full((_LANES,), b16[t], jnp.float32))
            return c

        ngrp = ln // _LANES
        lax.fori_loop(0, ngrp, group, 0)
        tail = ln - ngrp * _LANES
        if tail:
            toff = ln - _LANES
            b16 = b[k][pl.ds(toff, _LANES)] * _BETA
            for t in range(_LANES - tail, _LANES):
                scale_add(k, toff + t,
                          jnp.full((_LANES,), b16[t], jnp.float32))

    idx_cp(0, 0).start()
    idx_cp(0, 0).wait()
    start_in(0, 0)
    idx_cp(0, 1).start()

    def outer(r, c):
        for k in range(2):
            if k == 0:
                @pl.when(r < rows_per_w - 1)
                def _():
                    idx_cp(r + 1, 0).start()
                idx_cp(r, 1).wait()
                start_in(r, 1)
            else:
                @pl.when(r < rows_per_w - 1)
                def _():
                    idx_cp(r + 1, 1).start()
                    idx_cp(r + 1, 0).wait()
                    start_in(r + 1, 0)
            wait_in(r, k)

            @pl.when(r >= 1)
            def _():
                out_cp(r - 1, k).wait()
            compute(k)
            out_cp(r, k).start()
        return c

    lax.fori_loop(0, rows_per_w, outer, 0)
    out_cp(rows_per_w - 1, 0).wait()
    out_cp(rows_per_w - 1, 1).wait()


def kernel(embeddings, token_ids, agency_matrix, boosting_weights):
    B, L, H = embeddings.shape
    V = agency_matrix.shape[0]
    agency_t = agency_matrix.T

    table = pl.pallas_call(
        _transpose_body,
        grid=(pl.cdiv(V, _TBLK),),
        in_specs=[pl.BlockSpec((H, _TBLK), lambda i: (0, i))],
        out_specs=pl.BlockSpec((_TBLK, _HP), lambda i: (i, 0)),
        out_shape=jax.ShapeDtypeStruct((V, _HP), jnp.float32),
    )(agency_t)

    mesh = plsc.VectorSubcoreMesh(core_axis_name="c", subcore_axis_name="s")
    mx = _LEN[1]
    run = pl.kernel(
        _sc_body,
        out_type=jax.ShapeDtypeStruct((B, L, H), jnp.float32),
        mesh=mesh,
        scratch_types=(
            [pltpu.VMEM((mx,), jnp.int32) for _ in range(2)] +
            [pltpu.VMEM((mx, _HP), jnp.float32) for _ in range(2)] +
            [pltpu.VMEM((mx, _H), jnp.float32) for _ in range(2)] +
            [pltpu.VMEM((mx,), jnp.float32) for _ in range(2)] +
            [pltpu.SemaphoreType.DMA for _ in range(8)]
        ),
        compiler_params=pltpu.CompilerParams(use_tc_tiling_on_sc=True,
                                             needs_layout_passes=False),
    )
    boosted = run(token_ids.astype(jnp.int32).reshape(B * L), table,
                  boosting_weights)
    return embeddings + boosted

# --- scband reference (transcript-rebuilt; emitter-appended) ---
"""Pipeline reference for scband-power-transformer-6425271075105 (READ-ONLY COPY).

The authoritative reference and input builder live on the scoring server;
editing this copy changes nothing except your own understanding.
"""

import jax, jax.numpy as jnp
import numpy as np

HIDDEN_DIM = 64
VOCAB_SIZE = 1000000
BETA = 5.0
B, L = 1024, 200


def setup_inputs(seed: int = 0) -> dict:
    key = jax.random.key(seed)
    k1, k2, k3 = jax.random.split(key, 3)
    embeddings = jax.random.normal(k1, (B, L, HIDDEN_DIM), dtype=jnp.float32)
    token_ids = jax.random.randint(k2, (B, L), 0, VOCAB_SIZE, dtype=jnp.int64 if jax.config.jax_enable_x64 else jnp.int32)
    agency_matrix = jax.random.normal(k3, (VOCAB_SIZE, HIDDEN_DIM), dtype=jnp.float32)
    boosting_weights = jnp.ones((VOCAB_SIZE,), dtype=jnp.float32)
    return {
        "embeddings": embeddings,
        "token_ids": token_ids,
        "agency_matrix": agency_matrix,
        "boosting_weights": boosting_weights,
    }


def reference(embeddings, token_ids, agency_matrix, boosting_weights):
    # boost_factors = self.boosting_weights[token_ids].unsqueeze(-1)
    boost_factors = jnp.take(boosting_weights, token_ids, axis=0)[..., None]
    # gathered rows of the agency matrix
    gathered = jnp.take(agency_matrix, token_ids, axis=0)
    modified_embeddings = embeddings + BETA * (boost_factors * gathered)
    return modified_embeddings

if __name__ == "__main__":
    import jax
    _d = setup_inputs()
    print(jax.jit(kernel)(*tuple(_d.values())))

</pallas_src>

<mosaic_0001>
#map = affine_map<(d0, d1) -> (0)>
#map1 = affine_map<(d0, d1) -> (0, 0)>
#map2 = affine_map<(d0, d1) -> (0, 0, 0)>
module attributes {stable_mosaic.version = 14 : i64} {
  func.func @_sc_body(%arg0: i32, %arg1: i32, %arg2: memref<204800xi32, #tpu.memory_space<hbm>>, %arg3: memref<1000000x128xf32, #tpu.memory_space<hbm>>, %arg4: memref<1000000xf32, #tpu.memory_space<hbm>>, %arg5: memref<1024x200x64xf32, #tpu.memory_space<hbm>>, %arg6: memref<104xi32, #tpu.memory_space<vmem>>, %arg7: memref<104xi32, #tpu.memory_space<vmem>>, %arg8: memref<104x128xf32, #tpu.memory_space<vmem>>, %arg9: memref<104x128xf32, #tpu.memory_space<vmem>>, %arg10: memref<104x64xf32, #tpu.memory_space<vmem>>, %arg11: memref<104x64xf32, #tpu.memory_space<vmem>>, %arg12: memref<104xf32, #tpu.memory_space<vmem>>, %arg13: memref<104xf32, #tpu.memory_space<vmem>>, %arg14: memref<!tpu.dma_semaphore, #tpu.memory_space<semaphore_mem>>, %arg15: memref<!tpu.dma_semaphore, #tpu.memory_space<semaphore_mem>>, %arg16: memref<!tpu.dma_semaphore, #tpu.memory_space<semaphore_mem>>, %arg17: memref<!tpu.dma_semaphore, #tpu.memory_space<semaphore_mem>>, %arg18: memref<!tpu.dma_semaphore, #tpu.memory_space<semaphore_mem>>, %arg19: memref<!tpu.dma_semaphore, #tpu.memory_space<semaphore_mem>>, %arg20: memref<!tpu.dma_semaphore, #tpu.memory_space<semaphore_mem>>, %arg21: memref<!tpu.dma_semaphore, #tpu.memory_space<semaphore_mem>>) attributes {dimension_semantics = [#tpu.dimension_semantics<core_parallel>, #tpu.dimension_semantics<subcore_parallel>], iteration_bounds = array<i64: 2, 16>, scalar_prefetch = 0 : i64, scratch_operands = 16 : i64, tpu.core_type = #tpu.core_type<sc_vector_subcore>, window_params = [{transform_indices = #map}, {transform_indices = #map1}, {transform_indices = #map}, {transform_indices = #map2}]} {
    %mul3A = arith.constant 2 : i32
    %mul3A_0 = arith.muli %arg1, %mul3A : i32
    %add3A = arith.addi %mul3A_0, %arg0 : i32
    %mul3A_1 = arith.constant 32 : i32
    %mul3A_2 = arith.muli %add3A, %mul3A_1 : i32
    %add3A_3 = arith.constant 0 : i32
    %add3A_4 = arith.addi %mul3A_2, %add3A_3 : i32
    %mul3A_5 = arith.constant 200 : i32
    %mul3A_6 = arith.muli %add3A_4, %mul3A_5 : i32
    %add3A_7 = arith.constant 0 : i32
    %add3A_8 = arith.addi %mul3A_6, %add3A_7 : i32
    %dma_start3A = arith.constant 0 : i32
    %dma_start3A_9 = tpu.memref_slice %arg6[%dma_start3A] : memref<104xi32, #tpu.memory_space<vmem>> -> memref<96xi32, #tpu.memory_space<vmem>>
    %dma_start3A_10 = tpu.memref_slice %arg2[%add3A_8] : memref<204800xi32, #tpu.memory_space<hbm>> -> memref<96xi32, #tpu.memory_space<hbm>>
    %dma_start3A_11 = arith.constant 0 : i32
    %dma_start3A_12 = tpu.memref_slice %arg6[%dma_start3A_11] : memref<104xi32, #tpu.memory_space<vmem>> -> memref<96xi32, #tpu.memory_space<vmem>>
    %dma_start3A_13 = tpu.memref_slice %arg2[%add3A_8] : memref<204800xi32, #tpu.memory_space<hbm>> -> memref<96xi32, #tpu.memory_space<hbm>>
    tpu.enqueue_dma source(%dma_start3A_13 : memref<96xi32, #tpu.memory_space<hbm>>) target(%dma_start3A_12 : memref<96xi32, #tpu.memory_space<vmem>>) target_semaphore(%arg14 : memref<!tpu.dma_semaphore, #tpu.memory_space<semaphore_mem>>)
    %add3A_14 = arith.constant 0 : i32
    %add3A_15 = arith.addi %mul3A_2, %add3A_14 : i32
    %mul3A_16 = arith.constant 200 : i32
    %mul3A_17 = arith.muli %add3A_15, %mul3A_16 : i32
    %add3A_18 = arith.constant 0 : i32
    %add3A_19 = arith.addi %mul3A_17, %add3A_18 : i32
    %dma_wait3A = arith.constant 0 : i32
    %dma_wait3A_20 = tpu.memref_slice %arg6[%dma_wait3A] : memref<104xi32, #tpu.memory_space<vmem>> -> memref<96xi32, #tpu.memory_space<vmem>>
    %dma_wait3A_21 = tpu.memref_slice %arg2[%add3A_19] : memref<204800xi32, #tpu.memory_space<hbm>> -> memref<96xi32, #tpu.memory_space<hbm>>
    %dma_wait3A_22 = arith.constant 0 : i32
    %dma_wait3A_23 = tpu.memref_slice %arg6[%dma_wait3A_22] : memref<104xi32, #tpu.memory_space<vmem>> -> memref<96xi32, #tpu.memory_space<vmem>>
    %dma_wait3A_24 = tpu.memref_slice %arg2[%add3A_19] : memref<204800xi32, #tpu.memory_space<hbm>> -> memref<96xi32, #tpu.memory_space<hbm>>
    tpu.wait_dma2 semaphore(%arg14 : memref<!tpu.dma_semaphore, #tpu.memory_space<semaphore_mem>>) src(%dma_wait3A_24 : memref<96xi32, #tpu.memory_space<hbm>>) dst(%dma_wait3A_23 : memref<96xi32, #tpu.memory_space<vmem>>)
    %dma_start3A_25 = arith.constant 0 : i32
    %dma_start3A_26 = arith.constant 0 : i32
    %dma_start3A_27 = tpu.memref_slice %arg8[%dma_start3A_25, %dma_start3A_26] : memref<104x128xf32, #tpu.memory_space<vmem>> -> memref<96x128xf32, #tpu.memory_space<vmem>>
    %dma_start3A_28 = arith.constant 0 : i32
    %dma_start3A_29 = tpu.memref_slice %arg6[%dma_start3A_28] : memref<104xi32, #tpu.memory_space<vmem>> -> memref<96xi32, #tpu.memory_space<vmem>>
    %dma_start3A_30 = arith.constant 0 : i32
    %dma_start3A_31 = arith.constant 0 : i32
    %dma_start3A_32 = tpu.memref_slice %arg3[%dma_start3A_30, %dma_start3A_31] : memref<1000000x128xf32, #tpu.memory_space<hbm>> -> memref<1000000x128xf32, #tpu.memory_space<hbm>>
    tpu.enqueue_indirect_dma source(%dma_start3A_32 : memref<1000000x128xf32, #tpu.memory_space<hbm>>) target(%dma_start3A_27 : memref<96x128xf32, #tpu.memory_space<vmem>>) offsets(%dma_start3A_29 : memref<96xi32, #tpu.memory_space<vmem>>) semaphore(%arg16 : memref<!tpu.dma_semaphore, #tpu.memory_space<semaphore_mem>>)
    %dma_start3A_33 = arith.constant 0 : i32
    %dma_start3A_34 = tpu.memref_slice %arg12[%dma_start3A_33] : memref<104xf32, #tpu.memory_space<vmem>> -> memref<96xf32, #tpu.memory_space<vmem>>
    %dma_start3A_35 = arith.constant 0 : i32
    %dma_start3A_36 = tpu.memref_slice %arg6[%dma_start3A_35] : memref<104xi32, #tpu.memory_space<vmem>> -> memref<96xi32, #tpu.memory_space<vmem>>
    %dma_start3A_37 = arith.constant 0 : i32
    %dma_start3A_38 = tpu.memref_slice %arg4[%dma_start3A_37] : memref<1000000xf32, #tpu.memory_space<hbm>> -> memref<1000000xf32, #tpu.memory_space<hbm>>
    tpu.enqueue_indirect_dma source(%dma_start3A_38 : memref<1000000xf32, #tpu.memory_space<hbm>>) target(%dma_start3A_34 : memref<96xf32, #tpu.memory_space<vmem>>) offsets(%dma_start3A_36 : memref<96xi32, #tpu.memory_space<vmem>>) semaphore(%arg18 : memref<!tpu.dma_semaphore, #tpu.memory_space<semaphore_mem>>)
    %add3A_39 = arith.constant 0 : i32
    %add3A_40 = arith.addi %mul3A_2, %add3A_39 : i32
    %mul3A_41 = arith.constant 200 : i32
    %mul3A_42 = arith.muli %add3A_40, %mul3A_41 : i32
    %add3A_43 = arith.constant 96 : i32
    %add3A_44 = arith.addi %mul3A_42, %add3A_43 : i32
    %dma_start3A_45 = arith.constant 0 : i32
    %dma_start3A_46 = tpu.memref_slice %arg7[%dma_start3A_45] : memref<104xi32, #tpu.memory_space<vmem>> -> memref<104xi32, #tpu.memory_space<vmem>>
    %dma_start3A_47 = tpu.memref_slice %arg2[%add3A_44] : memref<204800xi32, #tpu.memory_space<hbm>> -> memref<104xi32, #tpu.memory_space<hbm>>
    %dma_start3A_48 = arith.constant 0 : i32
    %dma_start3A_49 = tpu.memref_slice %arg7[%dma_start3A_48] : memref<104xi32, #tpu.memory_space<vmem>> -> memref<104xi32, #tpu.memory_space<vmem>>
    %dma_start3A_50 = tpu.memref_slice %arg2[%add3A_44] : memref<204800xi32, #tpu.memory_space<hbm>> -> memref<104xi32, #tpu.memory_space<hbm>>
    tpu.enqueue_dma source(%dma_start3A_50 : memref<104xi32, #tpu.memory_space<hbm>>) target(%dma_start3A_49 : memref<104xi32, #tpu.memory_space<vmem>>) target_semaphore(%arg15 : memref<!tpu.dma_semaphore, #tpu.memory_space<semaphore_mem>>)
    %scan3A = arith.constant 0 : i32
    %scan3A_51 = arith.constant 0 : i32
    %scan3A_52 = arith.constant 32 : i32
    %scan3A_53 = arith.addi %scan3A_51, %scan3A_52 : i32
    %scan3A_54 = arith.constant 1 : i32
    scf.for %scan3A_88 = %scan3A_51 to %scan3A_53 step %scan3A_54  : i32 {
      %lt3A = arith.constant 31 : i32
      %lt3A_89 = arith.cmpi slt, %scan3A_88, %lt3A : i32
      %convert_element_type3A = arith.extui %lt3A_89 : i1 to i32
      %cond3A = arith.constant 0 : i32
      %cond3A_90 = arith.cmpi ne, %convert_element_type3A, %cond3A : i32
      scf.if %cond3A_90 {
        %add3A_512 = arith.constant 1 : i32
        %add3A_513 = arith.addi %scan3A_88, %add3A_512 : i32
        %add3A_514 = arith.addi %mul3A_2, %add3A_513 : i32
        %mul3A_515 = arith.constant 200 : i32
        %mul3A_516 = arith.muli %add3A_514, %mul3A_515 : i32
        %add3A_517 = arith.constant 0 : i32
        %add3A_518 = arith.addi %mul3A_516, %add3A_517 : i32
        %dma_start3A_519 = arith.constant 0 : i32
        %dma_start3A_520 = tpu.memref_slice %arg6[%dma_start3A_519] : memref<104xi32, #tpu.memory_space<vmem>> -> memref<96xi32, #tpu.memory_space<vmem>>
        %dma_start3A_521 = tpu.memref_slice %arg2[%add3A_518] : memref<204800xi32, #tpu.memory_space<hbm>> -> memref<96xi32, #tpu.memory_space<hbm>>
        %dma_start3A_522 = arith.constant 0 : i32
        %dma_start3A_523 = tpu.memref_slice %arg6[%dma_start3A_522] : memref<104xi32, #tpu.memory_space<vmem>> -> memref<96xi32, #tpu.memory_space<vmem>>
        %dma_start3A_524 = tpu.memref_slice %arg2[%add3A_518] : memref<204800xi32, #tpu.memory_space<hbm>> -> memref<96xi32, #tpu.memory_space<hbm>>
        tpu.enqueue_dma source(%dma_start3A_524 : memref<96xi32, #tpu.memory_space<hbm>>) target(%dma_start3A_523 : memref<96xi32, #tpu.memory_space<vmem>>) target_semaphore(%arg14 : memref<!tpu.dma_semaphore, #tpu.memory_space<semaphore_mem>>)
      } else {
      }
      %add3A_91 = arith.addi %mul3A_2, %scan3A_88 : i32
      %mul3A_92 = arith.constant 200 : i32
      %mul3A_93 = arith.muli %add3A_91, %mul3A_92 : i32
      %add3A_94 = arith.constant 96 : i32
      %add3A_95 = arith.addi %mul3A_93, %add3A_94 : i32
      %dma_wait3A_96 = arith.constant 0 : i32
      %dma_wait3A_97 = tpu.memref_slice %arg7[%dma_wait3A_96] : memref<104xi32, #tpu.memory_space<vmem>> -> memref<104xi32, #tpu.memory_space<vmem>>
      %dma_wait3A_98 = tpu.memref_slice %arg2[%add3A_95] : memref<204800xi32, #tpu.memory_space<hbm>> -> memref<104xi32, #tpu.memory_space<hbm>>
      %dma_wait3A_99 = arith.constant 0 : i32
      %dma_wait3A_100 = tpu.memref_slice %arg7[%dma_wait3A_99] : memref<104xi32, #tpu.memory_space<vmem>> -> memref<104xi32, #tpu.memory_space<vmem>>
      %dma_wait3A_101 = tpu.memref_slice %arg2[%add3A_95] : memref<204800xi32, #tpu.memory_space<hbm>> -> memref<104xi32, #tpu.memory_space<hbm>>
      tpu.wait_dma2 semaphore(%arg15 : memref<!tpu.dma_semaphore, #tpu.memory_space<semaphore_mem>>) src(%dma_wait3A_101 : memref<104xi32, #tpu.memory_space<hbm>>) dst(%dma_wait3A_100 : memref<104xi32, #tpu.memory_space<vmem>>)
      %dma_start3A_102 = arith.constant 0 : i32
      %dma_start3A_103 = arith.constant 0 : i32
      %dma_start3A_104 = tpu.memref_slice %arg9[%dma_start3A_102, %dma_start3A_103] : memref<104x128xf32, #tpu.memory_space<vmem>> -> memref<104x128xf32, #tpu.memory_space<vmem>>
      %dma_start3A_105 = arith.constant 0 : i32
      %dma_start3A_106 = tpu.memref_slice %arg7[%dma_start3A_105] : memref<104xi32, #tpu.memory_space<vmem>> -> memref<104xi32, #tpu.memory_space<vmem>>
      %dma_start3A_107 = arith.constant 0 : i32
      %dma_start3A_108 = arith.constant 0 : i32
      %dma_start3A_109 = tpu.memref_slice %arg3[%dma_start3A_107, %dma_start3A_108] : memref<1000000x128xf32, #tpu.memory_space<hbm>> -> memref<1000000x128xf32, #tpu.memory_space<hbm>>
      tpu.enqueue_indirect_dma source(%dma_start3A_109 : memref<1000000x128xf32, #tpu.memory_space<hbm>>) target(%dma_start3A_104 : memref<104x128xf32, #tpu.memory_space<vmem>>) offsets(%dma_start3A_106 : memref<104xi32, #tpu.memory_space<vmem>>) semaphore(%arg17 : memref<!tpu.dma_semaphore, #tpu.memory_space<semaphore_mem>>)
      %dma_start3A_110 = arith.constant 0 : i32
      %dma_start3A_111 = tpu.memref_slice %arg13[%dma_start3A_110] : memref<104xf32, #tpu.memory_space<vmem>> -> memref<104xf32, #tpu.memory_space<vmem>>
      %dma_start3A_112 = arith.constant 0 : i32
      %dma_start3A_113 = tpu.memref_slice %arg7[%dma_start3A_112] : memref<104xi32, #tpu.memory_space<vmem>> -> memref<104xi32, #tpu.memory_space<vmem>>
      %dma_start3A_114 = arith.constant 0 : i32
      %dma_start3A_115 = tpu.memref_slice %arg4[%dma_start3A_114] : memref<1000000xf32, #tpu.memory_space<hbm>> -> memref<1000000xf32, #tpu.memory_space<hbm>>
      tpu.enqueue_indirect_dma source(%dma_start3A_115 : memref<1000000xf32, #tpu.memory_space<hbm>>) target(%dma_start3A_111 : memref<104xf32, #tpu.memory_space<vmem>>) offsets(%dma_start3A_113 : memref<104xi32, #tpu.memory_space<vmem>>) semaphore(%arg19 : memref<!tpu.dma_semaphore, #tpu.memory_space<semaphore_mem>>)
      %dma_wait3A_116 = arith.constant 0 : i32
      %dma_wait3A_117 = arith.constant 0 : i32
      %dma_wait3A_118 = tpu.memref_slice %arg8[%dma_wait3A_116, %dma_wait3A_117] : memref<104x128xf32, #tpu.memory_space<vmem>> -> memref<96x128xf32, #tpu.memory_space<vmem>>
      %dma_wait3A_119 = arith.constant 0 : i32
      %dma_wait3A_120 = tpu.memref_slice %arg6[%dma_wait3A_119] : memref<104xi32, #tpu.memory_space<vmem>> -> memref<96xi32, #tpu.memory_space<vmem>>
      %dma_wait3A_121 = arith.constant 0 : i32
      %dma_wait3A_122 = arith.constant 0 : i32
      %dma_wait3A_123 = tpu.memref_slice %arg3[%dma_wait3A_121, %dma_wait3A_122] : memref<1000000x128xf32, #tpu.memory_space<hbm>> -> memref<1000000x128xf32, #tpu.memory_space<hbm>>
      tpu.wait_indirect_dma semaphore(%arg16 : memref<!tpu.dma_semaphore, #tpu.memory_space<semaphore_mem>>) src(%dma_wait3A_123 : memref<1000000x128xf32, #tpu.memory_space<hbm>>) dst(%dma_wait3A_118 : memref<96x128xf32, #tpu.memory_space<vmem>>)
      %dma_wait3A_124 = arith.constant 0 : i32
      %dma_wait3A_125 = tpu.memref_slice %arg12[%dma_wait3A_124] : memref<104xf32, #tpu.memory_space<vmem>> -> memref<96xf32, #tpu.memory_space<vmem>>
      %dma_wait3A_126 = arith.constant 0 : i32
      %dma_wait3A_127 = tpu.memref_slice %arg6[%dma_wait3A_126] : memref<104xi32, #tpu.memory_space<vmem>> -> memref<96xi32, #tpu.memory_space<vmem>>
      %dma_wait3A_128 = arith.constant 0 : i32
      %dma_wait3A_129 = tpu.memref_slice %arg4[%dma_wait3A_128] : memref<1000000xf32, #tpu.memory_space<hbm>> -> memref<1000000xf32, #tpu.memory_space<hbm>>
      tpu.wait_indirect_dma semaphore(%arg18 : memref<!tpu.dma_semaphore, #tpu.memory_space<semaphore_mem>>) src(%dma_wait3A_129 : memref<1000000xf32, #tpu.memory_space<hbm>>) dst(%dma_wait3A_125 : memref<96xf32, #tpu.memory_space<vmem>>)
      %ge3A = arith.constant 1 : i32
      %ge3A_130 = arith.cmpi sge, %scan3A_88, %ge3A : i32
      %convert_element_type3A_131 = arith.extui %ge3A_130 : i1 to i32
      %cond3A_132 = arith.constant 0 : i32
      %cond3A_133 = arith.cmpi ne, %convert_element_type3A_131, %cond3A_132 : i32
      scf.if %cond3A_133 {
        %sub3A = arith.constant 1 : i32
        %sub3A_512 = arith.subi %scan3A_88, %sub3A : i32
        %add3A_513 = arith.addi %mul3A_2, %sub3A_512 : i32
        %dma_wait3A_514 = arith.constant 0 : i32
        %dma_wait3A_515 = arith.constant 0 : i32
        %dma_wait3A_516 = tpu.memref_slice %arg10[%dma_wait3A_514, %dma_wait3A_515] : memref<104x64xf32, #tpu.memory_space<vmem>> -> memref<96x64xf32, #tpu.memory_space<vmem>>
        %dma_wait3A_517 = arith.constant 0 : i32
        %dma_wait3A_518 = arith.constant 0 : i32
        %dma_wait3A_519 = tpu.memref_slice %arg5[%add3A_513, %dma_wait3A_517, %dma_wait3A_518] : memref<1024x200x64xf32, #tpu.memory_space<hbm>> -> memref<1x96x64xf32, #tpu.memory_space<hbm>>
        %dma_wait3A_520 = tpu.memref_squeeze %dma_wait3A_519 : memref<1x96x64xf32, #tpu.memory_space<hbm>> -> memref<96x64xf32, #tpu.memory_space<hbm>>
        %dma_wait3A_521 = arith.constant 0 : i32
        %dma_wait3A_522 = arith.constant 0 : i32
        %dma_wait3A_523 = tpu.memref_slice %arg5[%add3A_513, %dma_wait3A_521, %dma_wait3A_522] : memref<1024x200x64xf32, #tpu.memory_space<hbm>> -> memref<1x96x64xf32, #tpu.memory_space<hbm>>
        %dma_wait3A_524 = tpu.memref_squeeze %dma_wait3A_523 : memref<1x96x64xf32, #tpu.memory_space<hbm>> -> memref<96x64xf32, #tpu.memory_space<hbm>>
        %dma_wait3A_525 = arith.constant 0 : i32
        %dma_wait3A_526 = arith.constant 0 : i32
        %dma_wait3A_527 = tpu.memref_slice %arg10[%dma_wait3A_525, %dma_wait3A_526] : memref<104x64xf32, #tpu.memory_space<vmem>> -> memref<96x64xf32, #tpu.memory_space<vmem>>
        tpu.wait_dma2 semaphore(%arg20 : memref<!tpu.dma_semaphore, #tpu.memory_space<semaphore_mem>>) src(%dma_wait3A_527 : memref<96x64xf32, #tpu.memory_space<vmem>>) dst(%dma_wait3A_524 : memref<96x64xf32, #tpu.memory_space<hbm>>)
      } else {
      }
      %scan3A_134 = arith.constant 0 : i32
      %scan3A_135 = arith.constant 0 : i32
      %scan3A_136 = arith.constant 6 : i32
      %scan3A_137 = arith.addi %scan3A_135, %scan3A_136 : i32
      %scan3A_138 = arith.constant 1 : i32
      scf.for %scan3A_512 = %scan3A_135 to %scan3A_137 step %scan3A_138  : i32 {
        %mul3A_513 = arith.constant 16 : i32
        %mul3A_514 = arith.muli %scan3A_512, %mul3A_513 : i32
        %get3A_515 = arith.index_cast %mul3A_514 : i32 to index
        %get3A_516 = tpu.vector_load %arg12[%get3A_515] {strides = array<i32>} : memref<104xf32, #tpu.memory_space<vmem>>, vector<16xf32>,
        %mul3A_517 = arith.constant 5.000000e+00 : f32
        %mul3A_518 = vector.broadcast %mul3A_517 : f32 to vector<16xf32>
        %mul3A_519 = arith.mulf %get3A_516, %mul3A_518 : vector<16xf32>
        %mul3A_520 = arith.constant 16 : i32
        %mul3A_521 = arith.muli %scan3A_512, %mul3A_520 : i32
        %add3A_522 = arith.constant 0 : i32
        %add3A_523 = arith.addi %mul3A_521, %add3A_522 : i32
        %slice3A_524 = vector.extract_strided_slice %mul3A_519 {offsets = [0], sizes = [1], strides = [1]} : vector<16xf32> to vector<1xf32>
        %squeeze3A_525 = vector.extract %slice3A_524[0] : f32 from vector<1xf32>
        %broadcast_in_dim3A_526 = vector.broadcast %squeeze3A_525 : f32 to vector<16xf32>
        %get3A_527 = arith.index_cast %add3A_523 : i32 to index
        %get3A_528 = arith.constant 0 : index
        %get3A_529 = tpu.vector_load %arg8[%get3A_527, %get3A_528] {strides = array<i32>} : memref<104x128xf32, #tpu.memory_space<vmem>>, vector<16xf32>,
        %mul3A_530 = arith.mulf %broadcast_in_dim3A_526, %get3A_529 : vector<16xf32>
        %swap3A_531 = arith.index_cast %add3A_523 : i32 to index
        %swap3A_532 = arith.constant 0 : index
        %swap3A_533 = tpu.vector_load %arg10[%swap3A_531, %swap3A_532] {strides = array<i32>} : memref<104x64xf32, #tpu.memory_space<vmem>>, vector<16xf32>,
        tpu.vector_store %arg10[%swap3A_531, %swap3A_532], %mul3A_530 {strides = array<i32>} : memref<104x64xf32, #tpu.memory_space<vmem>>, vector<16xf32>,
        %get3A_534 = arith.index_cast %add3A_523 : i32 to index
        %get3A_535 = arith.constant 16 : index
        %get3A_536 = tpu.vector_load %arg8[%get3A_534, %get3A_535] {strides = array<i32>} : memref<104x128xf32, #tpu.memory_space<vmem>>, vector<16xf32>,
        %mul3A_537 = arith.mulf %broadcast_in_dim3A_526, %get3A_536 : vector<16xf32>
        %swap3A_538 = arith.index_cast %add3A_523 : i32 to index
        %swap3A_539 = arith.constant 16 : index
        %swap3A_540 = tpu.vector_load %arg10[%swap3A_538, %swap3A_539] {strides = array<i32>} : memref<104x64xf32, #tpu.memory_space<vmem>>, vector<16xf32>,
        tpu.vector_store %arg10[%swap3A_538, %swap3A_539], %mul3A_537 {strides = array<i32>} : memref<104x64xf32, #tpu.memory_space<vmem>>, vector<16xf32>,
        %get3A_541 = arith.index_cast %add3A_523 : i32 to index
        %get3A_542 = arith.constant 32 : index
        %get3A_543 = tpu.vector_load %arg8[%get3A_541, %get3A_542] {strides = array<i32>} : memref<104x128xf32, #tpu.memory_space<vmem>>, vector<16xf32>,
        %mul3A_544 = arith.mulf %broadcast_in_dim3A_526, %get3A_543 : vector<16xf32>
        %swap3A_545 = arith.index_cast %add3A_523 : i32 to index
        %swap3A_546 = arith.constant 32 : index
        %swap3A_547 = tpu.vector_load %arg10[%swap3A_545, %swap3A_546] {strides = array<i32>} : memref<104x64xf32, #tpu.memory_space<vmem>>, vector<16xf32>,
        tpu.vector_store %arg10[%swap3A_545, %swap3A_546], %mul3A_544 {strides = array<i32>} : memref<104x64xf32, #tpu.memory_space<vmem>>, vector<16xf32>,
        %get3A_548 = arith.index_cast %add3A_523 : i32 to index
        %get3A_549 = arith.constant 48 : index
        %get3A_550 = tpu.vector_load %arg8[%get3A_548, %get3A_549] {strides = array<i32>} : memref<104x128xf32, #tpu.memory_space<vmem>>, vector<16xf32>,
        %mul3A_551 = arith.mulf %broadcast_in_dim3A_526, %get3A_550 : vector<16xf32>
        %swap3A_552 = arith.index_cast %add3A_523 : i32 to index
        %swap3A_553 = arith.constant 48 : index
        %swap3A_554 = tpu.vector_load %arg10[%swap3A_552, %swap3A_553] {strides = array<i32>} : memref<104x64xf32, #tpu.memory_space<vmem>>, vector<16xf32>,
        tpu.vector_store %arg10[%swap3A_552, %swap3A_553], %mul3A_551 {strides = array<i32>} : memref<104x64xf32, #tpu.memory_space<vmem>>, vector<16xf32>,
        %mul3A_555 = arith.constant 16 : i32
        %mul3A_556 = arith.muli %scan3A_512, %mul3A_555 : i32
        %add3A_557 = arith.constant 1 : i32
        %add3A_558 = arith.addi %mul3A_556, %add3A_557 : i32
        %slice3A_559 = vector.extract_strided_slice %mul3A_519 {offsets = [1], sizes = [1], strides = [1]} : vector<16xf32> to vector<1xf32>
        %squeeze3A_560 = vector.extract %slice3A_559[0] : f32 from vector<1xf32>
        %broadcast_in_dim3A_561 = vector.broadcast %squeeze3A_560 : f32 to vector<16xf32>
        %get3A_562 = arith.index_cast %add3A_558 : i32 to index
        %get3A_563 = arith.constant 0 : index
        %get3A_564 = tpu.vector_load %arg8[%get3A_562, %get3A_563] {strides = array<i32>} : memref<104x128xf32, #tpu.memory_space<vmem>>, vector<16xf32>,
        %mul3A_565 = arith.mulf %broadcast_in_dim3A_561, %get3A_564 : vector<16xf32>
        %swap3A_566 = arith.index_cast %add3A_558 : i32 to index
        %swap3A_567 = arith.constant 0 : index
        %swap3A_568 = tpu.vector_load %arg10[%swap3A_566, %swap3A_567] {strides = array<i32>} : memref<104x64xf32, #tpu.memory_space<vmem>>, vector<16xf32>,
        tpu.vector_store %arg10[%swap3A_566, %swap3A_567], %mul3A_565 {strides = array<i32>} : memref<104x64xf32, #tpu.memory_space<vmem>>, vector<16xf32>,
        %get3A_569 = arith.index_cast %add3A_558 : i32 to index
        %get3A_570 = arith.constant 16 : index
        %get3A_571 = tpu.vector_load %arg8[%get3A_569, %get3A_570] {strides = array<i32>} : memref<104x128xf32, #tpu.memory_space<vmem>>, vector<16xf32>,
        %mul3A_572 = arith.mulf %broadcast_in_dim3A_561, %get3A_571 : vector<16xf32>
        %swap3A_573 = arith.index_cast %add3A_558 : i32 to index
        %swap3A_574 = arith.constant 16 : index
        %swap3A_575 = tpu.vector_load %arg10[%swap3A_573, %swap3A_574] {strides = array<i32>} : memref<104x64xf32, #tpu.memory_space<vmem>>, vector<16xf32>,
        tpu.vector_store %arg10[%swap3A_573, %swap3A_574], %mul3A_572 {strides = array<i32>} : memref<104x64xf32, #tpu.memory_space<vmem>>, vector<16xf32>,
        %get3A_576 = arith.index_cast %add3A_558 : i32 to index
        %get3A_577 = arith.constant 32 : index
        %get3A_578 = tpu.vector_load %arg8[%get3A_576, %get3A_577] {strides = array<i32>} : memref<104x128xf32, #tpu.memory_space<vmem>>, vector<16xf32>,
        %mul3A_579 = arith.mulf %broadcast_in_dim3A_561, %get3A_578 : vector<16xf32>
        %swap3A_580 = arith.index_cast %add3A_558 : i32 to index
        %swap3A_581 = arith.constant 32 : index
        %swap3A_582 = tpu.vector_load %arg10[%swap3A_580, %swap3A_581] {strides = array<i32>} : memref<104x64xf32, #tpu.memory_space<vmem>>, vector<16xf32>,
        tpu.vector_store %arg10[%swap3A_580, %swap3A_581], %mul3A_579 {strides = array<i32>} : memref<104x64xf32, #tpu.memory_space<vmem>>, vector<16xf32>,
        %get3A_583 = arith.index_cast %add3A_558 : i32 to index
        %get3A_584 = arith.constant 48 : index
        %get3A_585 = tpu.vector_load %arg8[%get3A_583, %get3A_584] {strides = array<i32>} : memref<104x128xf32, #tpu.memory_space<vmem>>, vector<16xf32>,
        %mul3A_586 = arith.mulf %broadcast_in_dim3A_561, %get3A_585 : vector<16xf32>
        %swap3A_587 = arith.index_cast %add3A_558 : i32 to index
        %swap3A_588 = arith.constant 48 : index
        %swap3A_589 = tpu.vector_load %arg10[%swap3A_587, %swap3A_588] {strides = array<i32>} : memref<104x64xf32, #tpu.memory_space<vmem>>, vector<16xf32>,
        tpu.vector_store %arg10[%swap3A_587, %swap3A_588], %mul3A_586 {strides = array<i32>} : memref<104x64xf32, #tpu.memory_space<vmem>>, vector<16xf32>,
        %mul3A_590 = arith.constant 16 : i32
        %mul3A_591 = arith.muli %scan3A_512, %mul3A_590 : i32
        %add3A_592 = arith.constant 2 : i32
        %add3A_593 = arith.addi %mul3A_591, %add3A_592 : i32
        %slice3A_594 = vector.extract_strided_slice %mul3A_519 {offsets = [2], sizes = [1], strides = [1]} : vector<16xf32> to vector<1xf32>
        %squeeze3A_595 = vector.extract %slice3A_594[0] : f32 from vector<1xf32>
        %broadcast_in_dim3A_596 = vector.broadcast %squeeze3A_595 : f32 to vector<16xf32>
        %get3A_597 = arith.index_cast %add3A_593 : i32 to index
        %get3A_598 = arith.constant 0 : index
        %get3A_599 = tpu.vector_load %arg8[%get3A_597, %get3A_598] {strides = array<i32>} : memref<104x128xf32, #tpu.memory_space<vmem>>, vector<16xf32>,
        %mul3A_600 = arith.mulf %broadcast_in_dim3A_596, %get3A_599 : vector<16xf32>
        %swap3A_601 = arith.index_cast %add3A_593 : i32 to index
        %swap3A_602 = arith.constant 0 : index
        %swap3A_603 = tpu.vector_load %arg10[%swap3A_601, %swap3A_602] {strides = array<i32>} : memref<104x64xf32, #tpu.memory_space<vmem>>, vector<16xf32>,
        tpu.vector_store %arg10[%swap3A_601, %swap3A_602], %mul3A_600 {strides = array<i32>} : memref<104x64xf32, #tpu.memory_space<vmem>>, vector<16xf32>,
        %get3A_604 = arith.index_cast %add3A_593 : i32 to index
        %get3A_605 = arith.constant 16 : index
        %get3A_606 = tpu.vector_load %arg8[%get3A_604, %get3A_605] {strides = array<i32>} : memref<104x128xf32, #tpu.memory_space<vmem>>, vector<16xf32>,
        %mul3A_607 = arith.mulf %broadcast_in_dim3A_596, %get3A_606 : vector<16xf32>
        %swap3A_608 = arith.index_cast %add3A_593 : i32 to index
        %swap3A_609 = arith.constant 16 : index
        %swap3A_610 = tpu.vector_load %arg10[%swap3A_608, %swap3A_609] {strides = array<i32>} : memref<104x64xf32, #tpu.memory_space<vmem>>, vector<16xf32>,
        tpu.vector_store %arg10[%swap3A_608, %swap3A_609], %mul3A_607 {strides = array<i32>} : memref<104x64xf32, #tpu.memory_space<vmem>>, vector<16xf32>,
        %get3A_611 = arith.index_cast %add3A_593 : i32 to index
        %get3A_612 = arith.constant 32 : index
        %get3A_613 = tpu.vector_load %arg8[%get3A_611, %get3A_612] {strides = array<i32>} : memref<104x128xf32, #tpu.memory_space<vmem>>, vector<16xf32>,
        %mul3A_614 = arith.mulf %broadcast_in_dim3A_596, %get3A_613 : vector<16xf32>
        %swap3A_615 = arith.index_cast %add3A_593 : i32 to index
        %swap3A_616 = arith.constant 32 : index
        %swap3A_617 = tpu.vector_load %arg10[%swap3A_615, %swap3A_616] {strides = array<i32>} : memref<104x64xf32, #tpu.memory_space<vmem>>, vector<16xf32>,
        tpu.vector_store %arg10[%swap3A_615, %swap3A_616], %mul3A_614 {strides = array<i32>} : memref<104x64xf32, #tpu.memory_space<vmem>>, vector<16xf32>,
        %get3A_618 = arith.index_cast %add3A_593 : i32 to index
        %get3A_619 = arith.constant 48 : index
        %get3A_620 = tpu.vector_load %arg8[%get3A_618, %get3A_619] {strides = array<i32>} : memref<104x128xf32, #tpu.memory_space<vmem>>, vector<16xf32>,
        %mul3A_621 = arith.mulf %broadcast_in_dim3A_596, %get3A_620 : vector<16xf32>
        %swap3A_622 = arith.index_cast %add3A_593 : i32 to index
        %swap3A_623 = arith.constant 48 : index
        %swap3A_624 = tpu.vector_load %arg10[%swap3A_622, %swap3A_623] {strides = array<i32>} : memref<104x64xf32, #tpu.memory_space<vmem>>, vector<16xf32>,
        tpu.vector_store %arg10[%swap3A_622, %swap3A_623], %mul3A_621 {strides = array<i32>} : memref<104x64xf32, #tpu.memory_space<vmem>>, vector<16xf32>,
        %mul3A_625 = arith.constant 16 : i32
        %mul3A_626 = arith.muli %scan3A_512, %mul3A_625 : i32
        %add3A_627 = arith.constant 3 : i32
        %add3A_628 = arith.addi %mul3A_626, %add3A_627 : i32
        %slice3A_629 = vector.extract_strided_slice %mul3A_519 {offsets = [3], sizes = [1], strides = [1]} : vector<16xf32> to vector<1xf32>
        %squeeze3A_630 = vector.extract %slice3A_629[0] : f32 from vector<1xf32>
        %broadcast_in_dim3A_631 = vector.broadcast %squeeze3A_630 : f32 to vector<16xf32>
        %get3A_632 = arith.index_cast %add3A_628 : i32 to index
        %get3A_633 = arith.constant 0 : index
        %get3A_634 = tpu.vector_load %arg8[%get3A_632, %get3A_633] {strides = array<i32>} : memref<104x128xf32, #tpu.memory_space<vmem>>, vector<16xf32>,
        %mul3A_635 = arith.mulf %broadcast_in_dim3A_631, %get3A_634 : vector<16xf32>
        %swap3A_636 = arith.index_cast %add3A_628 : i32 to index
        %swap3A_637 = arith.constant 0 : index
        %swap3A_638 = tpu.vector_load %arg10[%swap3A_636, %swap3A_637] {strides = array<i32>} : memref<104x64xf32, #tpu.memory_space<vmem>>, vector<16xf32>,
        tpu.vector_store %arg10[%swap3A_636, %swap3A_637], %mul3A_635 {strides = array<i32>} : memref<104x64xf32, #tpu.memory_space<vmem>>, vector<16xf32>,
        %get3A_639 = arith.index_cast %add3A_628 : i32 to index
        %get3A_640 = arith.constant 16 : index
        %get3A_641 = tpu.vector_load %arg8[%get3A_639, %get3A_640] {strides = array<i32>} : memref<104x128xf32, #tpu.memory_space<vmem>>, vector<16xf32>,
        %mul3A_642 = arith.mulf %broadcast_in_dim3A_631, %get3A_641 : vector<16xf32>
        %swap3A_643 = arith.index_cast %add3A_628 : i32 to index
        %swap3A_644 = arith.constant 16 : index
        %swap3A_645 = tpu.vector_load %arg10[%swap3A_643, %swap3A_644] {strides = array<i32>} : memref<104x64xf32, #tpu.memory_space<vmem>>, vector<16xf32>,
        tpu.vector_store %arg10[%swap3A_643, %swap3A_644], %mul3A_642 {strides = array<i32>} : memref<104x64xf32, #tpu.memory_space<vmem>>, vector<16xf32>,
        %get3A_646 = arith.index_cast %add3A_628 : i32 to index
        %get3A_647 = arith.constant 32 : index
        %get3A_648 = tpu.vector_load %arg8[%get3A_646, %get3A_647] {strides = array<i32>} : memref<104x128xf32, #tpu.memory_space<vmem>>, vector<16xf32>,
        %mul3A_649 = arith.mulf %broadcast_in_dim3A_631, %get3A_648 : vector<16xf32>
        %swap3A_650 = arith.index_cast %add3A_628 : i32 to index
        %swap3A_651 = arith.constant 32 : index
        %swap3A_652 = tpu.vector_load %arg10[%swap3A_650, %swap3A_651] {strides = array<i32>} : memref<104x64xf32, #tpu.memory_space<vmem>>, vector<16xf32>,
        tpu.vector_store %arg10[%swap3A_650, %swap3A_651], %mul3A_649 {strides = array<i32>} : memref<104x64xf32, #tpu.memory_space<vmem>>, vector<16xf32>,
        %get3A_653 = arith.index_cast %add3A_628 : i32 to index
        %get3A_654 = arith.constant 48 : index
        %get3A_655 = tpu.vector_load %arg8[%get3A_653, %get3A_654] {strides = array<i32>} : memref<104x128xf32, #tpu.memory_space<vmem>>, vector<16xf32>,
        %mul3A_656 = arith.mulf %broadcast_in_dim3A_631, %get3A_655 : vector<16xf32>
        %swap3A_657 = arith.index_cast %add3A_628 : i32 to index
        %swap3A_658 = arith.constant 48 : index
        %swap3A_659 = tpu.vector_load %arg10[%swap3A_657, %swap3A_658] {strides = array<i32>} : memref<104x64xf32, #tpu.memory_space<vmem>>, vector<16xf32>,
        tpu.vector_store %arg10[%swap3A_657, %swap3A_658], %mul3A_656 {strides = array<i32>} : memref<104x64xf32, #tpu.memory_space<vmem>>, vector<16xf32>,
        %mul3A_660 = arith.constant 16 : i32
        %mul3A_661 = arith.muli %scan3A_512, %mul3A_660 : i32
        %add3A_662 = arith.constant 4 : i32
        %add3A_663 = arith.addi %mul3A_661, %add3A_662 : i32
        %slice3A_664 = vector.extract_strided_slice %mul3A_519 {offsets = [4], sizes = [1], strides = [1]} : vector<16xf32> to vector<1xf32>
        %squeeze3A_665 = vector.extract %slice3A_664[0] : f32 from vector<1xf32>
        %broadcast_in_dim3A_666 = vector.broadcast %squeeze3A_665 : f32 to vector<16xf32>
        %get3A_667 = arith.index_cast %add3A_663 : i32 to index
        %get3A_668 = arith.constant 0 : index
        %get3A_669 = tpu.vector_load %arg8[%get3A_667, %get3A_668] {strides = array<i32>} : memref<104x128xf32, #tpu.memory_space<vmem>>, vector<16xf32>,
        %mul3A_670 = arith.mulf %broadcast_in_dim3A_666, %get3A_669 : vector<16xf32>
        %swap3A_671 = arith.index_cast %add3A_663 : i32 to index
        %swap3A_672 = arith.constant 0 : index
        %swap3A_673 = tpu.vector_load %arg10[%swap3A_671, %swap3A_672] {strides = array<i32>} : memref<104x64xf32, #tpu.memory_space<vmem>>, vector<16xf32>,
        tpu.vector_store %arg10[%swap3A_671, %swap3A_672], %mul3A_670 {strides = array<i32>} : memref<104x64xf32, #tpu.memory_space<vmem>>, vector<16xf32>,
        %get3A_674 = arith.index_cast %add3A_663 : i32 to index
        %get3A_675 = arith.constant 16 : index
        %get3A_676 = tpu.vector_load %arg8[%get3A_674, %get3A_675] {strides = array<i32>} : memref<104x128xf32, #tpu.memory_space<vmem>>, vector<16xf32>,
        %mul3A_677 = arith.mulf %broadcast_in_dim3A_666, %get3A_676 : vector<16xf32>
        %swap3A_678 = arith.index_cast %add3A_663 : i32 to index
        %swap3A_679 = arith.constant 16 : index
        %swap3A_680 = tpu.vector_load %arg10[%swap3A_678, %swap3A_679] {strides = array<i32>} : memref<104x64xf32, #tpu.memory_space<vmem>>, vector<16xf32>,
        tpu.vector_store %arg10[%swap3A_678, %swap3A_679], %mul3A_677 {strides = array<i32>} : memref<104x64xf32, #tpu.memory_space<vmem>>, vector<16xf32>,
        %get3A_681 = arith.index_cast %add3A_663 : i32 to index
        %get3A_682 = arith.constant 32 : index
        %get3A_683 = tpu.vector_load %arg8[%get3A_681, %get3A_682] {strides = array<i32>} : memref<104x128xf32, #tpu.memory_space<vmem>>, vector<16xf32>,
        %mul3A_684 = arith.mulf %broadcast_in_dim3A_666, %get3A_683 : vector<16xf32>
        %swap3A_685 = arith.index_cast %add3A_663 : i32 to index
        %swap3A_686 = arith.constant 32 : index
        %swap3A_687 = tpu.vector_load %arg10[%swap3A_685, %swap3A_686] {strides = array<i32>} : memref<104x64xf32, #tpu.memory_space<vmem>>, vector<16xf32>,
        tpu.vector_store %arg10[%swap3A_685, %swap3A_686], %mul3A_684 {strides = array<i32>} : memref<104x64xf32, #tpu.memory_space<vmem>>, vector<16xf32>,
        %get3A_688 = arith.index_cast %add3A_663 : i32 to index
        %get3A_689 = arith.constant 48 : index
        %get3A_690 = tpu.vector_load %arg8[%get3A_688, %get3A_689] {strides = array<i32>} : memref<104x128xf32, #tpu.memory_space<vmem>>, vector<16xf32>,
        %mul3A_691 = arith.mulf %broadcast_in_dim3A_666, %get3A_690 : vector<16xf32>
        %swap3A_692 = arith.index_cast %add3A_663 : i32 to index
        %swap3A_693 = arith.constant 48 : index
        %swap3A_694 = tpu.vector_load %arg10[%swap3A_692, %swap3A_693] {strides = array<i32>} : memref<104x64xf32, #tpu.memory_space<vmem>>, vector<16xf32>,
        tpu.vector_store %arg10[%swap3A_692, %swap3A_693], %mul3A_691 {strides = array<i32>} : memref<104x64xf32, #tpu.memory_space<vmem>>, vector<16xf32>,
        %mul3A_695 = arith.constant 16 : i32
        %mul3A_696 = arith.muli %scan3A_512, %mul3A_695 : i32
        %add3A_697 = arith.constant 5 : i32
        %add3A_698 = arith.addi %mul3A_696, %add3A_697 : i32
        %slice3A_699 = vector.extract_strided_slice %mul3A_519 {offsets = [5], sizes = [1], strides = [1]} : vector<16xf32> to vector<1xf32>
        %squeeze3A_700 = vector.extract %slice3A_699[0] : f32 from vector<1xf32>
        %broadcast_in_dim3A_701 = vector.broadcast %squeeze3A_700 : f32 to vector<16xf32>
        %get3A_702 = arith.index_cast %add3A_698 : i32 to index
        %get3A_703 = arith.constant 0 : index
        %get3A_704 = tpu.vector_load %arg8[%get3A_702, %get3A_703] {strides = array<i32>} : memref<104x128xf32, #tpu.memory_space<vmem>>, vector<16xf32>,
        %mul3A_705 = arith.mulf %broadcast_in_dim3A_701, %get3A_704 : vector<16xf32>
        %swap3A_706 = arith.index_cast %add3A_698 : i32 to index
        %swap3A_707 = arith.constant 0 : index
        %swap3A_708 = tpu.vector_load %arg10[%swap3A_706, %swap3A_707] {strides = array<i32>} : memref<104x64xf32, #tpu.memory_space<vmem>>, vector<16xf32>,
        tpu.vector_store %arg10[%swap3A_706, %swap3A_707], %mul3A_705 {strides = array<i32>} : memref<104x64xf32, #tpu.memory_space<vmem>>, vector<16xf32>,
        %get3A_709 = arith.index_cast %add3A_698 : i32 to index
        %get3A_710 = arith.constant 16 : index
        %get3A_711 = tpu.vector_load %arg8[%get3A_709, %get3A_710] {strides = array<i32>} : memref<104x128xf32, #tpu.memory_space<vmem>>, vector<16xf32>,
        %mul3A_712 = arith.mulf %broadcast_in_dim3A_701, %get3A_711 : vector<16xf32>
        %swap3A_713 = arith.index_cast %add3A_698 : i32 to index
        %swap3A_714 = arith.constant 16 : index
        %swap3A_715 = tpu.vector_load %arg10[%swap3A_713, %swap3A_714] {strides = array<i32>} : memref<104x64xf32, #tpu.memory_space<vmem>>, vector<16xf32>,
        tpu.vector_store %arg10[%swap3A_713, %swap3A_714], %mul3A_712 {strides = array<i32>} : memref<104x64xf32, #tpu.memory_space<vmem>>, vector<16xf32>,
        %get3A_716 = arith.index_cast %add3A_698 : i32 to index
        %get3A_717 = arith.constant 32 : index
        %get3A_718 = tpu.vector_load %arg8[%get3A_716, %get3A_717] {strides = array<i32>} : memref<104x128xf32, #tpu.memory_space<vmem>>, vector<16xf32>,
        %mul3A_719 = arith.mulf %broadcast_in_dim3A_701, %get3A_718 : vector<16xf32>
        %swap3A_720 = arith.index_cast %add3A_698 : i32 to index
        %swap3A_721 = arith.constant 32 : index
        %swap3A_722 = tpu.vector_load %arg10[%swap3A_720, %swap3A_721] {strides = array<i32>} : memref<104x64xf32, #tpu.memory_space<vmem>>, vector<16xf32>,
        tpu.vector_store %arg10[%swap3A_720, %swap3A_721], %mul3A_719 {strides = array<i32>} : memref<104x64xf32, #tpu.memory_space<vmem>>, vector<16xf32>,
        %get3A_723 = arith.index_cast %add3A_698 : i32 to index
        %get3A_724 = arith.constant 48 : index
        %get3A_725 = tpu.vector_load %arg8[%get3A_723, %get3A_724] {strides = array<i32>} : memref<104x128xf32, #tpu.memory_space<vmem>>, vector<16xf32>,
        %mul3A_726 = arith.mulf %broadcast_in_dim3A_701, %get3A_725 : vector<16xf32>
        %swap3A_727 = arith.index_cast %add3A_698 : i32 to index
        %swap3A_728 = arith.constant 48 : index
        %swap3A_729 = tpu.vector_load %arg10[%swap3A_727, %swap3A_728] {strides = array<i32>} : memref<104x64xf32, #tpu.memory_space<vmem>>, vector<16xf32>,
        tpu.vector_store %arg10[%swap3A_727, %swap3A_728], %mul3A_726 {strides = array<i32>} : memref<104x64xf32, #tpu.memory_space<vmem>>, vector<16xf32>,
        %mul3A_730 = arith.constant 16 : i32
        %mul3A_731 = arith.muli %scan3A_512, %mul3A_730 : i32
        %add3A_732 = arith.constant 6 : i32
        %add3A_733 = arith.addi %mul3A_731, %add3A_732 : i32
        %slice3A_734 = vector.extract_strided_slice %mul3A_519 {offsets = [6], sizes = [1], strides = [1]} : vector<16xf32> to vector<1xf32>
        %squeeze3A_735 = vector.extract %slice3A_734[0] : f32 from vector<1xf32>
        %broadcast_in_dim3A_736 = vector.broadcast %squeeze3A_735 : f32 to vector<16xf32>
        %get3A_737 = arith.index_cast %add3A_733 : i32 to index
        %get3A_738 = arith.constant 0 : index
        %get3A_739 = tpu.vector_load %arg8[%get3A_737, %get3A_738] {strides = array<i32>} : memref<104x128xf32, #tpu.memory_space<vmem>>, vector<16xf32>,
        %mul3A_740 = arith.mulf %broadcast_in_dim3A_736, %get3A_739 : vector<16xf32>
        %swap3A_741 = arith.index_cast %add3A_733 : i32 to index
        %swap3A_742 = arith.constant 0 : index
        %swap3A_743 = tpu.vector_load %arg10[%swap3A_741, %swap3A_742] {strides = array<i32>} : memref<104x64xf32, #tpu.memory_space<vmem>>, vector<16xf32>,
        tpu.vector_store %arg10[%swap3A_741, %swap3A_742], %mul3A_740 {strides = array<i32>} : memref<104x64xf32, #tpu.memory_space<vmem>>, vector<16xf32>,
        %get3A_744 = arith.index_cast %add3A_733 : i32 to index
        %get3A_745 = arith.constant 16 : index
        %get3A_746 = tpu.vector_load %arg8[%get3A_744, %get3A_745] {strides = array<i32>} : memref<104x128xf32, #tpu.memory_space<vmem>>, vector<16xf32>,
        %mul3A_747 = arith.mulf %broadcast_in_dim3A_736, %get3A_746 : vector<16xf32>
        %swap3A_748 = arith.index_cast %add3A_733 : i32 to index
        %swap3A_749 = arith.constant 16 : index
        %swap3A_750 = tpu.vector_load %arg10[%swap3A_748, %swap3A_749] {strides = array<i32>} : memref<104x64xf32, #tpu.memory_space<vmem>>, vector<16xf32>,
        tpu.vector_store %arg10[%swap3A_748, %swap3A_749], %mul3A_747 {strides = array<i32>} : memref<104x64xf32, #tpu.memory_space<vmem>>, vector<16xf32>,
        %get3A_751 = arith.index_cast %add3A_733 : i32 to index
        %get3A_752 = arith.constant 32 : index
        %get3A_753 = tpu.vector_load %arg8[%get3A_751, %get3A_752] {strides = array<i32>} : memref<104x128xf32, #tpu.memory_space<vmem>>, vector<16xf32>,
        %mul3A_754 = arith.mulf %broadcast_in_dim3A_736, %get3A_753 : vector<16xf32>
        %swap3A_755 = arith.index_cast %add3A_733 : i32 to index
        %swap3A_756 = arith.constant 32 : index
        %swap3A_757 = tpu.vector_load %arg10[%swap3A_755, %swap3A_756] {strides = array<i32>} : memref<104x64xf32, #tpu.memory_space<vmem>>, vector<16xf32>,
        tpu.vector_store %arg10[%swap3A_755, %swap3A_756], %mul3A_754 {strides = array<i32>} : memref<104x64xf32, #tpu.memory_space<vmem>>, vector<16xf32>,
        %get3A_758 = arith.index_cast %add3A_733 : i32 to index
        %get3A_759 = arith.constant 48 : index
        %get3A_760 = tpu.vector_load %arg8[%get3A_758, %get3A_759] {strides = array<i32>} : memref<104x128xf32, #tpu.memory_space<vmem>>, vector<16xf32>,
        %mul3A_761 = arith.mulf %broadcast_in_dim3A_736, %get3A_760 : vector<16xf32>
        %swap3A_762 = arith.index_cast %add3A_733 : i32 to index
        %swap3A_763 = arith.constant 48 : index
        %swap3A_764 = tpu.vector_load %arg10[%swap3A_762, %swap3A_763] {strides = array<i32>} : memref<104x64xf32, #tpu.memory_space<vmem>>, vector<16xf32>,
        tpu.vector_store %arg10[%swap3A_762, %swap3A_763], %mul3A_761 {strides = array<i32>} : memref<104x64xf32, #tpu.memory_space<vmem>>, vector<16xf32>,
        %mul3A_765 = arith.constant 16 : i32
        %mul3A_766 = arith.muli %scan3A_512, %mul3A_765 : i32
        %add3A_767 = arith.constant 7 : i32
        %add3A_768 = arith.addi %mul3A_766, %add3A_767 : i32
        %slice3A_769 = vector.extract_strided_slice %mul3A_519 {offsets = [7], sizes = [1], strides = [1]} : vector<16xf32> to vector<1xf32>
        %squeeze3A_770 = vector.extract %slice3A_769[0] : f32 from vector<1xf32>
        %broadcast_in_dim3A_771 = vector.broadcast %squeeze3A_770 : f32 to vector<16xf32>
        %get3A_772 = arith.index_cast %add3A_768 : i32 to index
        %get3A_773 = arith.constant 0 : index
        %get3A_774 = tpu.vector_load %arg8[%get3A_772, %get3A_773] {strides = array<i32>} : memref<104x128xf32, #tpu.memory_space<vmem>>, vector<16xf32>,
        %mul3A_775 = arith.mulf %broadcast_in_dim3A_771, %get3A_774 : vector<16xf32>
        %swap3A_776 = arith.index_cast %add3A_768 : i32 to index
        %swap3A_777 = arith.constant 0 : index
        %swap3A_778 = tpu.vector_load %arg10[%swap3A_776, %swap3A_777] {strides = array<i32>} : memref<104x64xf32, #tpu.memory_space<vmem>>, vector<16xf32>,
        tpu.vector_store %arg10[%swap3A_776, %swap3A_777], %mul3A_775 {strides = array<i32>} : memref<104x64xf32, #tpu.memory_space<vmem>>, vector<16xf32>,
        %get3A_779 = arith.index_cast %add3A_768 : i32 to index
        %get3A_780 = arith.constant 16 : index
        %get3A_781 = tpu.vector_load %arg8[%get3A_779, %get3A_780] {strides = array<i32>} : memref<104x128xf32, #tpu.memory_space<vmem>>, vector<16xf32>,
        %mul3A_782 = arith.mulf %broadcast_in_dim3A_771, %get3A_781 : vector<16xf32>
        %swap3A_783 = arith.index_cast %add3A_768 : i32 to index
        %swap3A_784 = arith.constant 16 : index
        %swap3A_785 = tpu.vector_load %arg10[%swap3A_783, %swap3A_784] {strides = array<i32>} : memref<104x64xf32, #tpu.memory_space<vmem>>, vector<16xf32>,
        tpu.vector_store %arg10[%swap3A_783, %swap3A_784], %mul3A_782 {strides = array<i32>} : memref<104x64xf32, #tpu.memory_space<vmem>>, vector<16xf32>,
        %get3A_786 = arith.index_cast %add3A_768 : i32 to index
        %get3A_787 = arith.constant 32 : index
        %get3A_788 = tpu.vector_load %arg8[%get3A_786, %get3A_787] {strides = array<i32>} : memref<104x128xf32, #tpu.memory_space<vmem>>, vector<16xf32>,
        %mul3A_789 = arith.mulf %broadcast_in_dim3A_771, %get3A_788 : vector<16xf32>
        %swap3A_790 = arith.index_cast %add3A_768 : i32 to index
        %swap3A_791 = arith.constant 32 : index
        %swap3A_792 = tpu.vector_load %arg10[%swap3A_790, %swap3A_791] {strides = array<i32>} : memref<104x64xf32, #tpu.memory_space<vmem>>, vector<16xf32>,
        tpu.vector_store %arg10[%swap3A_790, %swap3A_791], %mul3A_789 {strides = array<i32>} : memref<104x64xf32, #tpu.memory_space<vmem>>, vector<16xf32>,
        %get3A_793 = arith.index_cast %add3A_768 : i32 to index
        %get3A_794 = arith.constant 48 : index
        %get3A_795 = tpu.vector_load %arg8[%get3A_793, %get3A_794] {strides = array<i32>} : memref<104x128xf32, #tpu.memory_space<vmem>>, vector<16xf32>,
        %mul3A_796 = arith.mulf %broadcast_in_dim3A_771, %get3A_795 : vector<16xf32>
        %swap3A_797 = arith.index_cast %add3A_768 : i32 to index
        %swap3A_798 = arith.constant 48 : index
        %swap3A_799 = tpu.vector_load %arg10[%swap3A_797, %swap3A_798] {strides = array<i32>} : memref<104x64xf32, #tpu.memory_space<vmem>>, vector<16xf32>,
        tpu.vector_store %arg10[%swap3A_797, %swap3A_798], %mul3A_796 {strides = array<i32>} : memref<104x64xf32, #tpu.memory_space<vmem>>, vector<16xf32>,
        %mul3A_800 = arith.constant 16 : i32
        %mul3A_801 = arith.muli %scan3A_512, %mul3A_800 : i32
        %add3A_802 = arith.constant 8 : i32
        %add3A_803 = arith.addi %mul3A_801, %add3A_802 : i32
        %slice3A_804 = vector.extract_strided_slice %mul3A_519 {offsets = [8], sizes = [1], strides = [1]} : vector<16xf32> to vector<1xf32>
        %squeeze3A_805 = vector.extract %slice3A_804[0] : f32 from vector<1xf32>
        %broadcast_in_dim3A_806 = vector.broadcast %squeeze3A_805 : f32 to vector<16xf32>
        %get3A_807 = arith.index_cast %add3A_803 : i32 to index
        %get3A_808 = arith.constant 0 : index
        %get3A_809 = tpu.vector_load %arg8[%get3A_807, %get3A_808] {strides = array<i32>} : memref<104x128xf32, #tpu.memory_space<vmem>>, vector<16xf32>,
        %mul3A_810 = arith.mulf %broadcast_in_dim3A_806, %get3A_809 : vector<16xf32>
        %swap3A_811 = arith.index_cast %add3A_803 : i32 to index
        %swap3A_812 = arith.constant 0 : index
        %swap3A_813 = tpu.vector_load %arg10[%swap3A_811, %swap3A_812] {strides = array<i32>} : memref<104x64xf32, #tpu.memory_space<vmem>>, vector<16xf32>,
        tpu.vector_store %arg10[%swap3A_811, %swap3A_812], %mul3A_810 {strides = array<i32>} : memref<104x64xf32, #tpu.memory_space<vmem>>, vector<16xf32>,
        %get3A_814 = arith.index_cast %add3A_803 : i32 to index
        %get3A_815 = arith.constant 16 : index
        %get3A_816 = tpu.vector_load %arg8[%get3A_814, %get3A_815] {strides = array<i32>} : memref<104x128xf32, #tpu.memory_space<vmem>>, vector<16xf32>,
        %mul3A_817 = arith.mulf %broadcast_in_dim3A_806, %get3A_816 : vector<16xf32>
        %swap3A_818 = arith.index_cast %add3A_803 : i32 to index
        %swap3A_819 = arith.constant 16 : index
        %swap3A_820 = tpu.vector_load %arg10[%swap3A_818, %swap3A_819] {strides = array<i32>} : memref<104x64xf32, #tpu.memory_space<vmem>>, vector<16xf32>,
        tpu.vector_store %arg10[%swap3A_818, %swap3A_819], %mul3A_817 {strides = array<i32>} : memref<104x64xf32, #tpu.memory_space<vmem>>, vector<16xf32>,
        %get3A_821 = arith.index_cast %add3A_803 : i32 to index
        %get3A_822 = arith.constant 32 : index
        %get3A_823 = tpu.vector_load %arg8[%get3A_821, %get3A_822] {strides = array<i32>} : memref<104x128xf32, #tpu.memory_space<vmem>>, vector<16xf32>,
        %mul3A_824 = arith.mulf %broadcast_in_dim3A_806, %get3A_823 : vector<16xf32>
        %swap3A_825 = arith.index_cast %add3A_803 : i32 to index
        %swap3A_826 = arith.constant 32 : index
        %swap3A_827 = tpu.vector_load %arg10[%swap3A_825, %swap3A_826] {strides = array<i32>} : memref<104x64xf32, #tpu.memory_space<vmem>>, vector<16xf32>,
        tpu.vector_store %arg10[%swap3A_825, %swap3A_826], %mul3A_824 {strides = array<i32>} : memref<104x64xf32, #tpu.memory_space<vmem>>, vector<16xf32>,
        %get3A_828 = arith.index_cast %add3A_803 : i32 to index
        %get3A_829 = arith.constant 48 : index
        %get3A_830 = tpu.vector_load %arg8[%get3A_828, %get3A_829] {strides = array<i32>} : memref<104x128xf32, #tpu.memory_space<vmem>>, vector<16xf32>,
        %mul3A_831 = arith.mulf %broadcast_in_dim3A_806, %get3A_830 : vector<16xf32>
        %swap3A_832 = arith.index_cast %add3A_803 : i32 to index
        %swap3A_833 = arith.constant 48 : index
        %swap3A_834 = tpu.vector_load %arg10[%swap3A_832, %swap3A_833] {strides = array<i32>} : memref<104x64xf32, #tpu.memory_space<vmem>>, vector<16xf32>,
        tpu.vector_store %arg10[%swap3A_832, %swap3A_833], %mul3A_831 {strides = array<i32>} : memref<104x64xf32, #tpu.memory_space<vmem>>, vector<16xf32>,
        %mul3A_835 = arith.constant 16 : i32
        %mul3A_836 = arith.muli %scan3A_512, %mul3A_835 : i32
        %add3A_837 = arith.constant 9 : i32
        %add3A_838 = arith.addi %mul3A_836, %add3A_837 : i32
        %slice3A_839 = vector.extract_strided_slice %mul3A_519 {offsets = [9], sizes = [1], strides = [1]} : vector<16xf32> to vector<1xf32>
        %squeeze3A_840 = vector.extract %slice3A_839[0] : f32 from vector<1xf32>
        %broadcast_in_dim3A_841 = vector.broadcast %squeeze3A_840 : f32 to vector<16xf32>
        %get3A_842 = arith.index_cast %add3A_838 : i32 to index
        %get3A_843 = arith.constant 0 : index
        %get3A_844 = tpu.vector_load %arg8[%get3A_842, %get3A_843] {strides = array<i32>} : memref<104x128xf32, #tpu.memory_space<vmem>>, vector<16xf32>,
        %mul3A_845 = arith.mulf %broadcast_in_dim3A_841, %get3A_844 : vector<16xf32>
        %swap3A_846 = arith.index_cast %add3A_838 : i32 to index
        %swap3A_847 = arith.constant 0 : index
        %swap3A_848 = tpu.vector_load %arg10[%swap3A_846, %swap3A_847] {strides = array<i32>} : memref<104x64xf32, #tpu.memory_space<vmem>>, vector<16xf32>,
        tpu.vector_store %arg10[%swap3A_846, %swap3A_847], %mul3A_845 {strides = array<i32>} : memref<104x64xf32, #tpu.memory_space<vmem>>, vector<16xf32>,
        %get3A_849 = arith.index_cast %add3A_838 : i32 to index
        %get3A_850 = arith.constant 16 : index
        %get3A_851 = tpu.vector_load %arg8[%get3A_849, %get3A_850] {strides = array<i32>} : memref<104x128xf32, #tpu.memory_space<vmem>>, vector<16xf32>,
        %mul3A_852 = arith.mulf %broadcast_in_dim3A_841, %get3A_851 : vector<16xf32>
        %swap3A_853 = arith.index_cast %add3A_838 : i32 to index
        %swap3A_854 = arith.constant 16 : index
        %swap3A_855 = tpu.vector_load %arg10[%swap3A_853, %swap3A_854] {strides = array<i32>} : memref<104x64xf32, #tpu.memory_space<vmem>>, vector<16xf32>,
        tpu.vector_store %arg10[%swap3A_853, %swap3A_854], %mul3A_852 {strides = array<i32>} : memref<104x64xf32, #tpu.memory_space<vmem>>, vector<16xf32>,
        %get3A_856 = arith.index_cast %add3A_838 : i32 to index
        %get3A_857 = arith.constant 32 : index
        %get3A_858 = tpu.vector_load %arg8[%get3A_856, %get3A_857] {strides = array<i32>} : memref<104x128xf32, #tpu.memory_space<vmem>>, vector<16xf32>,
        %mul3A_859 = arith.mulf %broadcast_in_dim3A_841, %get3A_858 : vector<16xf32>
        %swap3A_860 = arith.index_cast %add3A_838 : i32 to index
        %swap3A_861 = arith.constant 32 : index
        %swap3A_862 = tpu.vector_load %arg10[%swap3A_860, %swap3A_861] {strides = array<i32>} : memref<104x64xf32, #tpu.memory_space<vmem>>, vector<16xf32>,
        tpu.vector_store %arg10[%swap3A_860, %swap3A_861], %mul3A_859 {strides = array<i32>} : memref<104x64xf32, #tpu.memory_space<vmem>>, vector<16xf32>,
        %get3A_863 = arith.index_cast %add3A_838 : i32 to index
        %get3A_864 = arith.constant 48 : index
        %get3A_865 = tpu.vector_load %arg8[%get3A_863, %get3A_864] {strides = array<i32>} : memref<104x128xf32, #tpu.memory_space<vmem>>, vector<16xf32>,
        %mul3A_866 = arith.mulf %broadcast_in_dim3A_841, %get3A_865 : vector<16xf32>
        %swap3A_867 = arith.index_cast %add3A_838 : i32 to index
        %swap3A_868 = arith.constant 48 : index
        %swap3A_869 = tpu.vector_load %arg10[%swap3A_867, %swap3A_868] {strides = array<i32>} : memref<104x64xf32, #tpu.memory_space<vmem>>, vector<16xf32>,
        tpu.vector_store %arg10[%swap3A_867, %swap3A_868], %mul3A_866 {strides = array<i32>} : memref<104x64xf32, #tpu.memory_space<vmem>>, vector<16xf32>,
        %mul3A_870 = arith.constant 16 : i32
        %mul3A_871 = arith.muli %scan3A_512, %mul3A_870 : i32
        %add3A_872 = arith.constant 10 : i32
        %add3A_873 = arith.addi %mul3A_871, %add3A_872 : i32
        %slice3A_874 = vector.extract_strided_slice %mul3A_519 {offsets = [10], sizes = [1], strides = [1]} : vector<16xf32> to vector<1xf32>
        %squeeze3A_875 = vector.extract %slice3A_874[0] : f32 from vector<1xf32>
        %broadcast_in_dim3A_876 = vector.broadcast %squeeze3A_875 : f32 to vector<16xf32>
        %get3A_877 = arith.index_cast %add3A_873 : i32 to index
        %get3A_878 = arith.constant 0 : index
        %get3A_879 = tpu.vector_load %arg8[%get3A_877, %get3A_878] {strides = array<i32>} : memref<104x128xf32, #tpu.memory_space<vmem>>, vector<16xf32>,
        %mul3A_880 = arith.mulf %broadcast_in_dim3A_876, %get3A_879 : vector<16xf32>
        %swap3A_881 = arith.index_cast %add3A_873 : i32 to index
        %swap3A_882 = arith.constant 0 : index
        %swap3A_883 = tpu.vector_load %arg10[%swap3A_881, %swap3A_882] {strides = array<i32>} : memref<104x64xf32, #tpu.memory_space<vmem>>, vector<16xf32>,
        tpu.vector_store %arg10[%swap3A_881, %swap3A_882], %mul3A_880 {strides = array<i32>} : memref<104x64xf32, #tpu.memory_space<vmem>>, vector<16xf32>,
        %get3A_884 = arith.index_cast %add3A_873 : i32 to index
        %get3A_885 = arith.constant 16 : index
        %get3A_886 = tpu.vector_load %arg8[%get3A_884, %get3A_885] {strides = array<i32>} : memref<104x128xf32, #tpu.memory_space<vmem>>, vector<16xf32>,
        %mul3A_887 = arith.mulf %broadcast_in_dim3A_876, %get3A_886 : vector<16xf32>
        %swap3A_888 = arith.index_cast %add3A_873 : i32 to index
        %swap3A_889 = arith.constant 16 : index
        %swap3A_890 = tpu.vector_load %arg10[%swap3A_888, %swap3A_889] {strides = array<i32>} : memref<104x64xf32, #tpu.memory_space<vmem>>, vector<16xf32>,
        tpu.vector_store %arg10[%swap3A_888, %swap3A_889], %mul3A_887 {strides = array<i32>} : memref<104x64xf32, #tpu.memory_space<vmem>>, vector<16xf32>,
        %get3A_891 = arith.index_cast %add3A_873 : i32 to index
        %get3A_892 = arith.constant 32 : index
        %get3A_893 = tpu.vector_load %arg8[%get3A_891, %get3A_892] {strides = array<i32>} : memref<104x128xf32, #tpu.memory_space<vmem>>, vector<16xf32>,
        %mul3A_894 = arith.mulf %broadcast_in_dim3A_876, %get3A_893 : vector<16xf32>
        %swap3A_895 = arith.index_cast %add3A_873 : i32 to index
        %swap3A_896 = arith.constant 32 : index
        %swap3A_897 = tpu.vector_load %arg10[%swap3A_895, %swap3A_896] {strides = array<i32>} : memref<104x64xf32, #tpu.memory_space<vmem>>, vector<16xf32>,
        tpu.vector_store %arg10[%swap3A_895, %swap3A_896], %mul3A_894 {strides = array<i32>} : memref<104x64xf32, #tpu.memory_space<vmem>>, vector<16xf32>,
        %get3A_898 = arith.index_cast %add3A_873 : i32 to index
        %get3A_899 = arith.constant 48 : index
        %get3A_900 = tpu.vector_load %arg8[%get3A_898, %get3A_899] {strides = array<i32>} : memref<104x128xf32, #tpu.memory_space<vmem>>, vector<16xf32>,
        %mul3A_901 = arith.mulf %broadcast_in_dim3A_876, %get3A_900 : vector<16xf32>
        %swap3A_902 = arith.index_cast %add3A_873 : i32 to index
        %swap3A_903 = arith.constant 48 : index
        %swap3A_904 = tpu.vector_load %arg10[%swap3A_902, %swap3A_903] {strides = array<i32>} : memref<104x64xf32, #tpu.memory_space<vmem>>, vector<16xf32>,
        tpu.vector_store %arg10[%swap3A_902, %swap3A_903], %mul3A_901 {strides = array<i32>} : memref<104x64xf32, #tpu.memory_space<vmem>>, vector<16xf32>,
        %mul3A_905 = arith.constant 16 : i32
        %mul3A_906 = arith.muli %scan3A_512, %mul3A_905 : i32
        %add3A_907 = arith.constant 11 : i32
        %add3A_908 = arith.addi %mul3A_906, %add3A_907 : i32
        %slice3A_909 = vector.extract_strided_slice %mul3A_519 {offsets = [11], sizes = [1], strides = [1]} : vector<16xf32> to vector<1xf32>
        %squeeze3A_910 = vector.extract %slice3A_909[0] : f32 from vector<1xf32>
        %broadcast_in_dim3A_911 = vector.broadcast %squeeze3A_910 : f32 to vector<16xf32>
        %get3A_912 = arith.index_cast %add3A_908 : i32 to index
        %get3A_913 = arith.constant 0 : index
        %get3A_914 = tpu.vector_load %arg8[%get3A_912, %get3A_913] {strides = array<i32>} : memref<104x128xf32, #tpu.memory_space<vmem>>, vector<16xf32>,
        %mul3A_915 = arith.mulf %broadcast_in_dim3A_911, %get3A_914 : vector<16xf32>
        %swap3A_916 = arith.index_cast %add3A_908 : i32 to index
        %swap3A_917 = arith.constant 0 : index
        %swap3A_918 = tpu.vector_load %arg10[%swap3A_916, %swap3A_917] {strides = array<i32>} : memref<104x64xf32, #tpu.memory_space<vmem>>, vector<16xf32>,
        tpu.vector_store %arg10[%swap3A_916, %swap3A_917], %mul3A_915 {strides = array<i32>} : memref<104x64xf32, #tpu.memory_space<vmem>>, vector<16xf32>,
        %get3A_919 = arith.index_cast %add3A_908 : i32 to index
        %get3A_920 = arith.constant 16 : index
        %get3A_921 = tpu.vector_load %arg8[%get3A_919, %get3A_920] {strides = array<i32>} : memref<104x128xf32, #tpu.memory_space<vmem>>, vector<16xf32>,
        %mul3A_922 = arith.mulf %broadcast_in_dim3A_911, %get3A_921 : vector<16xf32>
        %swap3A_923 = arith.index_cast %add3A_908 : i32 to index
        %swap3A_924 = arith.constant 16 : index
        %swap3A_925 = tpu.vector_load %arg10[%swap3A_923, %swap3A_924] {strides = array<i32>} : memref<104x64xf32, #tpu.memory_space<vmem>>, vector<16xf32>,
        tpu.vector_store %arg10[%swap3A_923, %swap3A_924], %mul3A_922 {strides = array<i32>} : memref<104x64xf32, #tpu.memory_space<vmem>>, vector<16xf32>,
        %get3A_926 = arith.index_cast %add3A_908 : i32 to index
        %get3A_927 = arith.constant 32 : index
        %get3A_928 = tpu.vector_load %arg8[%get3A_926, %get3A_927] {strides = array<i32>} : memref<104x128xf32, #tpu.memory_space<vmem>>, vector<16xf32>,
        %mul3A_929 = arith.mulf %broadcast_in_dim3A_911, %get3A_928 : vector<16xf32>
        %swap3A_930 = arith.index_cast %add3A_908 : i32 to index
        %swap3A_931 = arith.constant 32 : index
        %swap3A_932 = tpu.vector_load %arg10[%swap3A_930, %swap3A_931] {strides = array<i32>} : memref<104x64xf32, #tpu.memory_space<vmem>>, vector<16xf32>,
        tpu.vector_store %arg10[%swap3A_930, %swap3A_931], %mul3A_929 {strides = array<i32>} : memref<104x64xf32, #tpu.memory_space<vmem>>, vector<16xf32>,
        %get3A_933 = arith.index_cast %add3A_908 : i32 to index
        %get3A_934 = arith.constant 48 : index
        %get3A_935 = tpu.vector_load %arg8[%get3A_933, %get3A_934] {strides = array<i32>} : memref<104x128xf32, #tpu.memory_space<vmem>>, vector<16xf32>,
        %mul3A_936 = arith.mulf %broadcast_in_dim3A_911, %get3A_935 : vector<16xf32>
        %swap3A_937 = arith.index_cast %add3A_908 : i32 to index
        %swap3A_938 = arith.constant 48 : index
        %swap3A_939 = tpu.vector_load %arg10[%swap3A_937, %swap3A_938] {strides = array<i32>} : memref<104x64xf32, #tpu.memory_space<vmem>>, vector<16xf32>,
        tpu.vector_store %arg10[%swap3A_937, %swap3A_938], %mul3A_936 {strides = array<i32>} : memref<104x64xf32, #tpu.memory_space<vmem>>, vector<16xf32>,
        %mul3A_940 = arith.constant 16 : i32
        %mul3A_941 = arith.muli %scan3A_512, %mul3A_940 : i32
        %add3A_942 = arith.constant 12 : i32
        %add3A_943 = arith.addi %mul3A_941, %add3A_942 : i32
        %slice3A_944 = vector.extract_strided_slice %mul3A_519 {offsets = [12], sizes = [1], strides = [1]} : vector<16xf32> to vector<1xf32>
        %squeeze3A_945 = vector.extract %slice3A_944[0] : f32 from vector<1xf32>
        %broadcast_in_dim3A_946 = vector.broadcast %squeeze3A_945 : f32 to vector<16xf32>
        %get3A_947 = arith.index_cast %add3A_943 : i32 to index
        %get3A_948 = arith.constant 0 : index
        %get3A_949 = tpu.vector_load %arg8[%get3A_947, %get3A_948] {strides = array<i32>} : memref<104x128xf32, #tpu.memory_space<vmem>>, vector<16xf32>,
        %mul3A_950 = arith.mulf %broadcast_in_dim3A_946, %get3A_949 : vector<16xf32>
        %swap3A_951 = arith.index_cast %add3A_943 : i32 to index
        %swap3A_952 = arith.constant 0 : index
        %swap3A_953 = tpu.vector_load %arg10[%swap3A_951, %swap3A_952] {strides = array<i32>} : memref<104x64xf32, #tpu.memory_space<vmem>>, vector<16xf32>,
        tpu.vector_store %arg10[%swap3A_951, %swap3A_952], %mul3A_950 {strides = array<i32>} : memref<104x64xf32, #tpu.memory_space<vmem>>, vector<16xf32>,
        %get3A_954 = arith.index_cast %add3A_943 : i32 to index
        %get3A_955 = arith.constant 16 : index
        %get3A_956 = tpu.vector_load %arg8[%get3A_954, %get3A_955] {strides = array<i32>} : memref<104x128xf32, #tpu.memory_space<vmem>>, vector<16xf32>,
        %mul3A_957 = arith.mulf %broadcast_in_dim3A_946, %get3A_956 : vector<16xf32>
        %swap3A_958 = arith.index_cast %add3A_943 : i32 to index
        %swap3A_959 = arith.constant 16 : index
        %swap3A_960 = tpu.vector_load %arg10[%swap3A_958, %swap3A_959] {strides = array<i32>} : memref<104x64xf32, #tpu.memory_space<vmem>>, vector<16xf32>,
        tpu.vector_store %arg10[%swap3A_958, %swap3A_959], %mul3A_957 {strides = array<i32>} : memref<104x64xf32, #tpu.memory_space<vmem>>, vector<16xf32>,
        %get3A_961 = arith.index_cast %add3A_943 : i32 to index
        %get3A_962 = arith.constant 32 : index
        %get3A_963 = tpu.vector_load %arg8[%get3A_961, %get3A_962] {strides = array<i32>} : memref<104x128xf32, #tpu.memory_space<vmem>>, vector<16xf32>,
        %mul3A_964 = arith.mulf %broadcast_in_dim3A_946, %get3A_963 : vector<16xf32>
        %swap3A_965 = arith.index_cast %add3A_943 : i32 to index
        %swap3A_966 = arith.constant 32 : index
        %swap3A_967 = tpu.vector_load %arg10[%swap3A_965, %swap3A_966] {strides = array<i32>} : memref<104x64xf32, #tpu.memory_space<vmem>>, vector<16xf32>,
        tpu.vector_store %arg10[%swap3A_965, %swap3A_966], %mul3A_964 {strides = array<i32>} : memref<104x64xf32, #tpu.memory_space<vmem>>, vector<16xf32>,
        %get3A_968 = arith.index_cast %add3A_943 : i32 to index
        %get3A_969 = arith.constant 48 : index
        %get3A_970 = tpu.vector_load %arg8[%get3A_968, %get3A_969] {strides = array<i32>} : memref<104x128xf32, #tpu.memory_space<vmem>>, vector<16xf32>,
        %mul3A_971 = arith.mulf %broadcast_in_dim3A_946, %get3A_970 : vector<16xf32>
        %swap3A_972 = arith.index_cast %add3A_943 : i32 to index
        %swap3A_973 = arith.constant 48 : index
        %swap3A_974 = tpu.vector_load %arg10[%swap3A_972, %swap3A_973] {strides = array<i32>} : memref<104x64xf32, #tpu.memory_space<vmem>>, vector<16xf32>,
        tpu.vector_store %arg10[%swap3A_972, %swap3A_973], %mul3A_971 {strides = array<i32>} : memref<104x64xf32, #tpu.memory_space<vmem>>, vector<16xf32>,
        %mul3A_975 = arith.constant 16 : i32
        %mul3A_976 = arith.muli %scan3A_512, %mul3A_975 : i32
        %add3A_977 = arith.constant 13 : i32
        %add3A_978 = arith.addi %mul3A_976, %add3A_977 : i32
        %slice3A_979 = vector.extract_strided_slice %mul3A_519 {offsets = [13], sizes = [1], strides = [1]} : vector<16xf32> to vector<1xf32>
        %squeeze3A_980 = vector.extract %slice3A_979[0] : f32 from vector<1xf32>
        %broadcast_in_dim3A_981 = vector.broadcast %squeeze3A_980 : f32 to vector<16xf32>
        %get3A_982 = arith.index_cast %add3A_978 : i32 to index
        %get3A_983 = arith.constant 0 : index
        %get3A_984 = tpu.vector_load %arg8[%get3A_982, %get3A_983] {strides = array<i32>} : memref<104x128xf32, #tpu.memory_space<vmem>>, vector<16xf32>,
        %mul3A_985 = arith.mulf %broadcast_in_dim3A_981, %get3A_984 : vector<16xf32>
        %swap3A_986 = arith.index_cast %add3A_978 : i32 to index
        %swap3A_987 = arith.constant 0 : index
        %swap3A_988 = tpu.vector_load %arg10[%swap3A_986, %swap3A_987] {strides = array<i32>} : memref<104x64xf32, #tpu.memory_space<vmem>>, vector<16xf32>,
        tpu.vector_store %arg10[%swap3A_986, %swap3A_987], %mul3A_985 {strides = array<i32>} : memref<104x64xf32, #tpu.memory_space<vmem>>, vector<16xf32>,
        %get3A_989 = arith.index_cast %add3A_978 : i32 to index
        %get3A_990 = arith.constant 16 : index
        %get3A_991 = tpu.vector_load %arg8[%get3A_989, %get3A_990] {strides = array<i32>} : memref<104x128xf32, #tpu.memory_space<vmem>>, vector<16xf32>,
        %mul3A_992 = arith.mulf %broadcast_in_dim3A_981, %get3A_991 : vector<16xf32>
        %swap3A_993 = arith.index_cast %add3A_978 : i32 to index
        %swap3A_994 = arith.constant 16 : index
        %swap3A_995 = tpu.vector_load %arg10[%swap3A_993, %swap3A_994] {strides = array<i32>} : memref<104x64xf32, #tpu.memory_space<vmem>>, vector<16xf32>,
        tpu.vector_store %arg10[%swap3A_993, %swap3A_994], %mul3A_992 {strides = array<i32>} : memref<104x64xf32, #tpu.memory_space<vmem>>, vector<16xf32>,
        %get3A_996 = arith.index_cast %add3A_978 : i32 to index
        %get3A_997 = arith.constant 32 : index
        %get3A_998 = tpu.vector_load %arg8[%get3A_996, %get3A_997] {strides = array<i32>} : memref<104x128xf32, #tpu.memory_space<vmem>>, vector<16xf32>,
        %mul3A_999 = arith.mulf %broadcast_in_dim3A_981, %get3A_998 : vector<16xf32>
        %swap3A_1000 = arith.index_cast %add3A_978 : i32 to index
        %swap3A_1001 = arith.constant 32 : index
        %swap3A_1002 = tpu.vector_load %arg10[%swap3A_1000, %swap3A_1001] {strides = array<i32>} : memref<104x64xf32, #tpu.memory_space<vmem>>, vector<16xf32>,
        tpu.vector_store %arg10[%swap3A_1000, %swap3A_1001], %mul3A_999 {strides = array<i32>} : memref<104x64xf32, #tpu.memory_space<vmem>>, vector<16xf32>,
        %get3A_1003 = arith.index_cast %add3A_978 : i32 to index
        %get3A_1004 = arith.constant 48 : index
        %get3A_1005 = tpu.vector_load %arg8[%get3A_1003, %get3A_1004] {strides = array<i32>} : memref<104x128xf32, #tpu.memory_space<vmem>>, vector<16xf32>,
        %mul3A_1006 = arith.mulf %broadcast_in_dim3A_981, %get3A_1005 : vector<16xf32>
        %swap3A_1007 = arith.index_cast %add3A_978 : i32 to index
        %swap3A_1008 = arith.constant 48 : index
        %swap3A_1009 = tpu.vector_load %arg10[%swap3A_1007, %swap3A_1008] {strides = array<i32>} : memref<104x64xf32, #tpu.memory_space<vmem>>, vector<16xf32>,
        tpu.vector_store %arg10[%swap3A_1007, %swap3A_1008], %mul3A_1006 {strides = array<i32>} : memref<104x64xf32, #tpu.memory_space<vmem>>, vector<16xf32>,
        %mul3A_1010 = arith.constant 16 : i32
        %mul3A_1011 = arith.muli %scan3A_512, %mul3A_1010 : i32
        %add3A_1012 = arith.constant 14 : i32
        %add3A_1013 = arith.addi %mul3A_1011, %add3A_1012 : i32
        %slice3A_1014 = vector.extract_strided_slice %mul3A_519 {offsets = [14], sizes = [1], strides = [1]} : vector<16xf32> to vector<1xf32>
        %squeeze3A_1015 = vector.extract %slice3A_1014[0] : f32 from vector<1xf32>
        %broadcast_in_dim3A_1016 = vector.broadcast %squeeze3A_1015 : f32 to vector<16xf32>
        %get3A_1017 = arith.index_cast %add3A_1013 : i32 to index
        %get3A_1018 = arith.constant 0 : index
        %get3A_1019 = tpu.vector_load %arg8[%get3A_1017, %get3A_1018] {strides = array<i32>} : memref<104x128xf32, #tpu.memory_space<vmem>>, vector<16xf32>,
        %mul3A_1020 = arith.mulf %broadcast_in_dim3A_1016, %get3A_1019 : vector<16xf32>
        %swap3A_1021 = arith.index_cast %add3A_1013 : i32 to index
        %swap3A_1022 = arith.constant 0 : index
        %swap3A_1023 = tpu.vector_load %arg10[%swap3A_1021, %swap3A_1022] {strides = array<i32>} : memref<104x64xf32, #tpu.memory_space<vmem>>, vector<16xf32>,
        tpu.vector_store %arg10[%swap3A_1021, %swap3A_1022], %mul3A_1020 {strides = array<i32>} : memref<104x64xf32, #tpu.memory_space<vmem>>, vector<16xf32>,
        %get3A_1024 = arith.index_cast %add3A_1013 : i32 to index
        %get3A_1025 = arith.constant 16 : index
        %get3A_1026 = tpu.vector_load %arg8[%get3A_1024, %get3A_1025] {strides = array<i32>} : memref<104x128xf32, #tpu.memory_space<vmem>>, vector<16xf32>,
        %mul3A_1027 = arith.mulf %broadcast_in_dim3A_1016, %get3A_1026 : vector<16xf32>
        %swap3A_1028 = arith.index_cast %add3A_1013 : i32 to index
        %swap3A_1029 = arith.constant 16 : index
        %swap3A_1030 = tpu.vector_load %arg10[%swap3A_1028, %swap3A_1029] {strides = array<i32>} : memref<104x64xf32, #tpu.memory_space<vmem>>, vector<16xf32>,
        tpu.vector_store %arg10[%swap3A_1028, %swap3A_1029], %mul3A_1027 {strides = array<i32>} : memref<104x64xf32, #tpu.memory_space<vmem>>, vector<16xf32>,
        %get3A_1031 = arith.index_cast %add3A_1013 : i32 to index
        %get3A_1032 = arith.constant 32 : index
        %get3A_1033 = tpu.vector_load %arg8[%get3A_1031, %get3A_1032] {strides = array<i32>} : memref<104x128xf32, #tpu.memory_space<vmem>>, vector<16xf32>,
        %mul3A_1034 = arith.mulf %broadcast_in_dim3A_1016, %get3A_1033 : vector<16xf32>
        %swap3A_1035 = arith.index_cast %add3A_1013 : i32 to index
        %swap3A_1036 = arith.constant 32 : index
        %swap3A_1037 = tpu.vector_load %arg10[%swap3A_1035, %swap3A_1036] {strides = array<i32>} : memref<104x64xf32, #tpu.memory_space<vmem>>, vector<16xf32>,
        tpu.vector_store %arg10[%swap3A_1035, %swap3A_1036], %mul3A_1034 {strides = array<i32>} : memref<104x64xf32, #tpu.memory_space<vmem>>, vector<16xf32>,
        %get3A_1038 = arith.index_cast %add3A_1013 : i32 to index
        %get3A_1039 = arith.constant 48 : index
        %get3A_1040 = tpu.vector_load %arg8[%get3A_1038, %get3A_1039] {strides = array<i32>} : memref<104x128xf32, #tpu.memory_space<vmem>>, vector<16xf32>,
        %mul3A_1041 = arith.mulf %broadcast_in_dim3A_1016, %get3A_1040 : vector<16xf32>
        %swap3A_1042 = arith.index_cast %add3A_1013 : i32 to index
        %swap3A_1043 = arith.constant 48 : index
        %swap3A_1044 = tpu.vector_load %arg10[%swap3A_1042, %swap3A_1043] {strides = array<i32>} : memref<104x64xf32, #tpu.memory_space<vmem>>, vector<16xf32>,
        tpu.vector_store %arg10[%swap3A_1042, %swap3A_1043], %mul3A_1041 {strides = array<i32>} : memref<104x64xf32, #tpu.memory_space<vmem>>, vector<16xf32>,
        %mul3A_1045 = arith.constant 16 : i32
        %mul3A_1046 = arith.muli %scan3A_512, %mul3A_1045 : i32
        %add3A_1047 = arith.constant 15 : i32
        %add3A_1048 = arith.addi %mul3A_1046, %add3A_1047 : i32
        %slice3A_1049 = vector.extract_strided_slice %mul3A_519 {offsets = [15], sizes = [1], strides = [1]} : vector<16xf32> to vector<1xf32>
        %squeeze3A_1050 = vector.extract %slice3A_1049[0] : f32 from vector<1xf32>
        %broadcast_in_dim3A_1051 = vector.broadcast %squeeze3A_1050 : f32 to vector<16xf32>
        %get3A_1052 = arith.index_cast %add3A_1048 : i32 to index
        %get3A_1053 = arith.constant 0 : index
        %get3A_1054 = tpu.vector_load %arg8[%get3A_1052, %get3A_1053] {strides = array<i32>} : memref<104x128xf32, #tpu.memory_space<vmem>>, vector<16xf32>,
        %mul3A_1055 = arith.mulf %broadcast_in_dim3A_1051, %get3A_1054 : vector<16xf32>
        %swap3A_1056 = arith.index_cast %add3A_1048 : i32 to index
        %swap3A_1057 = arith.constant 0 : index
        %swap3A_1058 = tpu.vector_load %arg10[%swap3A_1056, %swap3A_1057] {strides = array<i32>} : memref<104x64xf32, #tpu.memory_space<vmem>>, vector<16xf32>,
        tpu.vector_store %arg10[%swap3A_1056, %swap3A_1057], %mul3A_1055 {strides = array<i32>} : memref<104x64xf32, #tpu.memory_space<vmem>>, vector<16xf32>,
        %get3A_1059 = arith.index_cast %add3A_1048 : i32 to index
        %get3A_1060 = arith.constant 16 : index
        %get3A_1061 = tpu.vector_load %arg8[%get3A_1059, %get3A_1060] {strides = array<i32>} : memref<104x128xf32, #tpu.memory_space<vmem>>, vector<16xf32>,
        %mul3A_1062 = arith.mulf %broadcast_in_dim3A_1051, %get3A_1061 : vector<16xf32>
        %swap3A_1063 = arith.index_cast %add3A_1048 : i32 to index
        %swap3A_1064 = arith.constant 16 : index
        %swap3A_1065 = tpu.vector_load %arg10[%swap3A_1063, %swap3A_1064] {strides = array<i32>} : memref<104x64xf32, #tpu.memory_space<vmem>>, vector<16xf32>,
        tpu.vector_store %arg10[%swap3A_1063, %swap3A_1064], %mul3A_1062 {strides = array<i32>} : memref<104x64xf32, #tpu.memory_space<vmem>>, vector<16xf32>,
        %get3A_1066 = arith.index_cast %add3A_1048 : i32 to index
        %get3A_1067 = arith.constant 32 : index
        %get3A_1068 = tpu.vector_load %arg8[%get3A_1066, %get3A_1067] {strides = array<i32>} : memref<104x128xf32, #tpu.memory_space<vmem>>, vector<16xf32>,
        %mul3A_1069 = arith.mulf %broadcast_in_dim3A_1051, %get3A_1068 : vector<16xf32>
        %swap3A_1070 = arith.index_cast %add3A_1048 : i32 to index
        %swap3A_1071 = arith.constant 32 : index
        %swap3A_1072 = tpu.vector_load %arg10[%swap3A_1070, %swap3A_1071] {strides = array<i32>} : memref<104x64xf32, #tpu.memory_space<vmem>>, vector<16xf32>,
        tpu.vector_store %arg10[%swap3A_1070, %swap3A_1071], %mul3A_1069 {strides = array<i32>} : memref<104x64xf32, #tpu.memory_space<vmem>>, vector<16xf32>,
        %get3A_1073 = arith.index_cast %add3A_1048 : i32 to index
        %get3A_1074 = arith.constant 48 : index
        %get3A_1075 = tpu.vector_load %arg8[%get3A_1073, %get3A_1074] {strides = array<i32>} : memref<104x128xf32, #tpu.memory_space<vmem>>, vector<16xf32>,
        %mul3A_1076 = arith.mulf %broadcast_in_dim3A_1051, %get3A_1075 : vector<16xf32>
        %swap3A_1077 = arith.index_cast %add3A_1048 : i32 to index
        %swap3A_1078 = arith.constant 48 : index
        %swap3A_1079 = tpu.vector_load %arg10[%swap3A_1077, %swap3A_1078] {strides = array<i32>} : memref<104x64xf32, #tpu.memory_space<vmem>>, vector<16xf32>,
        tpu.vector_store %arg10[%swap3A_1077, %swap3A_1078], %mul3A_1076 {strides = array<i32>} : memref<104x64xf32, #tpu.memory_space<vmem>>, vector<16xf32>,
      }
      %scan3A_139 = arith.constant 6 : i32
      %add3A_140 = arith.addi %mul3A_2, %scan3A_88 : i32
      %dma_start3A_141 = arith.constant 0 : i32
      %dma_start3A_142 = arith.constant 0 : i32
      %dma_start3A_143 = tpu.memref_slice %arg10[%dma_start3A_141, %dma_start3A_142] : memref<104x64xf32, #tpu.memory_space<vmem>> -> memref<96x64xf32, #tpu.memory_space<vmem>>
      %dma_start3A_144 = arith.constant 0 : i32
      %dma_start3A_145 = arith.constant 0 : i32
      %dma_start3A_146 = tpu.memref_slice %arg5[%add3A_140, %dma_start3A_144, %dma_start3A_145] : memref<1024x200x64xf32, #tpu.memory_space<hbm>> -> memref<1x96x64xf32, #tpu.memory_space<hbm>>
      %dma_start3A_147 = tpu.memref_squeeze %dma_start3A_146 : memref<1x96x64xf32, #tpu.memory_space<hbm>> -> memref<96x64xf32, #tpu.memory_space<hbm>>
      %dma_start3A_148 = arith.constant 0 : i32
      %dma_start3A_149 = arith.constant 0 : i32
      %dma_start3A_150 = tpu.memref_slice %arg5[%add3A_140, %dma_start3A_148, %dma_start3A_149] : memref<1024x200x64xf32, #tpu.memory_space<hbm>> -> memref<1x96x64xf32, #tpu.memory_space<hbm>>
      %dma_start3A_151 = tpu.memref_squeeze %dma_start3A_150 : memref<1x96x64xf32, #tpu.memory_space<hbm>> -> memref<96x64xf32, #tpu.memory_space<hbm>>
      %dma_start3A_152 = arith.constant 0 : i32
      %dma_start3A_153 = arith.constant 0 : i32
      %dma_start3A_154 = tpu.memref_slice %arg10[%dma_start3A_152, %dma_start3A_153] : memref<104x64xf32, #tpu.memory_space<vmem>> -> memref<96x64xf32, #tpu.memory_space<vmem>>
      tpu.enqueue_dma source(%dma_start3A_154 : memref<96x64xf32, #tpu.memory_space<vmem>>) target(%dma_start3A_151 : memref<96x64xf32, #tpu.memory_space<hbm>>) target_semaphore(%arg20 : memref<!tpu.dma_semaphore, #tpu.memory_space<semaphore_mem>>)
      %lt3A_155 = arith.constant 31 : i32
      %lt3A_156 = arith.cmpi slt, %scan3A_88, %lt3A_155 : i32
      %convert_element_type3A_157 = arith.extui %lt3A_156 : i1 to i32
      %cond3A_158 = arith.constant 0 : i32
      %cond3A_159 = arith.cmpi ne, %convert_element_type3A_157, %cond3A_158 : i32
      scf.if %cond3A_159 {
        %add3A_512 = arith.constant 1 : i32
        %add3A_513 = arith.addi %scan3A_88, %add3A_512 : i32
        %add3A_514 = arith.addi %mul3A_2, %add3A_513 : i32
        %mul3A_515 = arith.constant 200 : i32
        %mul3A_516 = arith.muli %add3A_514, %mul3A_515 : i32
        %add3A_517 = arith.constant 96 : i32
        %add3A_518 = arith.addi %mul3A_516, %add3A_517 : i32
        %dma_start3A_519 = arith.constant 0 : i32
        %dma_start3A_520 = tpu.memref_slice %arg7[%dma_start3A_519] : memref<104xi32, #tpu.memory_space<vmem>> -> memref<104xi32, #tpu.memory_space<vmem>>
        %dma_start3A_521 = tpu.memref_slice %arg2[%add3A_518] : memref<204800xi32, #tpu.memory_space<hbm>> -> memref<104xi32, #tpu.memory_space<hbm>>
        %dma_start3A_522 = arith.constant 0 : i32
        %dma_start3A_523 = tpu.memref_slice %arg7[%dma_start3A_522] : memref<104xi32, #tpu.memory_space<vmem>> -> memref<104xi32, #tpu.memory_space<vmem>>
        %dma_start3A_524 = tpu.memref_slice %arg2[%add3A_518] : memref<204800xi32, #tpu.memory_space<hbm>> -> memref<104xi32, #tpu.memory_space<hbm>>
        tpu.enqueue_dma source(%dma_start3A_524 : memref<104xi32, #tpu.memory_space<hbm>>) target(%dma_start3A_523 : memref<104xi32, #tpu.memory_space<vmem>>) target_semaphore(%arg15 : memref<!tpu.dma_semaphore, #tpu.memory_space<semaphore_mem>>)
        %add3A_525 = arith.constant 1 : i32
        %add3A_526 = arith.addi %scan3A_88, %add3A_525 : i32
        %add3A_527 = arith.addi %mul3A_2, %add3A_526 : i32
        %mul3A_528 = arith.constant 200 : i32
        %mul3A_529 = arith.muli %add3A_527, %mul3A_528 : i32
        %add3A_530 = arith.constant 0 : i32
        %add3A_531 = arith.addi %mul3A_529, %add3A_530 : i32
        %dma_wait3A_532 = arith.constant 0 : i32
        %dma_wait3A_533 = tpu.memref_slice %arg6[%dma_wait3A_532] : memref<104xi32, #tpu.memory_space<vmem>> -> memref<96xi32, #tpu.memory_space<vmem>>
        %dma_wait3A_534 = tpu.memref_slice %arg2[%add3A_531] : memref<204800xi32, #tpu.memory_space<hbm>> -> memref<96xi32, #tpu.memory_space<hbm>>
        %dma_wait3A_535 = arith.constant 0 : i32
        %dma_wait3A_536 = tpu.memref_slice %arg6[%dma_wait3A_535] : memref<104xi32, #tpu.memory_space<vmem>> -> memref<96xi32, #tpu.memory_space<vmem>>
        %dma_wait3A_537 = tpu.memref_slice %arg2[%add3A_531] : memref<204800xi32, #tpu.memory_space<hbm>> -> memref<96xi32, #tpu.memory_space<hbm>>
        tpu.wait_dma2 semaphore(%arg14 : memref<!tpu.dma_semaphore, #tpu.memory_space<semaphore_mem>>) src(%dma_wait3A_537 : memref<96xi32, #tpu.memory_space<hbm>>) dst(%dma_wait3A_536 : memref<96xi32, #tpu.memory_space<vmem>>)
        %add3A_538 = arith.constant 1 : i32
        %add3A_539 = arith.addi %scan3A_88, %add3A_538 : i32
        %dma_start3A_540 = arith.constant 0 : i32
        %dma_start3A_541 = arith.constant 0 : i32
        %dma_start3A_542 = tpu.memref_slice %arg8[%dma_start3A_540, %dma_start3A_541] : memref<104x128xf32, #tpu.memory_space<vmem>> -> memref<96x128xf32, #tpu.memory_space<vmem>>
        %dma_start3A_543 = arith.constant 0 : i32
        %dma_start3A_544 = tpu.memref_slice %arg6[%dma_start3A_543] : memref<104xi32, #tpu.memory_space<vmem>> -> memref<96xi32, #tpu.memory_space<vmem>>
        %dma_start3A_545 = arith.constant 0 : i32
        %dma_start3A_546 = arith.constant 0 : i32
        %dma_start3A_547 = tpu.memref_slice %arg3[%dma_start3A_545, %dma_start3A_546] : memref<1000000x128xf32, #tpu.memory_space<hbm>> -> memref<1000000x128xf32, #tpu.memory_space<hbm>>
        tpu.enqueue_indirect_dma source(%dma_start3A_547 : memref<1000000x128xf32, #tpu.memory_space<hbm>>) target(%dma_start3A_542 : memref<96x128xf32, #tpu.memory_space<vmem>>) offsets(%dma_start3A_544 : memref<96xi32, #tpu.memory_space<vmem>>) semaphore(%arg16 : memref<!tpu.dma_semaphore, #tpu.memory_space<semaphore_mem>>)
        %dma_start3A_548 = arith.constant 0 : i32
        %dma_start3A_549 = tpu.memref_slice %arg12[%dma_start3A_548] : memref<104xf32, #tpu.memory_space<vmem>> -> memref<96xf32, #tpu.memory_space<vmem>>
        %dma_start3A_550 = arith.constant 0 : i32
        %dma_start3A_551 = tpu.memref_slice %arg6[%dma_start3A_550] : memref<104xi32, #tpu.memory_space<vmem>> -> memref<96xi32, #tpu.memory_space<vmem>>
        %dma_start3A_552 = arith.constant 0 : i32
        %dma_start3A_553 = tpu.memref_slice %arg4[%dma_start3A_552] : memref<1000000xf32, #tpu.memory_space<hbm>> -> memref<1000000xf32, #tpu.memory_space<hbm>>
        tpu.enqueue_indirect_dma source(%dma_start3A_553 : memref<1000000xf32, #tpu.memory_space<hbm>>) target(%dma_start3A_549 : memref<96xf32, #tpu.memory_space<vmem>>) offsets(%dma_start3A_551 : memref<96xi32, #tpu.memory_space<vmem>>) semaphore(%arg18 : memref<!tpu.dma_semaphore, #tpu.memory_space<semaphore_mem>>)
      } else {
      }
      %dma_wait3A_160 = arith.constant 0 : i32
      %dma_wait3A_161 = arith.constant 0 : i32
      %dma_wait3A_162 = tpu.memref_slice %arg9[%dma_wait3A_160, %dma_wait3A_161] : memref<104x128xf32, #tpu.memory_space<vmem>> -> memref<104x128xf32, #tpu.memory_space<vmem>>
      %dma_wait3A_163 = arith.constant 0 : i32
      %dma_wait3A_164 = tpu.memref_slice %arg7[%dma_wait3A_163] : memref<104xi32, #tpu.memory_space<vmem>> -> memref<104xi32, #tpu.memory_space<vmem>>
      %dma_wait3A_165 = arith.constant 0 : i32
      %dma_wait3A_166 = arith.constant 0 : i32
      %dma_wait3A_167 = tpu.memref_slice %arg3[%dma_wait3A_165, %dma_wait3A_166] : memref<1000000x128xf32, #tpu.memory_space<hbm>> -> memref<1000000x128xf32, #tpu.memory_space<hbm>>
      tpu.wait_indirect_dma semaphore(%arg17 : memref<!tpu.dma_semaphore, #tpu.memory_space<semaphore_mem>>) src(%dma_wait3A_167 : memref<1000000x128xf32, #tpu.memory_space<hbm>>) dst(%dma_wait3A_162 : memref<104x128xf32, #tpu.memory_space<vmem>>)
      %dma_wait3A_168 = arith.constant 0 : i32
      %dma_wait3A_169 = tpu.memref_slice %arg13[%dma_wait3A_168] : memref<104xf32, #tpu.memory_space<vmem>> -> memref<104xf32, #tpu.memory_space<vmem>>
      %dma_wait3A_170 = arith.constant 0 : i32
      %dma_wait3A_171 = tpu.memref_slice %arg7[%dma_wait3A_170] : memref<104xi32, #tpu.memory_space<vmem>> -> memref<104xi32, #tpu.memory_space<vmem>>
      %dma_wait3A_172 = arith.constant 0 : i32
      %dma_wait3A_173 = tpu.memref_slice %arg4[%dma_wait3A_172] : memref<1000000xf32, #tpu.memory_space<hbm>> -> memref<1000000xf32, #tpu.memory_space<hbm>>
      tpu.wait_indirect_dma semaphore(%arg19 : memref<!tpu.dma_semaphore, #tpu.memory_space<semaphore_mem>>) src(%dma_wait3A_173 : memref<1000000xf32, #tpu.memory_space<hbm>>) dst(%dma_wait3A_169 : memref<104xf32, #tpu.memory_space<vmem>>)
      %ge3A_174 = arith.constant 1 : i32
      %ge3A_175 = arith.cmpi sge, %scan3A_88, %ge3A_174 : i32
      %convert_element_type3A_176 = arith.extui %ge3A_175 : i1 to i32
      %cond3A_177 = arith.constant 0 : i32
      %cond3A_178 = arith.cmpi ne, %convert_element_type3A_176, %cond3A_177 : i32
      scf.if %cond3A_178 {
        %sub3A = arith.constant 1 : i32
        %sub3A_512 = arith.subi %scan3A_88, %sub3A : i32
        %add3A_513 = arith.addi %mul3A_2, %sub3A_512 : i32
        %dma_wait3A_514 = arith.constant 0 : i32
        %dma_wait3A_515 = arith.constant 0 : i32
        %dma_wait3A_516 = tpu.memref_slice %arg11[%dma_wait3A_514, %dma_wait3A_515] : memref<104x64xf32, #tpu.memory_space<vmem>> -> memref<104x64xf32, #tpu.memory_space<vmem>>
        %dma_wait3A_517 = arith.constant 96 : i32
        %dma_wait3A_518 = arith.constant 0 : i32
        %dma_wait3A_519 = tpu.memref_slice %arg5[%add3A_513, %dma_wait3A_517, %dma_wait3A_518] : memref<1024x200x64xf32, #tpu.memory_space<hbm>> -> memref<1x104x64xf32, #tpu.memory_space<hbm>>
        %dma_wait3A_520 = tpu.memref_squeeze %dma_wait3A_519 : memref<1x104x64xf32, #tpu.memory_space<hbm>> -> memref<104x64xf32, #tpu.memory_space<hbm>>
        %dma_wait3A_521 = arith.constant 96 : i32
        %dma_wait3A_522 = arith.constant 0 : i32
        %dma_wait3A_523 = tpu.memref_slice %arg5[%add3A_513, %dma_wait3A_521, %dma_wait3A_522] : memref<1024x200x64xf32, #tpu.memory_space<hbm>> -> memref<1x104x64xf32, #tpu.memory_space<hbm>>
        %dma_wait3A_524 = tpu.memref_squeeze %dma_wait3A_523 : memref<1x104x64xf32, #tpu.memory_space<hbm>> -> memref<104x64xf32, #tpu.memory_space<hbm>>
        %dma_wait3A_525 = arith.constant 0 : i32
        %dma_wait3A_526 = arith.constant 0 : i32
        %dma_wait3A_527 = tpu.memref_slice %arg11[%dma_wait3A_525, %dma_wait3A_526] : memref<104x64xf32, #tpu.memory_space<vmem>> -> memref<104x64xf32, #tpu.memory_space<vmem>>
        tpu.wait_dma2 semaphore(%arg21 : memref<!tpu.dma_semaphore, #tpu.memory_space<semaphore_mem>>) src(%dma_wait3A_527 : memref<104x64xf32, #tpu.memory_space<vmem>>) dst(%dma_wait3A_524 : memref<104x64xf32, #tpu.memory_space<hbm>>)
      } else {
      }
      %scan3A_179 = arith.constant 0 : i32
      %scan3A_180 = arith.constant 0 : i32
      %scan3A_181 = arith.constant 6 : i32
      %scan3A_182 = arith.addi %scan3A_180, %scan3A_181 : i32
      %scan3A_183 = arith.constant 1 : i32
      scf.for %scan3A_512 = %scan3A_180 to %scan3A_182 step %scan3A_183  : i32 {
        %mul3A_513 = arith.constant 16 : i32
        %mul3A_514 = arith.muli %scan3A_512, %mul3A_513 : i32
        %get3A_515 = arith.index_cast %mul3A_514 : i32 to index
        %get3A_516 = tpu.vector_load %arg13[%get3A_515] {strides = array<i32>} : memref<104xf32, #tpu.memory_space<vmem>>, vector<16xf32>,
        %mul3A_517 = arith.constant 5.000000e+00 : f32
        %mul3A_518 = vector.broadcast %mul3A_517 : f32 to vector<16xf32>
        %mul3A_519 = arith.mulf %get3A_516, %mul3A_518 : vector<16xf32>
        %mul3A_520 = arith.constant 16 : i32
        %mul3A_521 = arith.muli %scan3A_512, %mul3A_520 : i32
        %add3A_522 = arith.constant 0 : i32
        %add3A_523 = arith.addi %mul3A_521, %add3A_522 : i32
        %slice3A_524 = vector.extract_strided_slice %mul3A_519 {offsets = [0], sizes = [1], strides = [1]} : vector<16xf32> to vector<1xf32>
        %squeeze3A_525 = vector.extract %slice3A_524[0] : f32 from vector<1xf32>
        %broadcast_in_dim3A_526 = vector.broadcast %squeeze3A_525 : f32 to vector<16xf32>
        %get3A_527 = arith.index_cast %add3A_523 : i32 to index
        %get3A_528 = arith.constant 0 : index
        %get3A_529 = tpu.vector_load %arg9[%get3A_527, %get3A_528] {strides = array<i32>} : memref<104x128xf32, #tpu.memory_space<vmem>>, vector<16xf32>,
        %mul3A_530 = arith.mulf %broadcast_in_dim3A_526, %get3A_529 : vector<16xf32>
        %swap3A_531 = arith.index_cast %add3A_523 : i32 to index
        %swap3A_532 = arith.constant 0 : index
        %swap3A_533 = tpu.vector_load %arg11[%swap3A_531, %swap3A_532] {strides = array<i32>} : memref<104x64xf32, #tpu.memory_space<vmem>>, vector<16xf32>,
        tpu.vector_store %arg11[%swap3A_531, %swap3A_532], %mul3A_530 {strides = array<i32>} : memref<104x64xf32, #tpu.memory_space<vmem>>, vector<16xf32>,
        %get3A_534 = arith.index_cast %add3A_523 : i32 to index
        %get3A_535 = arith.constant 16 : index
        %get3A_536 = tpu.vector_load %arg9[%get3A_534, %get3A_535] {strides = array<i32>} : memref<104x128xf32, #tpu.memory_space<vmem>>, vector<16xf32>,
        %mul3A_537 = arith.mulf %broadcast_in_dim3A_526, %get3A_536 : vector<16xf32>
        %swap3A_538 = arith.index_cast %add3A_523 : i32 to index
        %swap3A_539 = arith.constant 16 : index
        %swap3A_540 = tpu.vector_load %arg11[%swap3A_538, %swap3A_539] {strides = array<i32>} : memref<104x64xf32, #tpu.memory_space<vmem>>, vector<16xf32>,
        tpu.vector_store %arg11[%swap3A_538, %swap3A_539], %mul3A_537 {strides = array<i32>} : memref<104x64xf32, #tpu.memory_space<vmem>>, vector<16xf32>,
        %get3A_541 = arith.index_cast %add3A_523 : i32 to index
        %get3A_542 = arith.constant 32 : index
        %get3A_543 = tpu.vector_load %arg9[%get3A_541, %get3A_542] {strides = array<i32>} : memref<104x128xf32, #tpu.memory_space<vmem>>, vector<16xf32>,
        %mul3A_544 = arith.mulf %broadcast_in_dim3A_526, %get3A_543 : vector<16xf32>
        %swap3A_545 = arith.index_cast %add3A_523 : i32 to index
        %swap3A_546 = arith.constant 32 : index
        %swap3A_547 = tpu.vector_load %arg11[%swap3A_545, %swap3A_546] {strides = array<i32>} : memref<104x64xf32, #tpu.memory_space<vmem>>, vector<16xf32>,
        tpu.vector_store %arg11[%swap3A_545, %swap3A_546], %mul3A_544 {strides = array<i32>} : memref<104x64xf32, #tpu.memory_space<vmem>>, vector<16xf32>,
        %get3A_548 = arith.index_cast %add3A_523 : i32 to index
        %get3A_549 = arith.constant 48 : index
        %get3A_550 = tpu.vector_load %arg9[%get3A_548, %get3A_549] {strides = array<i32>} : memref<104x128xf32, #tpu.memory_space<vmem>>, vector<16xf32>,
        %mul3A_551 = arith.mulf %broadcast_in_dim3A_526, %get3A_550 : vector<16xf32>
        %swap3A_552 = arith.index_cast %add3A_523 : i32 to index
        %swap3A_553 = arith.constant 48 : index
        %swap3A_554 = tpu.vector_load %arg11[%swap3A_552, %swap3A_553] {strides = array<i32>} : memref<104x64xf32, #tpu.memory_space<vmem>>, vector<16xf32>,
        tpu.vector_store %arg11[%swap3A_552, %swap3A_553], %mul3A_551 {strides = array<i32>} : memref<104x64xf32, #tpu.memory_space<vmem>>, vector<16xf32>,
        %mul3A_555 = arith.constant 16 : i32
        %mul3A_556 = arith.muli %scan3A_512, %mul3A_555 : i32
        %add3A_557 = arith.constant 1 : i32
        %add3A_558 = arith.addi %mul3A_556, %add3A_557 : i32
        %slice3A_559 = vector.extract_strided_slice %mul3A_519 {offsets = [1], sizes = [1], strides = [1]} : vector<16xf32> to vector<1xf32>
        %squeeze3A_560 = vector.extract %slice3A_559[0] : f32 from vector<1xf32>
        %broadcast_in_dim3A_561 = vector.broadcast %squeeze3A_560 : f32 to vector<16xf32>
        %get3A_562 = arith.index_cast %add3A_558 : i32 to index
        %get3A_563 = arith.constant 0 : index
        %get3A_564 = tpu.vector_load %arg9[%get3A_562, %get3A_563] {strides = array<i32>} : memref<104x128xf32, #tpu.memory_space<vmem>>, vector<16xf32>,
        %mul3A_565 = arith.mulf %broadcast_in_dim3A_561, %get3A_564 : vector<16xf32>
        %swap3A_566 = arith.index_cast %add3A_558 : i32 to index
        %swap3A_567 = arith.constant 0 : index
        %swap3A_568 = tpu.vector_load %arg11[%swap3A_566, %swap3A_567] {strides = array<i32>} : memref<104x64xf32, #tpu.memory_space<vmem>>, vector<16xf32>,
        tpu.vector_store %arg11[%swap3A_566, %swap3A_567], %mul3A_565 {strides = array<i32>} : memref<104x64xf32, #tpu.memory_space<vmem>>, vector<16xf32>,
        %get3A_569 = arith.index_cast %add3A_558 : i32 to index
        %get3A_570 = arith.constant 16 : index
        %get3A_571 = tpu.vector_load %arg9[%get3A_569, %get3A_570] {strides = array<i32>} : memref<104x128xf32, #tpu.memory_space<vmem>>, vector<16xf32>,
        %mul3A_572 = arith.mulf %broadcast_in_dim3A_561, %get3A_571 : vector<16xf32>
        %swap3A_573 = arith.index_cast %add3A_558 : i32 to index
        %swap3A_574 = arith.constant 16 : index
        %swap3A_575 = tpu.vector_load %arg11[%swap3A_573, %swap3A_574] {strides = array<i32>} : memref<104x64xf32, #tpu.memory_space<vmem>>, vector<16xf32>,
        tpu.vector_store %arg11[%swap3A_573, %swap3A_574], %mul3A_572 {strides = array<i32>} : memref<104x64xf32, #tpu.memory_space<vmem>>, vector<16xf32>,
        %get3A_576 = arith.index_cast %add3A_558 : i32 to index
        %get3A_577 = arith.constant 32 : index
        %get3A_578 = tpu.vector_load %arg9[%get3A_576, %get3A_577] {strides = array<i32>} : memref<104x128xf32, #tpu.memory_space<vmem>>, vector<16xf32>,
        %mul3A_579 = arith.mulf %broadcast_in_dim3A_561, %get3A_578 : vector<16xf32>
        %swap3A_580 = arith.index_cast %add3A_558 : i32 to index
        %swap3A_581 = arith.constant 32 : index
        %swap3A_582 = tpu.vector_load %arg11[%swap3A_580, %swap3A_581] {strides = array<i32>} : memref<104x64xf32, #tpu.memory_space<vmem>>, vector<16xf32>,
        tpu.vector_store %arg11[%swap3A_580, %swap3A_581], %mul3A_579 {strides = array<i32>} : memref<104x64xf32, #tpu.memory_space<vmem>>, vector<16xf32>,
        %get3A_583 = arith.index_cast %add3A_558 : i32 to index
        %get3A_584 = arith.constant 48 : index
        %get3A_585 = tpu.vector_load %arg9[%get3A_583, %get3A_584] {strides = array<i32>} : memref<104x128xf32, #tpu.memory_space<vmem>>, vector<16xf32>,
        %mul3A_586 = arith.mulf %broadcast_in_dim3A_561, %get3A_585 : vector<16xf32>
        %swap3A_587 = arith.index_cast %add3A_558 : i32 to index
        %swap3A_588 = arith.constant 48 : index
        %swap3A_589 = tpu.vector_load %arg11[%swap3A_587, %swap3A_588] {strides = array<i32>} : memref<104x64xf32, #tpu.memory_space<vmem>>, vector<16xf32>,
        tpu.vector_store %arg11[%swap3A_587, %swap3A_588], %mul3A_586 {strides = array<i32>} : memref<104x64xf32, #tpu.memory_space<vmem>>, vector<16xf32>,
        %mul3A_590 = arith.constant 16 : i32
        %mul3A_591 = arith.muli %scan3A_512, %mul3A_590 : i32
        %add3A_592 = arith.constant 2 : i32
        %add3A_593 = arith.addi %mul3A_591, %add3A_592 : i32
        %slice3A_594 = vector.extract_strided_slice %mul3A_519 {offsets = [2], sizes = [1], strides = [1]} : vector<16xf32> to vector<1xf32>
        %squeeze3A_595 = vector.extract %slice3A_594[0] : f32 from vector<1xf32>
        %broadcast_in_dim3A_596 = vector.broadcast %squeeze3A_595 : f32 to vector<16xf32>
        %get3A_597 = arith.index_cast %add3A_593 : i32 to index
        %get3A_598 = arith.constant 0 : index
        %get3A_599 = tpu.vector_load %arg9[%get3A_597, %get3A_598] {strides = array<i32>} : memref<104x128xf32, #tpu.memory_space<vmem>>, vector<16xf32>,
        %mul3A_600 = arith.mulf %broadcast_in_dim3A_596, %get3A_599 : vector<16xf32>
        %swap3A_601 = arith.index_cast %add3A_593 : i32 to index
        %swap3A_602 = arith.constant 0 : index
        %swap3A_603 = tpu.vector_load %arg11[%swap3A_601, %swap3A_602] {strides = array<i32>} : memref<104x64xf32, #tpu.memory_space<vmem>>, vector<16xf32>,
        tpu.vector_store %arg11[%swap3A_601, %swap3A_602], %mul3A_600 {strides = array<i32>} : memref<104x64xf32, #tpu.memory_space<vmem>>, vector<16xf32>,
        %get3A_604 = arith.index_cast %add3A_593 : i32 to index
        %get3A_605 = arith.constant 16 : index
        %get3A_606 = tpu.vector_load %arg9[%get3A_604, %get3A_605] {strides = array<i32>} : memref<104x128xf32, #tpu.memory_space<vmem>>, vector<16xf32>,
        %mul3A_607 = arith.mulf %broadcast_in_dim3A_596, %get3A_606 : vector<16xf32>
        %swap3A_608 = arith.index_cast %add3A_593 : i32 to index
        %swap3A_609 = arith.constant 16 : index
        %swap3A_610 = tpu.vector_load %arg11[%swap3A_608, %swap3A_609] {strides = array<i32>} : memref<104x64xf32, #tpu.memory_space<vmem>>, vector<16xf32>,
        tpu.vector_store %arg11[%swap3A_608, %swap3A_609], %mul3A_607 {strides = array<i32>} : memref<104x64xf32, #tpu.memory_space<vmem>>, vector<16xf32>,
        %get3A_611 = arith.index_cast %add3A_593 : i32 to index
        %get3A_612 = arith.constant 32 : index
        %get3A_613 = tpu.vector_load %arg9[%get3A_611, %get3A_612] {strides = array<i32>} : memref<104x128xf32, #tpu.memory_space<vmem>>, vector<16xf32>,
        %mul3A_614 = arith.mulf %broadcast_in_dim3A_596, %get3A_613 : vector<16xf32>
        %swap3A_615 = arith.index_cast %add3A_593 : i32 to index
        %swap3A_616 = arith.constant 32 : index
        %swap3A_617 = tpu.vector_load %arg11[%swap3A_615, %swap3A_616] {strides = array<i32>} : memref<104x64xf32, #tpu.memory_space<vmem>>, vector<16xf32>,
        tpu.vector_store %arg11[%swap3A_615, %swap3A_616], %mul3A_614 {strides = array<i32>} : memref<104x64xf32, #tpu.memory_space<vmem>>, vector<16xf32>,
        %get3A_618 = arith.index_cast %add3A_593 : i32 to index
        %get3A_619 = arith.constant 48 : index
        %get3A_620 = tpu.vector_load %arg9[%get3A_618, %get3A_619] {strides = array<i32>} : memref<104x128xf32, #tpu.memory_space<vmem>>, vector<16xf32>,
        %mul3A_621 = arith.mulf %broadcast_in_dim3A_596, %get3A_620 : vector<16xf32>
        %swap3A_622 = arith.index_cast %add3A_593 : i32 to index
        %swap3A_623 = arith.constant 48 : index
        %swap3A_624 = tpu.vector_load %arg11[%swap3A_622, %swap3A_623] {strides = array<i32>} : memref<104x64xf32, #tpu.memory_space<vmem>>, vector<16xf32>,
        tpu.vector_store %arg11[%swap3A_622, %swap3A_623], %mul3A_621 {strides = array<i32>} : memref<104x64xf32, #tpu.memory_space<vmem>>, vector<16xf32>,
        %mul3A_625 = arith.constant 16 : i32
        %mul3A_626 = arith.muli %scan3A_512, %mul3A_625 : i32
        %add3A_627 = arith.constant 3 : i32
        %add3A_628 = arith.addi %mul3A_626, %add3A_627 : i32
        %slice3A_629 = vector.extract_strided_slice %mul3A_519 {offsets = [3], sizes = [1], strides = [1]} : vector<16xf32> to vector<1xf32>
        %squeeze3A_630 = vector.extract %slice3A_629[0] : f32 from vector<1xf32>
        %broadcast_in_dim3A_631 = vector.broadcast %squeeze3A_630 : f32 to vector<16xf32>
        %get3A_632 = arith.index_cast %add3A_628 : i32 to index
        %get3A_633 = arith.constant 0 : index
        %get3A_634 = tpu.vector_load %arg9[%get3A_632, %get3A_633] {strides = array<i32>} : memref<104x128xf32, #tpu.memory_space<vmem>>, vector<16xf32>,
        %mul3A_635 = arith.mulf %broadcast_in_dim3A_631, %get3A_634 : vector<16xf32>
        %swap3A_636 = arith.index_cast %add3A_628 : i32 to index
        %swap3A_637 = arith.constant 0 : index
        %swap3A_638 = tpu.vector_load %arg11[%swap3A_636, %swap3A_637] {strides = array<i32>} : memref<104x64xf32, #tpu.memory_space<vmem>>, vector<16xf32>,
        tpu.vector_store %arg11[%swap3A_636, %swap3A_637], %mul3A_635 {strides = array<i32>} : memref<104x64xf32, #tpu.memory_space<vmem>>, vector<16xf32>,
        %get3A_639 = arith.index_cast %add3A_628 : i32 to index
        %get3A_640 = arith.constant 16 : index
        %get3A_641 = tpu.vector_load %arg9[%get3A_639, %get3A_640] {strides = array<i32>} : memref<104x128xf32, #tpu.memory_space<vmem>>, vector<16xf32>,
        %mul3A_642 = arith.mulf %broadcast_in_dim3A_631, %get3A_641 : vector<16xf32>
        %swap3A_643 = arith.index_cast %add3A_628 : i32 to index
        %swap3A_644 = arith.constant 16 : index
        %swap3A_645 = tpu.vector_load %arg11[%swap3A_643, %swap3A_644] {strides = array<i32>} : memref<104x64xf32, #tpu.memory_space<vmem>>, vector<16xf32>,
        tpu.vector_store %arg11[%swap3A_643, %swap3A_644], %mul3A_642 {strides = array<i32>} : memref<104x64xf32, #tpu.memory_space<vmem>>, vector<16xf32>,
        %get3A_646 = arith.index_cast %add3A_628 : i32 to index
        %get3A_647 = arith.constant 32 : index
        %get3A_648 = tpu.vector_load %arg9[%get3A_646, %get3A_647] {strides = array<i32>} : memref<104x128xf32, #tpu.memory_space<vmem>>, vector<16xf32>,
        %mul3A_649 = arith.mulf %broadcast_in_dim3A_631, %get3A_648 : vector<16xf32>
        %swap3A_650 = arith.index_cast %add3A_628 : i32 to index
        %swap3A_651 = arith.constant 32 : index
        %swap3A_652 = tpu.vector_load %arg11[%swap3A_650, %swap3A_651] {strides = array<i32>} : memref<104x64xf32, #tpu.memory_space<vmem>>, vector<16xf32>,
        tpu.vector_store %arg11[%swap3A_650, %swap3A_651], %mul3A_649 {strides = array<i32>} : memref<104x64xf32, #tpu.memory_space<vmem>>, vector<16xf32>,
        %get3A_653 = arith.index_cast %add3A_628 : i32 to index
        %get3A_654 = arith.constant 48 : index
        %get3A_655 = tpu.vector_load %arg9[%get3A_653, %get3A_654] {strides = array<i32>} : memref<104x128xf32, #tpu.memory_space<vmem>>, vector<16xf32>,
        %mul3A_656 = arith.mulf %broadcast_in_dim3A_631, %get3A_655 : vector<16xf32>
        %swap3A_657 = arith.index_cast %add3A_628 : i32 to index
        %swap3A_658 = arith.constant 48 : index
        %swap3A_659 = tpu.vector_load %arg11[%swap3A_657, %swap3A_658] {strides = array<i32>} : memref<104x64xf32, #tpu.memory_space<vmem>>, vector<16xf32>,
        tpu.vector_store %arg11[%swap3A_657, %swap3A_658], %mul3A_656 {strides = array<i32>} : memref<104x64xf32, #tpu.memory_space<vmem>>, vector<16xf32>,
        %mul3A_660 = arith.constant 16 : i32
        %mul3A_661 = arith.muli %scan3A_512, %mul3A_660 : i32
        %add3A_662 = arith.constant 4 : i32
        %add3A_663 = arith.addi %mul3A_661, %add3A_662 : i32
        %slice3A_664 = vector.extract_strided_slice %mul3A_519 {offsets = [4], sizes = [1], strides = [1]} : vector<16xf32> to vector<1xf32>
        %squeeze3A_665 = vector.extract %slice3A_664[0] : f32 from vector<1xf32>
        %broadcast_in_dim3A_666 = vector.broadcast %squeeze3A_665 : f32 to vector<16xf32>
        %get3A_667 = arith.index_cast %add3A_663 : i32 to index
        %get3A_668 = arith.constant 0 : index
        %get3A_669 = tpu.vector_load %arg9[%get3A_667, %get3A_668] {strides = array<i32>} : memref<104x128xf32, #tpu.memory_space<vmem>>, vector<16xf32>,
        %mul3A_670 = arith.mulf %broadcast_in_dim3A_666, %get3A_669 : vector<16xf32>
        %swap3A_671 = arith.index_cast %add3A_663 : i32 to index
        %swap3A_672 = arith.constant 0 : index
        %swap3A_673 = tpu.vector_load %arg11[%swap3A_671, %swap3A_672] {strides = array<i32>} : memref<104x64xf32, #tpu.memory_space<vmem>>, vector<16xf32>,
        tpu.vector_store %arg11[%swap3A_671, %swap3A_672], %mul3A_670 {strides = array<i32>} : memref<104x64xf32, #tpu.memory_space<vmem>>, vector<16xf32>,
        %get3A_674 = arith.index_cast %add3A_663 : i32 to index
        %get3A_675 = arith.constant 16 : index
        %get3A_676 = tpu.vector_load %arg9[%get3A_674, %get3A_675] {strides = array<i32>} : memref<104x128xf32, #tpu.memory_space<vmem>>, vector<16xf32>,
        %mul3A_677 = arith.mulf %broadcast_in_dim3A_666, %get3A_676 : vector<16xf32>
        %swap3A_678 = arith.index_cast %add3A_663 : i32 to index
        %swap3A_679 = arith.constant 16 : index
        %swap3A_680 = tpu.vector_load %arg11[%swap3A_678, %swap3A_679] {strides = array<i32>} : memref<104x64xf32, #tpu.memory_space<vmem>>, vector<16xf32>,
        tpu.vector_store %arg11[%swap3A_678, %swap3A_679], %mul3A_677 {strides = array<i32>} : memref<104x64xf32, #tpu.memory_space<vmem>>, vector<16xf32>,
        %get3A_681 = arith.index_cast %add3A_663 : i32 to index
        %get3A_682 = arith.constant 32 : index
        %get3A_683 = tpu.vector_load %arg9[%get3A_681, %get3A_682] {strides = array<i32>} : memref<104x128xf32, #tpu.memory_space<vmem>>, vector<16xf32>,
        %mul3A_684 = arith.mulf %broadcast_in_dim3A_666, %get3A_683 : vector<16xf32>
        %swap3A_685 = arith.index_cast %add3A_663 : i32 to index
        %swap3A_686 = arith.constant 32 : index
        %swap3A_687 = tpu.vector_load %arg11[%swap3A_685, %swap3A_686] {strides = array<i32>} : memref<104x64xf32, #tpu.memory_space<vmem>>, vector<16xf32>,
        tpu.vector_store %arg11[%swap3A_685, %swap3A_686], %mul3A_684 {strides = array<i32>} : memref<104x64xf32, #tpu.memory_space<vmem>>, vector<16xf32>,
        %get3A_688 = arith.index_cast %add3A_663 : i32 to index
        %get3A_689 = arith.constant 48 : index
        %get3A_690 = tpu.vector_load %arg9[%get3A_688, %get3A_689] {strides = array<i32>} : memref<104x128xf32, #tpu.memory_space<vmem>>, vector<16xf32>,
        %mul3A_691 = arith.mulf %broadcast_in_dim3A_666, %get3A_690 : vector<16xf32>
        %swap3A_692 = arith.index_cast %add3A_663 : i32 to index
        %swap3A_693 = arith.constant 48 : index
        %swap3A_694 = tpu.vector_load %arg11[%swap3A_692, %swap3A_693] {strides = array<i32>} : memref<104x64xf32, #tpu.memory_space<vmem>>, vector<16xf32>,
        tpu.vector_store %arg11[%swap3A_692, %swap3A_693], %mul3A_691 {strides = array<i32>} : memref<104x64xf32, #tpu.memory_space<vmem>>, vector<16xf32>,
        %mul3A_695 = arith.constant 16 : i32
        %mul3A_696 = arith.muli %scan3A_512, %mul3A_695 : i32
        %add3A_697 = arith.constant 5 : i32
        %add3A_698 = arith.addi %mul3A_696, %add3A_697 : i32
        %slice3A_699 = vector.extract_strided_slice %mul3A_519 {offsets = [5], sizes = [1], strides = [1]} : vector<16xf32> to vector<1xf32>
        %squeeze3A_700 = vector.extract %slice3A_699[0] : f32 from vector<1xf32>
        %broadcast_in_dim3A_701 = vector.broadcast %squeeze3A_700 : f32 to vector<16xf32>
        %get3A_702 = arith.index_cast %add3A_698 : i32 to index
        %get3A_703 = arith.constant 0 : index
        %get3A_704 = tpu.vector_load %arg9[%get3A_702, %get3A_703] {strides = array<i32>} : memref<104x128xf32, #tpu.memory_space<vmem>>, vector<16xf32>,
        %mul3A_705 = arith.mulf %broadcast_in_dim3A_701, %get3A_704 : vector<16xf32>
        %swap3A_706 = arith.index_cast %add3A_698 : i32 to index
        %swap3A_707 = arith.constant 0 : index
        %swap3A_708 = tpu.vector_load %arg11[%swap3A_706, %swap3A_707] {strides = array<i32>} : memref<104x64xf32, #tpu.memory_space<vmem>>, vector<16xf32>,
        tpu.vector_store %arg11[%swap3A_706, %swap3A_707], %mul3A_705 {strides = array<i32>} : memref<104x64xf32, #tpu.memory_space<vmem>>, vector<16xf32>,
        %get3A_709 = arith.index_cast %add3A_698 : i32 to index
        %get3A_710 = arith.constant 16 : index
        %get3A_711 = tpu.vector_load %arg9[%get3A_709, %get3A_710] {strides = array<i32>} : memref<104x128xf32, #tpu.memory_space<vmem>>, vector<16xf32>,
        %mul3A_712 = arith.mulf %broadcast_in_dim3A_701, %get3A_711 : vector<16xf32>
        %swap3A_713 = arith.index_cast %add3A_698 : i32 to index
        %swap3A_714 = arith.constant 16 : index
        %swap3A_715 = tpu.vector_load %arg11[%swap3A_713, %swap3A_714] {strides = array<i32>} : memref<104x64xf32, #tpu.memory_space<vmem>>, vector<16xf32>,
        tpu.vector_store %arg11[%swap3A_713, %swap3A_714], %mul3A_712 {strides = array<i32>} : memref<104x64xf32, #tpu.memory_space<vmem>>, vector<16xf32>,
        %get3A_716 = arith.index_cast %add3A_698 : i32 to index
        %get3A_717 = arith.constant 32 : index
        %get3A_718 = tpu.vector_load %arg9[%get3A_716, %get3A_717] {strides = array<i32>} : memref<104x128xf32, #tpu.memory_space<vmem>>, vector<16xf32>,
        %mul3A_719 = arith.mulf %broadcast_in_dim3A_701, %get3A_718 : vector<16xf32>
        %swap3A_720 = arith.index_cast %add3A_698 : i32 to index
        %swap3A_721 = arith.constant 32 : index
        %swap3A_722 = tpu.vector_load %arg11[%swap3A_720, %swap3A_721] {strides = array<i32>} : memref<104x64xf32, #tpu.memory_space<vmem>>, vector<16xf32>,
        tpu.vector_store %arg11[%swap3A_720, %swap3A_721], %mul3A_719 {strides = array<i32>} : memref<104x64xf32, #tpu.memory_space<vmem>>, vector<16xf32>,
        %get3A_723 = arith.index_cast %add3A_698 : i32 to index
        %get3A_724 = arith.constant 48 : index
        %get3A_725 = tpu.vector_load %arg9[%get3A_723, %get3A_724] {strides = array<i32>} : memref<104x128xf32, #tpu.memory_space<vmem>>, vector<16xf32>,
        %mul3A_726 = arith.mulf %broadcast_in_dim3A_701, %get3A_725 : vector<16xf32>
        %swap3A_727 = arith.index_cast %add3A_698 : i32 to index
        %swap3A_728 = arith.constant 48 : index
        %swap3A_729 = tpu.vector_load %arg11[%swap3A_727, %swap3A_728] {strides = array<i32>} : memref<104x64xf32, #tpu.memory_space<vmem>>, vector<16xf32>,
        tpu.vector_store %arg11[%swap3A_727, %swap3A_728], %mul3A_726 {strides = array<i32>} : memref<104x64xf32, #tpu.memory_space<vmem>>, vector<16xf32>,
        %mul3A_730 = arith.constant 16 : i32
        %mul3A_731 = arith.muli %scan3A_512, %mul3A_730 : i32
        %add3A_732 = arith.constant 6 : i32
        %add3A_733 = arith.addi %mul3A_731, %add3A_732 : i32
        %slice3A_734 = vector.extract_strided_slice %mul3A_519 {offsets = [6], sizes = [1], strides = [1]} : vector<16xf32> to vector<1xf32>
        %squeeze3A_735 = vector.extract %slice3A_734[0] : f32 from vector<1xf32>
        %broadcast_in_dim3A_736 = vector.broadcast %squeeze3A_735 : f32 to vector<16xf32>
        %get3A_737 = arith.index_cast %add3A_733 : i32 to index
        %get3A_738 = arith.constant 0 : index
        %get3A_739 = tpu.vector_load %arg9[%get3A_737, %get3A_738] {strides = array<i32>} : memref<104x128xf32, #tpu.memory_space<vmem>>, vector<16xf32>,
        %mul3A_740 = arith.mulf %broadcast_in_dim3A_736, %get3A_739 : vector<16xf32>
        %swap3A_741 = arith.index_cast %add3A_733 : i32 to index
        %swap3A_742 = arith.constant 0 : index
        %swap3A_743 = tpu.vector_load %arg11[%swap3A_741, %swap3A_742] {strides = array<i32>} : memref<104x64xf32, #tpu.memory_space<vmem>>, vector<16xf32>,
        tpu.vector_store %arg11[%swap3A_741, %swap3A_742], %mul3A_740 {strides = array<i32>} : memref<104x64xf32, #tpu.memory_space<vmem>>, vector<16xf32>,
        %get3A_744 = arith.index_cast %add3A_733 : i32 to index
        %get3A_745 = arith.constant 16 : index
        %get3A_746 = tpu.vector_load %arg9[%get3A_744, %get3A_745] {strides = array<i32>} : memref<104x128xf32, #tpu.memory_space<vmem>>, vector<16xf32>,
        %mul3A_747 = arith.mulf %broadcast_in_dim3A_736, %get3A_746 : vector<16xf32>
        %swap3A_748 = arith.index_cast %add3A_733 : i32 to index
        %swap3A_749 = arith.constant 16 : index
        %swap3A_750 = tpu.vector_load %arg11[%swap3A_748, %swap3A_749] {strides = array<i32>} : memref<104x64xf32, #tpu.memory_space<vmem>>, vector<16xf32>,
        tpu.vector_store %arg11[%swap3A_748, %swap3A_749], %mul3A_747 {strides = array<i32>} : memref<104x64xf32, #tpu.memory_space<vmem>>, vector<16xf32>,
        %get3A_751 = arith.index_cast %add3A_733 : i32 to index
        %get3A_752 = arith.constant 32 : index
        %get3A_753 = tpu.vector_load %arg9[%get3A_751, %get3A_752] {strides = array<i32>} : memref<104x128xf32, #tpu.memory_space<vmem>>, vector<16xf32>,
        %mul3A_754 = arith.mulf %broadcast_in_dim3A_736, %get3A_753 : vector<16xf32>
        %swap3A_755 = arith.index_cast %add3A_733 : i32 to index
        %swap3A_756 = arith.constant 32 : index
        %swap3A_757 = tpu.vector_load %arg11[%swap3A_755, %swap3A_756] {strides = array<i32>} : memref<104x64xf32, #tpu.memory_space<vmem>>, vector<16xf32>,
        tpu.vector_store %arg11[%swap3A_755, %swap3A_756], %mul3A_754 {strides = array<i32>} : memref<104x64xf32, #tpu.memory_space<vmem>>, vector<16xf32>,
        %get3A_758 = arith.index_cast %add3A_733 : i32 to index
        %get3A_759 = arith.constant 48 : index
        %get3A_760 = tpu.vector_load %arg9[%get3A_758, %get3A_759] {strides = array<i32>} : memref<104x128xf32, #tpu.memory_space<vmem>>, vector<16xf32>,
        %mul3A_761 = arith.mulf %broadcast_in_dim3A_736, %get3A_760 : vector<16xf32>
        %swap3A_762 = arith.index_cast %add3A_733 : i32 to index
        %swap3A_763 = arith.constant 48 : index
        %swap3A_764 = tpu.vector_load %arg11[%swap3A_762, %swap3A_763] {strides = array<i32>} : memref<104x64xf32, #tpu.memory_space<vmem>>, vector<16xf32>,
        tpu.vector_store %arg11[%swap3A_762, %swap3A_763], %mul3A_761 {strides = array<i32>} : memref<104x64xf32, #tpu.memory_space<vmem>>, vector<16xf32>,
        %mul3A_765 = arith.constant 16 : i32
        %mul3A_766 = arith.muli %scan3A_512, %mul3A_765 : i32
        %add3A_767 = arith.constant 7 : i32
        %add3A_768 = arith.addi %mul3A_766, %add3A_767 : i32
        %slice3A_769 = vector.extract_strided_slice %mul3A_519 {offsets = [7], sizes = [1], strides = [1]} : vector<16xf32> to vector<1xf32>
        %squeeze3A_770 = vector.extract %slice3A_769[0] : f32 from vector<1xf32>
        %broadcast_in_dim3A_771 = vector.broadcast %squeeze3A_770 : f32 to vector<16xf32>
        %get3A_772 = arith.index_cast %add3A_768 : i32 to index
        %get3A_773 = arith.constant 0 : index
        %get3A_774 = tpu.vector_load %arg9[%get3A_772, %get3A_773] {strides = array<i32>} : memref<104x128xf32, #tpu.memory_space<vmem>>, vector<16xf32>,
        %mul3A_775 = arith.mulf %broadcast_in_dim3A_771, %get3A_774 : vector<16xf32>
        %swap3A_776 = arith.index_cast %add3A_768 : i32 to index
        %swap3A_777 = arith.constant 0 : index
        %swap3A_778 = tpu.vector_load %arg11[%swap3A_776, %swap3A_777] {strides = array<i32>} : memref<104x64xf32, #tpu.memory_space<vmem>>, vector<16xf32>,
        tpu.vector_store %arg11[%swap3A_776, %swap3A_777], %mul3A_775 {strides = array<i32>} : memref<104x64xf32, #tpu.memory_space<vmem>>, vector<16xf32>,
        %get3A_779 = arith.index_cast %add3A_768 : i32 to index
        %get3A_780 = arith.constant 16 : index
        %get3A_781 = tpu.vector_load %arg9[%get3A_779, %get3A_780] {strides = array<i32>} : memref<104x128xf32, #tpu.memory_space<vmem>>, vector<16xf32>,
        %mul3A_782 = arith.mulf %broadcast_in_dim3A_771, %get3A_781 : vector<16xf32>
        %swap3A_783 = arith.index_cast %add3A_768 : i32 to index
        %swap3A_784 = arith.constant 16 : index
        %swap3A_785 = tpu.vector_load %arg11[%swap3A_783, %swap3A_784] {strides = array<i32>} : memref<104x64xf32, #tpu.memory_space<vmem>>, vector<16xf32>,
        tpu.vector_store %arg11[%swap3A_783, %swap3A_784], %mul3A_782 {strides = array<i32>} : memref<104x64xf32, #tpu.memory_space<vmem>>, vector<16xf32>,
        %get3A_786 = arith.index_cast %add3A_768 : i32 to index
        %get3A_787 = arith.constant 32 : index
        %get3A_788 = tpu.vector_load %arg9[%get3A_786, %get3A_787] {strides = array<i32>} : memref<104x128xf32, #tpu.memory_space<vmem>>, vector<16xf32>,
        %mul3A_789 = arith.mulf %broadcast_in_dim3A_771, %get3A_788 : vector<16xf32>
        %swap3A_790 = arith.index_cast %add3A_768 : i32 to index
        %swap3A_791 = arith.constant 32 : index
        %swap3A_792 = tpu.vector_load %arg11[%swap3A_790, %swap3A_791] {strides = array<i32>} : memref<104x64xf32, #tpu.memory_space<vmem>>, vector<16xf32>,
        tpu.vector_store %arg11[%swap3A_790, %swap3A_791], %mul3A_789 {strides = array<i32>} : memref<104x64xf32, #tpu.memory_space<vmem>>, vector<16xf32>,
        %get3A_793 = arith.index_cast %add3A_768 : i32 to index
        %get3A_794 = arith.constant 48 : index
        %get3A_795 = tpu.vector_load %arg9[%get3A_793, %get3A_794] {strides = array<i32>} : memref<104x128xf32, #tpu.memory_space<vmem>>, vector<16xf32>,
        %mul3A_796 = arith.mulf %broadcast_in_dim3A_771, %get3A_795 : vector<16xf32>
        %swap3A_797 = arith.index_cast %add3A_768 : i32 to index
        %swap3A_798 = arith.constant 48 : index
        %swap3A_799 = tpu.vector_load %arg11[%swap3A_797, %swap3A_798] {strides = array<i32>} : memref<104x64xf32, #tpu.memory_space<vmem>>, vector<16xf32>,
        tpu.vector_store %arg11[%swap3A_797, %swap3A_798], %mul3A_796 {strides = array<i32>} : memref<104x64xf32, #tpu.memory_space<vmem>>, vector<16xf32>,
        %mul3A_800 = arith.constant 16 : i32
        %mul3A_801 = arith.muli %scan3A_512, %mul3A_800 : i32
        %add3A_802 = arith.constant 8 : i32
        %add3A_803 = arith.addi %mul3A_801, %add3A_802 : i32
        %slice3A_804 = vector.extract_strided_slice %mul3A_519 {offsets = [8], sizes = [1], strides = [1]} : vector<16xf32> to vector<1xf32>
        %squeeze3A_805 = vector.extract %slice3A_804[0] : f32 from vector<1xf32>
        %broadcast_in_dim3A_806 = vector.broadcast %squeeze3A_805 : f32 to vector<16xf32>
        %get3A_807 = arith.index_cast %add3A_803 : i32 to index
        %get3A_808 = arith.constant 0 : index
        %get3A_809 = tpu.vector_load %arg9[%get3A_807, %get3A_808] {strides = array<i32>} : memref<104x128xf32, #tpu.memory_space<vmem>>, vector<16xf32>,
        %mul3A_810 = arith.mulf %broadcast_in_dim3A_806, %get3A_809 : vector<16xf32>
        %swap3A_811 = arith.index_cast %add3A_803 : i32 to index
        %swap3A_812 = arith.constant 0 : index
        %swap3A_813 = tpu.vector_load %arg11[%swap3A_811, %swap3A_812] {strides = array<i32>} : memref<104x64xf32, #tpu.memory_space<vmem>>, vector<16xf32>,
        tpu.vector_store %arg11[%swap3A_811, %swap3A_812], %mul3A_810 {strides = array<i32>} : memref<104x64xf32, #tpu.memory_space<vmem>>, vector<16xf32>,
        %get3A_814 = arith.index_cast %add3A_803 : i32 to index
        %get3A_815 = arith.constant 16 : index
        %get3A_816 = tpu.vector_load %arg9[%get3A_814, %get3A_815] {strides = array<i32>} : memref<104x128xf32, #tpu.memory_space<vmem>>, vector<16xf32>,
        %mul3A_817 = arith.mulf %broadcast_in_dim3A_806, %get3A_816 : vector<16xf32>
        %swap3A_818 = arith.index_cast %add3A_803 : i32 to index
        %swap3A_819 = arith.constant 16 : index
        %swap3A_820 = tpu.vector_load %arg11[%swap3A_818, %swap3A_819] {strides = array<i32>} : memref<104x64xf32, #tpu.memory_space<vmem>>, vector<16xf32>,
        tpu.vector_store %arg11[%swap3A_818, %swap3A_819], %mul3A_817 {strides = array<i32>} : memref<104x64xf32, #tpu.memory_space<vmem>>, vector<16xf32>,
        %get3A_821 = arith.index_cast %add3A_803 : i32 to index
        %get3A_822 = arith.constant 32 : index
        %get3A_823 = tpu.vector_load %arg9[%get3A_821, %get3A_822] {strides = array<i32>} : memref<104x128xf32, #tpu.memory_space<vmem>>, vector<16xf32>,
        %mul3A_824 = arith.mulf %broadcast_in_dim3A_806, %get3A_823 : vector<16xf32>
        %swap3A_825 = arith.index_cast %add3A_803 : i32 to index
        %swap3A_826 = arith.constant 32 : index
        %swap3A_827 = tpu.vector_load %arg11[%swap3A_825, %swap3A_826] {strides = array<i32>} : memref<104x64xf32, #tpu.memory_space<vmem>>, vector<16xf32>,
        tpu.vector_store %arg11[%swap3A_825, %swap3A_826], %mul3A_824 {strides = array<i32>} : memref<104x64xf32, #tpu.memory_space<vmem>>, vector<16xf32>,
        %get3A_828 = arith.index_cast %add3A_803 : i32 to index
        %get3A_829 = arith.constant 48 : index
        %get3A_830 = tpu.vector_load %arg9[%get3A_828, %get3A_829] {strides = array<i32>} : memref<104x128xf32, #tpu.memory_space<vmem>>, vector<16xf32>,
        %mul3A_831 = arith.mulf %broadcast_in_dim3A_806, %get3A_830 : vector<16xf32>
        %swap3A_832 = arith.index_cast %add3A_803 : i32 to index
        %swap3A_833 = arith.constant 48 : index
        %swap3A_834 = tpu.vector_load %arg11[%swap3A_832, %swap3A_833] {strides = array<i32>} : memref<104x64xf32, #tpu.memory_space<vmem>>, vector<16xf32>,
        tpu.vector_store %arg11[%swap3A_832, %swap3A_833], %mul3A_831 {strides = array<i32>} : memref<104x64xf32, #tpu.memory_space<vmem>>, vector<16xf32>,
        %mul3A_835 = arith.constant 16 : i32
        %mul3A_836 = arith.muli %scan3A_512, %mul3A_835 : i32
        %add3A_837 = arith.constant 9 : i32
        %add3A_838 = arith.addi %mul3A_836, %add3A_837 : i32
        %slice3A_839 = vector.extract_strided_slice %mul3A_519 {offsets = [9], sizes = [1], strides = [1]} : vector<16xf32> to vector<1xf32>
        %squeeze3A_840 = vector.extract %slice3A_839[0] : f32 from vector<1xf32>
        %broadcast_in_dim3A_841 = vector.broadcast %squeeze3A_840 : f32 to vector<16xf32>
        %get3A_842 = arith.index_cast %add3A_838 : i32 to index
        %get3A_843 = arith.constant 0 : index
        %get3A_844 = tpu.vector_load %arg9[%get3A_842, %get3A_843] {strides = array<i32>} : memref<104x128xf32, #tpu.memory_space<vmem>>, vector<16xf32>,
        %mul3A_845 = arith.mulf %broadcast_in_dim3A_841, %get3A_844 : vector<16xf32>
        %swap3A_846 = arith.index_cast %add3A_838 : i32 to index
        %swap3A_847 = arith.constant 0 : index
        %swap3A_848 = tpu.vector_load %arg11[%swap3A_846, %swap3A_847] {strides = array<i32>} : memref<104x64xf32, #tpu.memory_space<vmem>>, vector<16xf32>,
        tpu.vector_store %arg11[%swap3A_846, %swap3A_847], %mul3A_845 {strides = array<i32>} : memref<104x64xf32, #tpu.memory_space<vmem>>, vector<16xf32>,
        %get3A_849 = arith.index_cast %add3A_838 : i32 to index
        %get3A_850 = arith.constant 16 : index
        %get3A_851 = tpu.vector_load %arg9[%get3A_849, %get3A_850] {strides = array<i32>} : memref<104x128xf32, #tpu.memory_space<vmem>>, vector<16xf32>,
        %mul3A_852 = arith.mulf %broadcast_in_dim3A_841, %get3A_851 : vector<16xf32>
        %swap3A_853 = arith.index_cast %add3A_838 : i32 to index
        %swap3A_854 = arith.constant 16 : index
        %swap3A_855 = tpu.vector_load %arg11[%swap3A_853, %swap3A_854] {strides = array<i32>} : memref<104x64xf32, #tpu.memory_space<vmem>>, vector<16xf32>,
        tpu.vector_store %arg11[%swap3A_853, %swap3A_854], %mul3A_852 {strides = array<i32>} : memref<104x64xf32, #tpu.memory_space<vmem>>, vector<16xf32>,
        %get3A_856 = arith.index_cast %add3A_838 : i32 to index
        %get3A_857 = arith.constant 32 : index
        %get3A_858 = tpu.vector_load %arg9[%get3A_856, %get3A_857] {strides = array<i32>} : memref<104x128xf32, #tpu.memory_space<vmem>>, vector<16xf32>,
        %mul3A_859 = arith.mulf %broadcast_in_dim3A_841, %get3A_858 : vector<16xf32>
        %swap3A_860 = arith.index_cast %add3A_838 : i32 to index
        %swap3A_861 = arith.constant 32 : index
        %swap3A_862 = tpu.vector_load %arg11[%swap3A_860, %swap3A_861] {strides = array<i32>} : memref<104x64xf32, #tpu.memory_space<vmem>>, vector<16xf32>,
        tpu.vector_store %arg11[%swap3A_860, %swap3A_861], %mul3A_859 {strides = array<i32>} : memref<104x64xf32, #tpu.memory_space<vmem>>, vector<16xf32>,
        %get3A_863 = arith.index_cast %add3A_838 : i32 to index
        %get3A_864 = arith.constant 48 : index
        %get3A_865 = tpu.vector_load %arg9[%get3A_863, %get3A_864] {strides = array<i32>} : memref<104x128xf32, #tpu.memory_space<vmem>>, vector<16xf32>,
        %mul3A_866 = arith.mulf %broadcast_in_dim3A_841, %get3A_865 : vector<16xf32>
        %swap3A_867 = arith.index_cast %add3A_838 : i32 to index
        %swap3A_868 = arith.constant 48 : index
        %swap3A_869 = tpu.vector_load %arg11[%swap3A_867, %swap3A_868] {strides = array<i32>} : memref<104x64xf32, #tpu.memory_space<vmem>>, vector<16xf32>,
        tpu.vector_store %arg11[%swap3A_867, %swap3A_868], %mul3A_866 {strides = array<i32>} : memref<104x64xf32, #tpu.memory_space<vmem>>, vector<16xf32>,
        %mul3A_870 = arith.constant 16 : i32
        %mul3A_871 = arith.muli %scan3A_512, %mul3A_870 : i32
        %add3A_872 = arith.constant 10 : i32
        %add3A_873 = arith.addi %mul3A_871, %add3A_872 : i32
        %slice3A_874 = vector.extract_strided_slice %mul3A_519 {offsets = [10], sizes = [1], strides = [1]} : vector<16xf32> to vector<1xf32>
        %squeeze3A_875 = vector.extract %slice3A_874[0] : f32 from vector<1xf32>
        %broadcast_in_dim3A_876 = vector.broadcast %squeeze3A_875 : f32 to vector<16xf32>
        %get3A_877 = arith.index_cast %add3A_873 : i32 to index
        %get3A_878 = arith.constant 0 : index
        %get3A_879 = tpu.vector_load %arg9[%get3A_877, %get3A_878] {strides = array<i32>} : memref<104x128xf32, #tpu.memory_space<vmem>>, vector<16xf32>,
        %mul3A_880 = arith.mulf %broadcast_in_dim3A_876, %get3A_879 : vector<16xf32>
        %swap3A_881 = arith.index_cast %add3A_873 : i32 to index
        %swap3A_882 = arith.constant 0 : index
        %swap3A_883 = tpu.vector_load %arg11[%swap3A_881, %swap3A_882] {strides = array<i32>} : memref<104x64xf32, #tpu.memory_space<vmem>>, vector<16xf32>,
        tpu.vector_store %arg11[%swap3A_881, %swap3A_882], %mul3A_880 {strides = array<i32>} : memref<104x64xf32, #tpu.memory_space<vmem>>, vector<16xf32>,
        %get3A_884 = arith.index_cast %add3A_873 : i32 to index
        %get3A_885 = arith.constant 16 : index
        %get3A_886 = tpu.vector_load %arg9[%get3A_884, %get3A_885] {strides = array<i32>} : memref<104x128xf32, #tpu.memory_space<vmem>>, vector<16xf32>,
        %mul3A_887 = arith.mulf %broadcast_in_dim3A_876, %get3A_886 : vector<16xf32>
        %swap3A_888 = arith.index_cast %add3A_873 : i32 to index
        %swap3A_889 = arith.constant 16 : index
        %swap3A_890 = tpu.vector_load %arg11[%swap3A_888, %swap3A_889] {strides = array<i32>} : memref<104x64xf32, #tpu.memory_space<vmem>>, vector<16xf32>,
        tpu.vector_store %arg11[%swap3A_888, %swap3A_889], %mul3A_887 {strides = array<i32>} : memref<104x64xf32, #tpu.memory_space<vmem>>, vector<16xf32>,
        %get3A_891 = arith.index_cast %add3A_873 : i32 to index
        %get3A_892 = arith.constant 32 : index
        %get3A_893 = tpu.vector_load %arg9[%get3A_891, %get3A_892] {strides = array<i32>} : memref<104x128xf32, #tpu.memory_space<vmem>>, vector<16xf32>,
        %mul3A_894 = arith.mulf %broadcast_in_dim3A_876, %get3A_893 : vector<16xf32>
        %swap3A_895 = arith.index_cast %add3A_873 : i32 to index
        %swap3A_896 = arith.constant 32 : index
        %swap3A_897 = tpu.vector_load %arg11[%swap3A_895, %swap3A_896] {strides = array<i32>} : memref<104x64xf32, #tpu.memory_space<vmem>>, vector<16xf32>,
        tpu.vector_store %arg11[%swap3A_895, %swap3A_896], %mul3A_894 {strides = array<i32>} : memref<104x64xf32, #tpu.memory_space<vmem>>, vector<16xf32>,
        %get3A_898 = arith.index_cast %add3A_873 : i32 to index
        %get3A_899 = arith.constant 48 : index
        %get3A_900 = tpu.vector_load %arg9[%get3A_898, %get3A_899] {strides = array<i32>} : memref<104x128xf32, #tpu.memory_space<vmem>>, vector<16xf32>,
        %mul3A_901 = arith.mulf %broadcast_in_dim3A_876, %get3A_900 : vector<16xf32>
        %swap3A_902 = arith.index_cast %add3A_873 : i32 to index
        %swap3A_903 = arith.constant 48 : index
        %swap3A_904 = tpu.vector_load %arg11[%swap3A_902, %swap3A_903] {strides = array<i32>} : memref<104x64xf32, #tpu.memory_space<vmem>>, vector<16xf32>,
        tpu.vector_store %arg11[%swap3A_902, %swap3A_903], %mul3A_901 {strides = array<i32>} : memref<104x64xf32, #tpu.memory_space<vmem>>, vector<16xf32>,
        %mul3A_905 = arith.constant 16 : i32
        %mul3A_906 = arith.muli %scan3A_512, %mul3A_905 : i32
        %add3A_907 = arith.constant 11 : i32
        %add3A_908 = arith.addi %mul3A_906, %add3A_907 : i32
        %slice3A_909 = vector.extract_strided_slice %mul3A_519 {offsets = [11], sizes = [1], strides = [1]} : vector<16xf32> to vector<1xf32>
        %squeeze3A_910 = vector.extract %slice3A_909[0] : f32 from vector<1xf32>
        %broadcast_in_dim3A_911 = vector.broadcast %squeeze3A_910 : f32 to vector<16xf32>
        %get3A_912 = arith.index_cast %add3A_908 : i32 to index
        %get3A_913 = arith.constant 0 : index
        %get3A_914 = tpu.vector_load %arg9[%get3A_912, %get3A_913] {strides = array<i32>} : memref<104x128xf32, #tpu.memory_space<vmem>>, vector<16xf32>,
        %mul3A_915 = arith.mulf %broadcast_in_dim3A_911, %get3A_914 : vector<16xf32>
        %swap3A_916 = arith.index_cast %add3A_908 : i32 to index
        %swap3A_917 = arith.constant 0 : index
        %swap3A_918 = tpu.vector_load %arg11[%swap3A_916, %swap3A_917] {strides = array<i32>} : memref<104x64xf32, #tpu.memory_space<vmem>>, vector<16xf32>,
        tpu.vector_store %arg11[%swap3A_916, %swap3A_917], %mul3A_915 {strides = array<i32>} : memref<104x64xf32, #tpu.memory_space<vmem>>, vector<16xf32>,
        %get3A_919 = arith.index_cast %add3A_908 : i32 to index
        %get3A_920 = arith.constant 16 : index
        %get3A_921 = tpu.vector_load %arg9[%get3A_919, %get3A_920] {strides = array<i32>} : memref<104x128xf32, #tpu.memory_space<vmem>>, vector<16xf32>,
        %mul3A_922 = arith.mulf %broadcast_in_dim3A_911, %get3A_921 : vector<16xf32>
        %swap3A_923 = arith.index_cast %add3A_908 : i32 to index
        %swap3A_924 = arith.constant 16 : index
        %swap3A_925 = tpu.vector_load %arg11[%swap3A_923, %swap3A_924] {strides = array<i32>} : memref<104x64xf32, #tpu.memory_space<vmem>>, vector<16xf32>,
        tpu.vector_store %arg11[%swap3A_923, %swap3A_924], %mul3A_922 {strides = array<i32>} : memref<104x64xf32, #tpu.memory_space<vmem>>, vector<16xf32>,
        %get3A_926 = arith.index_cast %add3A_908 : i32 to index
        %get3A_927 = arith.constant 32 : index
        %get3A_928 = tpu.vector_load %arg9[%get3A_926, %get3A_927] {strides = array<i32>} : memref<104x128xf32, #tpu.memory_space<vmem>>, vector<16xf32>,
        %mul3A_929 = arith.mulf %broadcast_in_dim3A_911, %get3A_928 : vector<16xf32>
        %swap3A_930 = arith.index_cast %add3A_908 : i32 to index
        %swap3A_931 = arith.constant 32 : index
        %swap3A_932 = tpu.vector_load %arg11[%swap3A_930, %swap3A_931] {strides = array<i32>} : memref<104x64xf32, #tpu.memory_space<vmem>>, vector<16xf32>,
        tpu.vector_store %arg11[%swap3A_930, %swap3A_931], %mul3A_929 {strides = array<i32>} : memref<104x64xf32, #tpu.memory_space<vmem>>, vector<16xf32>,
        %get3A_933 = arith.index_cast %add3A_908 : i32 to index
        %get3A_934 = arith.constant 48 : index
        %get3A_935 = tpu.vector_load %arg9[%get3A_933, %get3A_934] {strides = array<i32>} : memref<104x128xf32, #tpu.memory_space<vmem>>, vector<16xf32>,
        %mul3A_936 = arith.mulf %broadcast_in_dim3A_911, %get3A_935 : vector<16xf32>
        %swap3A_937 = arith.index_cast %add3A_908 : i32 to index
        %swap3A_938 = arith.constant 48 : index
        %swap3A_939 = tpu.vector_load %arg11[%swap3A_937, %swap3A_938] {strides = array<i32>} : memref<104x64xf32, #tpu.memory_space<vmem>>, vector<16xf32>,
        tpu.vector_store %arg11[%swap3A_937, %swap3A_938], %mul3A_936 {strides = array<i32>} : memref<104x64xf32, #tpu.memory_space<vmem>>, vector<16xf32>,
        %mul3A_940 = arith.constant 16 : i32
        %mul3A_941 = arith.muli %scan3A_512, %mul3A_940 : i32
        %add3A_942 = arith.constant 12 : i32
        %add3A_943 = arith.addi %mul3A_941, %add3A_942 : i32
        %slice3A_944 = vector.extract_strided_slice %mul3A_519 {offsets = [12], sizes = [1], strides = [1]} : vector<16xf32> to vector<1xf32>
        %squeeze3A_945 = vector.extract %slice3A_944[0] : f32 from vector<1xf32>
        %broadcast_in_dim3A_946 = vector.broadcast %squeeze3A_945 : f32 to vector<16xf32>
        %get3A_947 = arith.index_cast %add3A_943 : i32 to index
        %get3A_948 = arith.constant 0 : index
        %get3A_949 = tpu.vector_load %arg9[%get3A_947, %get3A_948] {strides = array<i32>} : memref<104x128xf32, #tpu.memory_space<vmem>>, vector<16xf32>,
        %mul3A_950 = arith.mulf %broadcast_in_dim3A_946, %get3A_949 : vector<16xf32>
        %swap3A_951 = arith.index_cast %add3A_943 : i32 to index
        %swap3A_952 = arith.constant 0 : index
        %swap3A_953 = tpu.vector_load %arg11[%swap3A_951, %swap3A_952] {strides = array<i32>} : memref<104x64xf32, #tpu.memory_space<vmem>>, vector<16xf32>,
        tpu.vector_store %arg11[%swap3A_951, %swap3A_952], %mul3A_950 {strides = array<i32>} : memref<104x64xf32, #tpu.memory_space<vmem>>, vector<16xf32>,
        %get3A_954 = arith.index_cast %add3A_943 : i32 to index
        %get3A_955 = arith.constant 16 : index
        %get3A_956 = tpu.vector_load %arg9[%get3A_954, %get3A_955] {strides = array<i32>} : memref<104x128xf32, #tpu.memory_space<vmem>>, vector<16xf32>,
        %mul3A_957 = arith.mulf %broadcast_in_dim3A_946, %get3A_956 : vector<16xf32>
        %swap3A_958 = arith.index_cast %add3A_943 : i32 to index
        %swap3A_959 = arith.constant 16 : index
        %swap3A_960 = tpu.vector_load %arg11[%swap3A_958, %swap3A_959] {strides = array<i32>} : memref<104x64xf32, #tpu.memory_space<vmem>>, vector<16xf32>,
        tpu.vector_store %arg11[%swap3A_958, %swap3A_959], %mul3A_957 {strides = array<i32>} : memref<104x64xf32, #tpu.memory_space<vmem>>, vector<16xf32>,
        %get3A_961 = arith.index_cast %add3A_943 : i32 to index
        %get3A_962 = arith.constant 32 : index
        %get3A_963 = tpu.vector_load %arg9[%get3A_961, %get3A_962] {strides = array<i32>} : memref<104x128xf32, #tpu.memory_space<vmem>>, vector<16xf32>,
        %mul3A_964 = arith.mulf %broadcast_in_dim3A_946, %get3A_963 : vector<16xf32>
        %swap3A_965 = arith.index_cast %add3A_943 : i32 to index
        %swap3A_966 = arith.constant 32 : index
        %swap3A_967 = tpu.vector_load %arg11[%swap3A_965, %swap3A_966] {strides = array<i32>} : memref<104x64xf32, #tpu.memory_space<vmem>>, vector<16xf32>,
        tpu.vector_store %arg11[%swap3A_965, %swap3A_966], %mul3A_964 {strides = array<i32>} : memref<104x64xf32, #tpu.memory_space<vmem>>, vector<16xf32>,
        %get3A_968 = arith.index_cast %add3A_943 : i32 to index
        %get3A_969 = arith.constant 48 : index
        %get3A_970 = tpu.vector_load %arg9[%get3A_968, %get3A_969] {strides = array<i32>} : memref<104x128xf32, #tpu.memory_space<vmem>>, vector<16xf32>,
        %mul3A_971 = arith.mulf %broadcast_in_dim3A_946, %get3A_970 : vector<16xf32>
        %swap3A_972 = arith.index_cast %add3A_943 : i32 to index
        %swap3A_973 = arith.constant 48 : index
        %swap3A_974 = tpu.vector_load %arg11[%swap3A_972, %swap3A_973] {strides = array<i32>} : memref<104x64xf32, #tpu.memory_space<vmem>>, vector<16xf32>,
        tpu.vector_store %arg11[%swap3A_972, %swap3A_973], %mul3A_971 {strides = array<i32>} : memref<104x64xf32, #tpu.memory_space<vmem>>, vector<16xf32>,
        %mul3A_975 = arith.constant 16 : i32
        %mul3A_976 = arith.muli %scan3A_512, %mul3A_975 : i32
        %add3A_977 = arith.constant 13 : i32
        %add3A_978 = arith.addi %mul3A_976, %add3A_977 : i32
        %slice3A_979 = vector.extract_strided_slice %mul3A_519 {offsets = [13], sizes = [1], strides = [1]} : vector<16xf32> to vector<1xf32>
        %squeeze3A_980 = vector.extract %slice3A_979[0] : f32 from vector<1xf32>
        %broadcast_in_dim3A_981 = vector.broadcast %squeeze3A_980 : f32 to vector<16xf32>
        %get3A_982 = arith.index_cast %add3A_978 : i32 to index
        %get3A_983 = arith.constant 0 : index
        %get3A_984 = tpu.vector_load %arg9[%get3A_982, %get3A_983] {strides = array<i32>} : memref<104x128xf32, #tpu.memory_space<vmem>>, vector<16xf32>,
        %mul3A_985 = arith.mulf %broadcast_in_dim3A_981, %get3A_984 : vector<16xf32>
        %swap3A_986 = arith.index_cast %add3A_978 : i32 to index
        %swap3A_987 = arith.constant 0 : index
        %swap3A_988 = tpu.vector_load %arg11[%swap3A_986, %swap3A_987] {strides = array<i32>} : memref<104x64xf32, #tpu.memory_space<vmem>>, vector<16xf32>,
        tpu.vector_store %arg11[%swap3A_986, %swap3A_987], %mul3A_985 {strides = array<i32>} : memref<104x64xf32, #tpu.memory_space<vmem>>, vector<16xf32>,
        %get3A_989 = arith.index_cast %add3A_978 : i32 to index
        %get3A_990 = arith.constant 16 : index
        %get3A_991 = tpu.vector_load %arg9[%get3A_989, %get3A_990] {strides = array<i32>} : memref<104x128xf32, #tpu.memory_space<vmem>>, vector<16xf32>,
        %mul3A_992 = arith.mulf %broadcast_in_dim3A_981, %get3A_991 : vector<16xf32>
        %swap3A_993 = arith.index_cast %add3A_978 : i32 to index
        %swap3A_994 = arith.constant 16 : index
        %swap3A_995 = tpu.vector_load %arg11[%swap3A_993, %swap3A_994] {strides = array<i32>} : memref<104x64xf32, #tpu.memory_space<vmem>>, vector<16xf32>,
        tpu.vector_store %arg11[%swap3A_993, %swap3A_994], %mul3A_992 {strides = array<i32>} : memref<104x64xf32, #tpu.memory_space<vmem>>, vector<16xf32>,
        %get3A_996 = arith.index_cast %add3A_978 : i32 to index
        %get3A_997 = arith.constant 32 : index
        %get3A_998 = tpu.vector_load %arg9[%get3A_996, %get3A_997] {strides = array<i32>} : memref<104x128xf32, #tpu.memory_space<vmem>>, vector<16xf32>,
        %mul3A_999 = arith.mulf %broadcast_in_dim3A_981, %get3A_998 : vector<16xf32>
        %swap3A_1000 = arith.index_cast %add3A_978 : i32 to index
        %swap3A_1001 = arith.constant 32 : index
        %swap3A_1002 = tpu.vector_load %arg11[%swap3A_1000, %swap3A_1001] {strides = array<i32>} : memref<104x64xf32, #tpu.memory_space<vmem>>, vector<16xf32>,
        tpu.vector_store %arg11[%swap3A_1000, %swap3A_1001], %mul3A_999 {strides = array<i32>} : memref<104x64xf32, #tpu.memory_space<vmem>>, vector<16xf32>,
        %get3A_1003 = arith.index_cast %add3A_978 : i32 to index
        %get3A_1004 = arith.constant 48 : index
        %get3A_1005 = tpu.vector_load %arg9[%get3A_1003, %get3A_1004] {strides = array<i32>} : memref<104x128xf32, #tpu.memory_space<vmem>>, vector<16xf32>,
        %mul3A_1006 = arith.mulf %broadcast_in_dim3A_981, %get3A_1005 : vector<16xf32>
        %swap3A_1007 = arith.index_cast %add3A_978 : i32 to index
        %swap3A_1008 = arith.constant 48 : index
        %swap3A_1009 = tpu.vector_load %arg11[%swap3A_1007, %swap3A_1008] {strides = array<i32>} : memref<104x64xf32, #tpu.memory_space<vmem>>, vector<16xf32>,
        tpu.vector_store %arg11[%swap3A_1007, %swap3A_1008], %mul3A_1006 {strides = array<i32>} : memref<104x64xf32, #tpu.memory_space<vmem>>, vector<16xf32>,
        %mul3A_1010 = arith.constant 16 : i32
        %mul3A_1011 = arith.muli %scan3A_512, %mul3A_1010 : i32
        %add3A_1012 = arith.constant 14 : i32
        %add3A_1013 = arith.addi %mul3A_1011, %add3A_1012 : i32
        %slice3A_1014 = vector.extract_strided_slice %mul3A_519 {offsets = [14], sizes = [1], strides = [1]} : vector<16xf32> to vector<1xf32>
        %squeeze3A_1015 = vector.extract %slice3A_1014[0] : f32 from vector<1xf32>
        %broadcast_in_dim3A_1016 = vector.broadcast %squeeze3A_1015 : f32 to vector<16xf32>
        %get3A_1017 = arith.index_cast %add3A_1013 : i32 to index
        %get3A_1018 = arith.constant 0 : index
        %get3A_1019 = tpu.vector_load %arg9[%get3A_1017, %get3A_1018] {strides = array<i32>} : memref<104x128xf32, #tpu.memory_space<vmem>>, vector<16xf32>,
        %mul3A_1020 = arith.mulf %broadcast_in_dim3A_1016, %get3A_1019 : vector<16xf32>
        %swap3A_1021 = arith.index_cast %add3A_1013 : i32 to index
        %swap3A_1022 = arith.constant 0 : index
        %swap3A_1023 = tpu.vector_load %arg11[%swap3A_1021, %swap3A_1022] {strides = array<i32>} : memref<104x64xf32, #tpu.memory_space<vmem>>, vector<16xf32>,
        tpu.vector_store %arg11[%swap3A_1021, %swap3A_1022], %mul3A_1020 {strides = array<i32>} : memref<104x64xf32, #tpu.memory_space<vmem>>, vector<16xf32>,
        %get3A_1024 = arith.index_cast %add3A_1013 : i32 to index
        %get3A_1025 = arith.constant 16 : index
        %get3A_1026 = tpu.vector_load %arg9[%get3A_1024, %get3A_1025] {strides = array<i32>} : memref<104x128xf32, #tpu.memory_space<vmem>>, vector<16xf32>,
        %mul3A_1027 = arith.mulf %broadcast_in_dim3A_1016, %get3A_1026 : vector<16xf32>
        %swap3A_1028 = arith.index_cast %add3A_1013 : i32 to index
        %swap3A_1029 = arith.constant 16 : index
        %swap3A_1030 = tpu.vector_load %arg11[%swap3A_1028, %swap3A_1029] {strides = array<i32>} : memref<104x64xf32, #tpu.memory_space<vmem>>, vector<16xf32>,
        tpu.vector_store %arg11[%swap3A_1028, %swap3A_1029], %mul3A_1027 {strides = array<i32>} : memref<104x64xf32, #tpu.memory_space<vmem>>, vector<16xf32>,
        %get3A_1031 = arith.index_cast %add3A_1013 : i32 to index
        %get3A_1032 = arith.constant 32 : index
        %get3A_1033 = tpu.vector_load %arg9[%get3A_1031, %get3A_1032] {strides = array<i32>} : memref<104x128xf32, #tpu.memory_space<vmem>>, vector<16xf32>,
        %mul3A_1034 = arith.mulf %broadcast_in_dim3A_1016, %get3A_1033 : vector<16xf32>
        %swap3A_1035 = arith.index_cast %add3A_1013 : i32 to index
        %swap3A_1036 = arith.constant 32 : index
        %swap3A_1037 = tpu.vector_load %arg11[%swap3A_1035, %swap3A_1036] {strides = array<i32>} : memref<104x64xf32, #tpu.memory_space<vmem>>, vector<16xf32>,
        tpu.vector_store %arg11[%swap3A_1035, %swap3A_1036], %mul3A_1034 {strides = array<i32>} : memref<104x64xf32, #tpu.memory_space<vmem>>, vector<16xf32>,
        %get3A_1038 = arith.index_cast %add3A_1013 : i32 to index
        %get3A_1039 = arith.constant 48 : index
        %get3A_1040 = tpu.vector_load %arg9[%get3A_1038, %get3A_1039] {strides = array<i32>} : memref<104x128xf32, #tpu.memory_space<vmem>>, vector<16xf32>,
        %mul3A_1041 = arith.mulf %broadcast_in_dim3A_1016, %get3A_1040 : vector<16xf32>
        %swap3A_1042 = arith.index_cast %add3A_1013 : i32 to index
        %swap3A_1043 = arith.constant 48 : index
        %swap3A_1044 = tpu.vector_load %arg11[%swap3A_1042, %swap3A_1043] {strides = array<i32>} : memref<104x64xf32, #tpu.memory_space<vmem>>, vector<16xf32>,
        tpu.vector_store %arg11[%swap3A_1042, %swap3A_1043], %mul3A_1041 {strides = array<i32>} : memref<104x64xf32, #tpu.memory_space<vmem>>, vector<16xf32>,
        %mul3A_1045 = arith.constant 16 : i32
        %mul3A_1046 = arith.muli %scan3A_512, %mul3A_1045 : i32
        %add3A_1047 = arith.constant 15 : i32
        %add3A_1048 = arith.addi %mul3A_1046, %add3A_1047 : i32
        %slice3A_1049 = vector.extract_strided_slice %mul3A_519 {offsets = [15], sizes = [1], strides = [1]} : vector<16xf32> to vector<1xf32>
        %squeeze3A_1050 = vector.extract %slice3A_1049[0] : f32 from vector<1xf32>
        %broadcast_in_dim3A_1051 = vector.broadcast %squeeze3A_1050 : f32 to vector<16xf32>
        %get3A_1052 = arith.index_cast %add3A_1048 : i32 to index
        %get3A_1053 = arith.constant 0 : index
        %get3A_1054 = tpu.vector_load %arg9[%get3A_1052, %get3A_1053] {strides = array<i32>} : memref<104x128xf32, #tpu.memory_space<vmem>>, vector<16xf32>,
        %mul3A_1055 = arith.mulf %broadcast_in_dim3A_1051, %get3A_1054 : vector<16xf32>
        %swap3A_1056 = arith.index_cast %add3A_1048 : i32 to index
        %swap3A_1057 = arith.constant 0 : index
        %swap3A_1058 = tpu.vector_load %arg11[%swap3A_1056, %swap3A_1057] {strides = array<i32>} : memref<104x64xf32, #tpu.memory_space<vmem>>, vector<16xf32>,
        tpu.vector_store %arg11[%swap3A_1056, %swap3A_1057], %mul3A_1055 {strides = array<i32>} : memref<104x64xf32, #tpu.memory_space<vmem>>, vector<16xf32>,
        %get3A_1059 = arith.index_cast %add3A_1048 : i32 to index
        %get3A_1060 = arith.constant 16 : index
        %get3A_1061 = tpu.vector_load %arg9[%get3A_1059, %get3A_1060] {strides = array<i32>} : memref<104x128xf32, #tpu.memory_space<vmem>>, vector<16xf32>,
        %mul3A_1062 = arith.mulf %broadcast_in_dim3A_1051, %get3A_1061 : vector<16xf32>
        %swap3A_1063 = arith.index_cast %add3A_1048 : i32 to index
        %swap3A_1064 = arith.constant 16 : index
        %swap3A_1065 = tpu.vector_load %arg11[%swap3A_1063, %swap3A_1064] {strides = array<i32>} : memref<104x64xf32, #tpu.memory_space<vmem>>, vector<16xf32>,
        tpu.vector_store %arg11[%swap3A_1063, %swap3A_1064], %mul3A_1062 {strides = array<i32>} : memref<104x64xf32, #tpu.memory_space<vmem>>, vector<16xf32>,
        %get3A_1066 = arith.index_cast %add3A_1048 : i32 to index
        %get3A_1067 = arith.constant 32 : index
        %get3A_1068 = tpu.vector_load %arg9[%get3A_1066, %get3A_1067] {strides = array<i32>} : memref<104x128xf32, #tpu.memory_space<vmem>>, vector<16xf32>,
        %mul3A_1069 = arith.mulf %broadcast_in_dim3A_1051, %get3A_1068 : vector<16xf32>
        %swap3A_1070 = arith.index_cast %add3A_1048 : i32 to index
        %swap3A_1071 = arith.constant 32 : index
        %swap3A_1072 = tpu.vector_load %arg11[%swap3A_1070, %swap3A_1071] {strides = array<i32>} : memref<104x64xf32, #tpu.memory_space<vmem>>, vector<16xf32>,
        tpu.vector_store %arg11[%swap3A_1070, %swap3A_1071], %mul3A_1069 {strides = array<i32>} : memref<104x64xf32, #tpu.memory_space<vmem>>, vector<16xf32>,
        %get3A_1073 = arith.index_cast %add3A_1048 : i32 to index
        %get3A_1074 = arith.constant 48 : index
        %get3A_1075 = tpu.vector_load %arg9[%get3A_1073, %get3A_1074] {strides = array<i32>} : memref<104x128xf32, #tpu.memory_space<vmem>>, vector<16xf32>,
        %mul3A_1076 = arith.mulf %broadcast_in_dim3A_1051, %get3A_1075 : vector<16xf32>
        %swap3A_1077 = arith.index_cast %add3A_1048 : i32 to index
        %swap3A_1078 = arith.constant 48 : index
        %swap3A_1079 = tpu.vector_load %arg11[%swap3A_1077, %swap3A_1078] {strides = array<i32>} : memref<104x64xf32, #tpu.memory_space<vmem>>, vector<16xf32>,
        tpu.vector_store %arg11[%swap3A_1077, %swap3A_1078], %mul3A_1076 {strides = array<i32>} : memref<104x64xf32, #tpu.memory_space<vmem>>, vector<16xf32>,
      }
      %scan3A_184 = arith.constant 6 : i32
      %get3A = arith.constant 88 : index
      %get3A_185 = tpu.vector_load %arg13[%get3A] {strides = array<i32>} : memref<104xf32, #tpu.memory_space<vmem>>, vector<16xf32>,
      %mul3A_186 = arith.constant 5.000000e+00 : f32
      %mul3A_187 = vector.broadcast %mul3A_186 : f32 to vector<16xf32>
      %mul3A_188 = arith.mulf %get3A_185, %mul3A_187 : vector<16xf32>
      %slice3A = vector.extract_strided_slice %mul3A_188 {offsets = [8], sizes = [1], strides = [1]} : vector<16xf32> to vector<1xf32>
      %squeeze3A = vector.extract %slice3A[0] : f32 from vector<1xf32>
      %broadcast_in_dim3A = vector.broadcast %squeeze3A : f32 to vector<16xf32>
      %get3A_189 = arith.constant 96 : i32
      %get3A_190 = arith.index_cast %get3A_189 : i32 to index
      %get3A_191 = arith.constant 0 : index
      %get3A_192 = tpu.vector_load %arg9[%get3A_190, %get3A_191] {strides = array<i32>} : memref<104x128xf32, #tpu.memory_space<vmem>>, vector<16xf32>,
      %mul3A_193 = arith.mulf %broadcast_in_dim3A, %get3A_192 : vector<16xf32>
      %swap3A = arith.constant 96 : i32
      %swap3A_194 = arith.index_cast %swap3A : i32 to index
      %swap3A_195 = arith.constant 0 : index
      %swap3A_196 = tpu.vector_load %arg11[%swap3A_194, %swap3A_195] {strides = array<i32>} : memref<104x64xf32, #tpu.memory_space<vmem>>, vector<16xf32>,
      tpu.vector_store %arg11[%swap3A_194, %swap3A_195], %mul3A_193 {strides = array<i32>} : memref<104x64xf32, #tpu.memory_space<vmem>>, vector<16xf32>,
      %get3A_197 = arith.constant 96 : i32
      %get3A_198 = arith.index_cast %get3A_197 : i32 to index
      %get3A_199 = arith.constant 16 : index
      %get3A_200 = tpu.vector_load %arg9[%get3A_198, %get3A_199] {strides = array<i32>} : memref<104x128xf32, #tpu.memory_space<vmem>>, vector<16xf32>,
      %mul3A_201 = arith.mulf %broadcast_in_dim3A, %get3A_200 : vector<16xf32>
      %swap3A_202 = arith.constant 96 : i32
      %swap3A_203 = arith.index_cast %swap3A_202 : i32 to index
      %swap3A_204 = arith.constant 16 : index
      %swap3A_205 = tpu.vector_load %arg11[%swap3A_203, %swap3A_204] {strides = array<i32>} : memref<104x64xf32, #tpu.memory_space<vmem>>, vector<16xf32>,
      tpu.vector_store %arg11[%swap3A_203, %swap3A_204], %mul3A_201 {strides = array<i32>} : memref<104x64xf32, #tpu.memory_space<vmem>>, vector<16xf32>,
      %get3A_206 = arith.constant 96 : i32
      %get3A_207 = arith.index_cast %get3A_206 : i32 to index
      %get3A_208 = arith.constant 32 : index
      %get3A_209 = tpu.vector_load %arg9[%get3A_207, %get3A_208] {strides = array<i32>} : memref<104x128xf32, #tpu.memory_space<vmem>>, vector<16xf32>,
      %mul3A_210 = arith.mulf %broadcast_in_dim3A, %get3A_209 : vector<16xf32>
      %swap3A_211 = arith.constant 96 : i32
      %swap3A_212 = arith.index_cast %swap3A_211 : i32 to index
      %swap3A_213 = arith.constant 32 : index
      %swap3A_214 = tpu.vector_load %arg11[%swap3A_212, %swap3A_213] {strides = array<i32>} : memref<104x64xf32, #tpu.memory_space<vmem>>, vector<16xf32>,
      tpu.vector_store %arg11[%swap3A_212, %swap3A_213], %mul3A_210 {strides = array<i32>} : memref<104x64xf32, #tpu.memory_space<vmem>>, vector<16xf32>,
      %get3A_215 = arith.constant 96 : i32
      %get3A_216 = arith.index_cast %get3A_215 : i32 to index
      %get3A_217 = arith.constant 48 : index
      %get3A_218 = tpu.vector_load %arg9[%get3A_216, %get3A_217] {strides = array<i32>} : memref<104x128xf32, #tpu.memory_space<vmem>>, vector<16xf32>,
      %mul3A_219 = arith.mulf %broadcast_in_dim3A, %get3A_218 : vector<16xf32>
      %swap3A_220 = arith.constant 96 : i32
      %swap3A_221 = arith.index_cast %swap3A_220 : i32 to index
      %swap3A_222 = arith.constant 48 : index
      %swap3A_223 = tpu.vector_load %arg11[%swap3A_221, %swap3A_222] {strides = array<i32>} : memref<104x64xf32, #tpu.memory_space<vmem>>, vector<16xf32>,
      tpu.vector_store %arg11[%swap3A_221, %swap3A_222], %mul3A_219 {strides = array<i32>} : memref<104x64xf32, #tpu.memory_space<vmem>>, vector<16xf32>,
      %slice3A_224 = vector.extract_strided_slice %mul3A_188 {offsets = [9], sizes = [1], strides = [1]} : vector<16xf32> to vector<1xf32>
      %squeeze3A_225 = vector.extract %slice3A_224[0] : f32 from vector<1xf32>
      %broadcast_in_dim3A_226 = vector.broadcast %squeeze3A_225 : f32 to vector<16xf32>
      %get3A_227 = arith.constant 97 : i32
      %get3A_228 = arith.index_cast %get3A_227 : i32 to index
      %get3A_229 = arith.constant 0 : index
      %get3A_230 = tpu.vector_load %arg9[%get3A_228, %get3A_229] {strides = array<i32>} : memref<104x128xf32, #tpu.memory_space<vmem>>, vector<16xf32>,
      %mul3A_231 = arith.mulf %broadcast_in_dim3A_226, %get3A_230 : vector<16xf32>
      %swap3A_232 = arith.constant 97 : i32
      %swap3A_233 = arith.index_cast %swap3A_232 : i32 to index
      %swap3A_234 = arith.constant 0 : index
      %swap3A_235 = tpu.vector_load %arg11[%swap3A_233, %swap3A_234] {strides = array<i32>} : memref<104x64xf32, #tpu.memory_space<vmem>>, vector<16xf32>,
      tpu.vector_store %arg11[%swap3A_233, %swap3A_234], %mul3A_231 {strides = array<i32>} : memref<104x64xf32, #tpu.memory_space<vmem>>, vector<16xf32>,
      %get3A_236 = arith.constant 97 : i32
      %get3A_237 = arith.index_cast %get3A_236 : i32 to index
      %get3A_238 = arith.constant 16 : index
      %get3A_239 = tpu.vector_load %arg9[%get3A_237, %get3A_238] {strides = array<i32>} : memref<104x128xf32, #tpu.memory_space<vmem>>, vector<16xf32>,
      %mul3A_240 = arith.mulf %broadcast_in_dim3A_226, %get3A_239 : vector<16xf32>
      %swap3A_241 = arith.constant 97 : i32
      %swap3A_242 = arith.index_cast %swap3A_241 : i32 to index
      %swap3A_243 = arith.constant 16 : index
      %swap3A_244 = tpu.vector_load %arg11[%swap3A_242, %swap3A_243] {strides = array<i32>} : memref<104x64xf32, #tpu.memory_space<vmem>>, vector<16xf32>,
      tpu.vector_store %arg11[%swap3A_242, %swap3A_243], %mul3A_240 {strides = array<i32>} : memref<104x64xf32, #tpu.memory_space<vmem>>, vector<16xf32>,
      %get3A_245 = arith.constant 97 : i32
      %get3A_246 = arith.index_cast %get3A_245 : i32 to index
      %get3A_247 = arith.constant 32 : index
      %get3A_248 = tpu.vector_load %arg9[%get3A_246, %get3A_247] {strides = array<i32>} : memref<104x128xf32, #tpu.memory_space<vmem>>, vector<16xf32>,
      %mul3A_249 = arith.mulf %broadcast_in_dim3A_226, %get3A_248 : vector<16xf32>
      %swap3A_250 = arith.constant 97 : i32
      %swap3A_251 = arith.index_cast %swap3A_250 : i32 to index
      %swap3A_252 = arith.constant 32 : index
      %swap3A_253 = tpu.vector_load %arg11[%swap3A_251, %swap3A_252] {strides = array<i32>} : memref<104x64xf32, #tpu.memory_space<vmem>>, vector<16xf32>,
      tpu.vector_store %arg11[%swap3A_251, %swap3A_252], %mul3A_249 {strides = array<i32>} : memref<104x64xf32, #tpu.memory_space<vmem>>, vector<16xf32>,
      %get3A_254 = arith.constant 97 : i32
      %get3A_255 = arith.index_cast %get3A_254 : i32 to index
      %get3A_256 = arith.constant 48 : index
      %get3A_257 = tpu.vector_load %arg9[%get3A_255, %get3A_256] {strides = array<i32>} : memref<104x128xf32, #tpu.memory_space<vmem>>, vector<16xf32>,
      %mul3A_258 = arith.mulf %broadcast_in_dim3A_226, %get3A_257 : vector<16xf32>
      %swap3A_259 = arith.constant 97 : i32
      %swap3A_260 = arith.index_cast %swap3A_259 : i32 to index
      %swap3A_261 = arith.constant 48 : index
      %swap3A_262 = tpu.vector_load %arg11[%swap3A_260, %swap3A_261] {strides = array<i32>} : memref<104x64xf32, #tpu.memory_space<vmem>>, vector<16xf32>,
      tpu.vector_store %arg11[%swap3A_260, %swap3A_261], %mul3A_258 {strides = array<i32>} : memref<104x64xf32, #tpu.memory_space<vmem>>, vector<16xf32>,
      %slice3A_263 = vector.extract_strided_slice %mul3A_188 {offsets = [10], sizes = [1], strides = [1]} : vector<16xf32> to vector<1xf32>
      %squeeze3A_264 = vector.extract %slice3A_263[0] : f32 from vector<1xf32>
      %broadcast_in_dim3A_265 = vector.broadcast %squeeze3A_264 : f32 to vector<16xf32>
      %get3A_266 = arith.constant 98 : i32
      %get3A_267 = arith.index_cast %get3A_266 : i32 to index
      %get3A_268 = arith.constant 0 : index
      %get3A_269 = tpu.vector_load %arg9[%get3A_267, %get3A_268] {strides = array<i32>} : memref<104x128xf32, #tpu.memory_space<vmem>>, vector<16xf32>,
      %mul3A_270 = arith.mulf %broadcast_in_dim3A_265, %get3A_269 : vector<16xf32>
      %swap3A_271 = arith.constant 98 : i32
      %swap3A_272 = arith.index_cast %swap3A_271 : i32 to index
      %swap3A_273 = arith.constant 0 : index
      %swap3A_274 = tpu.vector_load %arg11[%swap3A_272, %swap3A_273] {strides = array<i32>} : memref<104x64xf32, #tpu.memory_space<vmem>>, vector<16xf32>,
      tpu.vector_store %arg11[%swap3A_272, %swap3A_273], %mul3A_270 {strides = array<i32>} : memref<104x64xf32, #tpu.memory_space<vmem>>, vector<16xf32>,
      %get3A_275 = arith.constant 98 : i32
      %get3A_276 = arith.index_cast %get3A_275 : i32 to index
      %get3A_277 = arith.constant 16 : index
      %get3A_278 = tpu.vector_load %arg9[%get3A_276, %get3A_277] {strides = array<i32>} : memref<104x128xf32, #tpu.memory_space<vmem>>, vector<16xf32>,
      %mul3A_279 = arith.mulf %broadcast_in_dim3A_265, %get3A_278 : vector<16xf32>
      %swap3A_280 = arith.constant 98 : i32
      %swap3A_281 = arith.index_cast %swap3A_280 : i32 to index
      %swap3A_282 = arith.constant 16 : index
      %swap3A_283 = tpu.vector_load %arg11[%swap3A_281, %swap3A_282] {strides = array<i32>} : memref<104x64xf32, #tpu.memory_space<vmem>>, vector<16xf32>,
      tpu.vector_store %arg11[%swap3A_281, %swap3A_282], %mul3A_279 {strides = array<i32>} : memref<104x64xf32, #tpu.memory_space<vmem>>, vector<16xf32>,
      %get3A_284 = arith.constant 98 : i32
      %get3A_285 = arith.index_cast %get3A_284 : i32 to index
      %get3A_286 = arith.constant 32 : index
      %get3A_287 = tpu.vector_load %arg9[%get3A_285, %get3A_286] {strides = array<i32>} : memref<104x128xf32, #tpu.memory_space<vmem>>, vector<16xf32>,
      %mul3A_288 = arith.mulf %broadcast_in_dim3A_265, %get3A_287 : vector<16xf32>
      %swap3A_289 = arith.constant 98 : i32
      %swap3A_290 = arith.index_cast %swap3A_289 : i32 to index
      %swap3A_291 = arith.constant 32 : index
      %swap3A_292 = tpu.vector_load %arg11[%swap3A_290, %swap3A_291] {strides = array<i32>} : memref<104x64xf32, #tpu.memory_space<vmem>>, vector<16xf32>,
      tpu.vector_store %arg11[%swap3A_290, %swap3A_291], %mul3A_288 {strides = array<i32>} : memref<104x64xf32, #tpu.memory_space<vmem>>, vector<16xf32>,
      %get3A_293 = arith.constant 98 : i32
      %get3A_294 = arith.index_cast %get3A_293 : i32 to index
      %get3A_295 = arith.constant 48 : index
      %get3A_296 = tpu.vector_load %arg9[%get3A_294, %get3A_295] {strides = array<i32>} : memref<104x128xf32, #tpu.memory_space<vmem>>, vector<16xf32>,
      %mul3A_297 = arith.mulf %broadcast_in_dim3A_265, %get3A_296 : vector<16xf32>
      %swap3A_298 = arith.constant 98 : i32
      %swap3A_299 = arith.index_cast %swap3A_298 : i32 to index
      %swap3A_300 = arith.constant 48 : index
      %swap3A_301 = tpu.vector_load %arg11[%swap3A_299, %swap3A_300] {strides = array<i32>} : memref<104x64xf32, #tpu.memory_space<vmem>>, vector<16xf32>,
      tpu.vector_store %arg11[%swap3A_299, %swap3A_300], %mul3A_297 {strides = array<i32>} : memref<104x64xf32, #tpu.memory_space<vmem>>, vector<16xf32>,
      %slice3A_302 = vector.extract_strided_slice %mul3A_188 {offsets = [11], sizes = [1], strides = [1]} : vector<16xf32> to vector<1xf32>
      %squeeze3A_303 = vector.extract %slice3A_302[0] : f32 from vector<1xf32>
      %broadcast_in_dim3A_304 = vector.broadcast %squeeze3A_303 : f32 to vector<16xf32>
      %get3A_305 = arith.constant 99 : i32
      %get3A_306 = arith.index_cast %get3A_305 : i32 to index
      %get3A_307 = arith.constant 0 : index
      %get3A_308 = tpu.vector_load %arg9[%get3A_306, %get3A_307] {strides = array<i32>} : memref<104x128xf32, #tpu.memory_space<vmem>>, vector<16xf32>,
      %mul3A_309 = arith.mulf %broadcast_in_dim3A_304, %get3A_308 : vector<16xf32>
      %swap3A_310 = arith.constant 99 : i32
      %swap3A_311 = arith.index_cast %swap3A_310 : i32 to index
      %swap3A_312 = arith.constant 0 : index
      %swap3A_313 = tpu.vector_load %arg11[%swap3A_311, %swap3A_312] {strides = array<i32>} : memref<104x64xf32, #tpu.memory_space<vmem>>, vector<16xf32>,
      tpu.vector_store %arg11[%swap3A_311, %swap3A_312], %mul3A_309 {strides = array<i32>} : memref<104x64xf32, #tpu.memory_space<vmem>>, vector<16xf32>,
      %get3A_314 = arith.constant 99 : i32
      %get3A_315 = arith.index_cast %get3A_314 : i32 to index
      %get3A_316 = arith.constant 16 : index
      %get3A_317 = tpu.vector_load %arg9[%get3A_315, %get3A_316] {strides = array<i32>} : memref<104x128xf32, #tpu.memory_space<vmem>>, vector<16xf32>,
      %mul3A_318 = arith.mulf %broadcast_in_dim3A_304, %get3A_317 : vector<16xf32>
      %swap3A_319 = arith.constant 99 : i32
      %swap3A_320 = arith.index_cast %swap3A_319 : i32 to index
      %swap3A_321 = arith.constant 16 : index
      %swap3A_322 = tpu.vector_load %arg11[%swap3A_320, %swap3A_321] {strides = array<i32>} : memref<104x64xf32, #tpu.memory_space<vmem>>, vector<16xf32>,
      tpu.vector_store %arg11[%swap3A_320, %swap3A_321], %mul3A_318 {strides = array<i32>} : memref<104x64xf32, #tpu.memory_space<vmem>>, vector<16xf32>,
      %get3A_323 = arith.constant 99 : i32
      %get3A_324 = arith.index_cast %get3A_323 : i32 to index
      %get3A_325 = arith.constant 32 : index
      %get3A_326 = tpu.vector_load %arg9[%get3A_324, %get3A_325] {strides = array<i32>} : memref<104x128xf32, #tpu.memory_space<vmem>>, vector<16xf32>,
      %mul3A_327 = arith.mulf %broadcast_in_dim3A_304, %get3A_326 : vector<16xf32>
      %swap3A_328 = arith.constant 99 : i32
      %swap3A_329 = arith.index_cast %swap3A_328 : i32 to index
      %swap3A_330 = arith.constant 32 : index
      %swap3A_331 = tpu.vector_load %arg11[%swap3A_329, %swap3A_330] {strides = array<i32>} : memref<104x64xf32, #tpu.memory_space<vmem>>, vector<16xf32>,
      tpu.vector_store %arg11[%swap3A_329, %swap3A_330], %mul3A_327 {strides = array<i32>} : memref<104x64xf32, #tpu.memory_space<vmem>>, vector<16xf32>,
      %get3A_332 = arith.constant 99 : i32
      %get3A_333 = arith.index_cast %get3A_332 : i32 to index
      %get3A_334 = arith.constant 48 : index
      %get3A_335 = tpu.vector_load %arg9[%get3A_333, %get3A_334] {strides = array<i32>} : memref<104x128xf32, #tpu.memory_space<vmem>>, vector<16xf32>,
      %mul3A_336 = arith.mulf %broadcast_in_dim3A_304, %get3A_335 : vector<16xf32>
      %swap3A_337 = arith.constant 99 : i32
      %swap3A_338 = arith.index_cast %swap3A_337 : i32 to index
      %swap3A_339 = arith.constant 48 : index
      %swap3A_340 = tpu.vector_load %arg11[%swap3A_338, %swap3A_339] {strides = array<i32>} : memref<104x64xf32, #tpu.memory_space<vmem>>, vector<16xf32>,
      tpu.vector_store %arg11[%swap3A_338, %swap3A_339], %mul3A_336 {strides = array<i32>} : memref<104x64xf32, #tpu.memory_space<vmem>>, vector<16xf32>,
      %slice3A_341 = vector.extract_strided_slice %mul3A_188 {offsets = [12], sizes = [1], strides = [1]} : vector<16xf32> to vector<1xf32>
      %squeeze3A_342 = vector.extract %slice3A_341[0] : f32 from vector<1xf32>
      %broadcast_in_dim3A_343 = vector.broadcast %squeeze3A_342 : f32 to vector<16xf32>
      %get3A_344 = arith.constant 100 : i32
      %get3A_345 = arith.index_cast %get3A_344 : i32 to index
      %get3A_346 = arith.constant 0 : index
      %get3A_347 = tpu.vector_load %arg9[%get3A_345, %get3A_346] {strides = array<i32>} : memref<104x128xf32, #tpu.memory_space<vmem>>, vector<16xf32>,
      %mul3A_348 = arith.mulf %broadcast_in_dim3A_343, %get3A_347 : vector<16xf32>
      %swap3A_349 = arith.constant 100 : i32
      %swap3A_350 = arith.index_cast %swap3A_349 : i32 to index
      %swap3A_351 = arith.constant 0 : index
      %swap3A_352 = tpu.vector_load %arg11[%swap3A_350, %swap3A_351] {strides = array<i32>} : memref<104x64xf32, #tpu.memory_space<vmem>>, vector<16xf32>,
      tpu.vector_store %arg11[%swap3A_350, %swap3A_351], %mul3A_348 {strides = array<i32>} : memref<104x64xf32, #tpu.memory_space<vmem>>, vector<16xf32>,
      %get3A_353 = arith.constant 100 : i32
      %get3A_354 = arith.index_cast %get3A_353 : i32 to index
      %get3A_355 = arith.constant 16 : index
      %get3A_356 = tpu.vector_load %arg9[%get3A_354, %get3A_355] {strides = array<i32>} : memref<104x128xf32, #tpu.memory_space<vmem>>, vector<16xf32>,
      %mul3A_357 = arith.mulf %broadcast_in_dim3A_343, %get3A_356 : vector<16xf32>
      %swap3A_358 = arith.constant 100 : i32
      %swap3A_359 = arith.index_cast %swap3A_358 : i32 to index
      %swap3A_360 = arith.constant 16 : index
      %swap3A_361 = tpu.vector_load %arg11[%swap3A_359, %swap3A_360] {strides = array<i32>} : memref<104x64xf32, #tpu.memory_space<vmem>>, vector<16xf32>,
      tpu.vector_store %arg11[%swap3A_359, %swap3A_360], %mul3A_357 {strides = array<i32>} : memref<104x64xf32, #tpu.memory_space<vmem>>, vector<16xf32>,
      %get3A_362 = arith.constant 100 : i32
      %get3A_363 = arith.index_cast %get3A_362 : i32 to index
      %get3A_364 = arith.constant 32 : index
      %get3A_365 = tpu.vector_load %arg9[%get3A_363, %get3A_364] {strides = array<i32>} : memref<104x128xf32, #tpu.memory_space<vmem>>, vector<16xf32>,
      %mul3A_366 = arith.mulf %broadcast_in_dim3A_343, %get3A_365 : vector<16xf32>
      %swap3A_367 = arith.constant 100 : i32
      %swap3A_368 = arith.index_cast %swap3A_367 : i32 to index
      %swap3A_369 = arith.constant 32 : index
      %swap3A_370 = tpu.vector_load %arg11[%swap3A_368, %swap3A_369] {strides = array<i32>} : memref<104x64xf32, #tpu.memory_space<vmem>>, vector<16xf32>,
      tpu.vector_store %arg11[%swap3A_368, %swap3A_369], %mul3A_366 {strides = array<i32>} : memref<104x64xf32, #tpu.memory_space<vmem>>, vector<16xf32>,
      %get3A_371 = arith.constant 100 : i32
      %get3A_372 = arith.index_cast %get3A_371 : i32 to index
      %get3A_373 = arith.constant 48 : index
      %get3A_374 = tpu.vector_load %arg9[%get3A_372, %get3A_373] {strides = array<i32>} : memref<104x128xf32, #tpu.memory_space<vmem>>, vector<16xf32>,
      %mul3A_375 = arith.mulf %broadcast_in_dim3A_343, %get3A_374 : vector<16xf32>
      %swap3A_376 = arith.constant 100 : i32
      %swap3A_377 = arith.index_cast %swap3A_376 : i32 to index
      %swap3A_378 = arith.constant 48 : index
      %swap3A_379 = tpu.vector_load %arg11[%swap3A_377, %swap3A_378] {strides = array<i32>} : memref<104x64xf32, #tpu.memory_space<vmem>>, vector<16xf32>,
      tpu.vector_store %arg11[%swap3A_377, %swap3A_378], %mul3A_375 {strides = array<i32>} : memref<104x64xf32, #tpu.memory_space<vmem>>, vector<16xf32>,
      %slice3A_380 = vector.extract_strided_slice %mul3A_188 {offsets = [13], sizes = [1], strides = [1]} : vector<16xf32> to vector<1xf32>
      %squeeze3A_381 = vector.extract %slice3A_380[0] : f32 from vector<1xf32>
      %broadcast_in_dim3A_382 = vector.broadcast %squeeze3A_381 : f32 to vector<16xf32>
      %get3A_383 = arith.constant 101 : i32
      %get3A_384 = arith.index_cast %get3A_383 : i32 to index
      %get3A_385 = arith.constant 0 : index
      %get3A_386 = tpu.vector_load %arg9[%get3A_384, %get3A_385] {strides = array<i32>} : memref<104x128xf32, #tpu.memory_space<vmem>>, vector<16xf32>,
      %mul3A_387 = arith.mulf %broadcast_in_dim3A_382, %get3A_386 : vector<16xf32>
      %swap3A_388 = arith.constant 101 : i32
      %swap3A_389 = arith.index_cast %swap3A_388 : i32 to index
      %swap3A_390 = arith.constant 0 : index
      %swap3A_391 = tpu.vector_load %arg11[%swap3A_389, %swap3A_390] {strides = array<i32>} : memref<104x64xf32, #tpu.memory_space<vmem>>, vector<16xf32>,
      tpu.vector_store %arg11[%swap3A_389, %swap3A_390], %mul3A_387 {strides = array<i32>} : memref<104x64xf32, #tpu.memory_space<vmem>>, vector<16xf32>,
      %get3A_392 = arith.constant 101 : i32
      %get3A_393 = arith.index_cast %get3A_392 : i32 to index
      %get3A_394 = arith.constant 16 : index
      %get3A_395 = tpu.vector_load %arg9[%get3A_393, %get3A_394] {strides = array<i32>} : memref<104x128xf32, #tpu.memory_space<vmem>>, vector<16xf32>,
      %mul3A_396 = arith.mulf %broadcast_in_dim3A_382, %get3A_395 : vector<16xf32>
      %swap3A_397 = arith.constant 101 : i32
      %swap3A_398 = arith.index_cast %swap3A_397 : i32 to index
      %swap3A_399 = arith.constant 16 : index
      %swap3A_400 = tpu.vector_load %arg11[%swap3A_398, %swap3A_399] {strides = array<i32>} : memref<104x64xf32, #tpu.memory_space<vmem>>, vector<16xf32>,
      tpu.vector_store %arg11[%swap3A_398, %swap3A_399], %mul3A_396 {strides = array<i32>} : memref<104x64xf32, #tpu.memory_space<vmem>>, vector<16xf32>,
      %get3A_401 = arith.constant 101 : i32
      %get3A_402 = arith.index_cast %get3A_401 : i32 to index
      %get3A_403 = arith.constant 32 : index
      %get3A_404 = tpu.vector_load %arg9[%get3A_402, %get3A_403] {strides = array<i32>} : memref<104x128xf32, #tpu.memory_space<vmem>>, vector<16xf32>,
      %mul3A_405 = arith.mulf %broadcast_in_dim3A_382, %get3A_404 : vector<16xf32>
      %swap3A_406 = arith.constant 101 : i32
      %swap3A_407 = arith.index_cast %swap3A_406 : i32 to index
      %swap3A_408 = arith.constant 32 : index
      %swap3A_409 = tpu.vector_load %arg11[%swap3A_407, %swap3A_408] {strides = array<i32>} : memref<104x64xf32, #tpu.memory_space<vmem>>, vector<16xf32>,
      tpu.vector_store %arg11[%swap3A_407, %swap3A_408], %mul3A_405 {strides = array<i32>} : memref<104x64xf32, #tpu.memory_space<vmem>>, vector<16xf32>,
      %get3A_410 = arith.constant 101 : i32
      %get3A_411 = arith.index_cast %get3A_410 : i32 to index
      %get3A_412 = arith.constant 48 : index
      %get3A_413 = tpu.vector_load %arg9[%get3A_411, %get3A_412] {strides = array<i32>} : memref<104x128xf32, #tpu.memory_space<vmem>>, vector<16xf32>,
      %mul3A_414 = arith.mulf %broadcast_in_dim3A_382, %get3A_413 : vector<16xf32>
      %swap3A_415 = arith.constant 101 : i32
      %swap3A_416 = arith.index_cast %swap3A_415 : i32 to index
      %swap3A_417 = arith.constant 48 : index
      %swap3A_418 = tpu.vector_load %arg11[%swap3A_416, %swap3A_417] {strides = array<i32>} : memref<104x64xf32, #tpu.memory_space<vmem>>, vector<16xf32>,
      tpu.vector_store %arg11[%swap3A_416, %swap3A_417], %mul3A_414 {strides = array<i32>} : memref<104x64xf32, #tpu.memory_space<vmem>>, vector<16xf32>,
      %slice3A_419 = vector.extract_strided_slice %mul3A_188 {offsets = [14], sizes = [1], strides = [1]} : vector<16xf32> to vector<1xf32>
      %squeeze3A_420 = vector.extract %slice3A_419[0] : f32 from vector<1xf32>
      %broadcast_in_dim3A_421 = vector.broadcast %squeeze3A_420 : f32 to vector<16xf32>
      %get3A_422 = arith.constant 102 : i32
      %get3A_423 = arith.index_cast %get3A_422 : i32 to index
      %get3A_424 = arith.constant 0 : index
      %get3A_425 = tpu.vector_load %arg9[%get3A_423, %get3A_424] {strides = array<i32>} : memref<104x128xf32, #tpu.memory_space<vmem>>, vector<16xf32>,
      %mul3A_426 = arith.mulf %broadcast_in_dim3A_421, %get3A_425 : vector<16xf32>
      %swap3A_427 = arith.constant 102 : i32
      %swap3A_428 = arith.index_cast %swap3A_427 : i32 to index
      %swap3A_429 = arith.constant 0 : index
      %swap3A_430 = tpu.vector_load %arg11[%swap3A_428, %swap3A_429] {strides = array<i32>} : memref<104x64xf32, #tpu.memory_space<vmem>>, vector<16xf32>,
      tpu.vector_store %arg11[%swap3A_428, %swap3A_429], %mul3A_426 {strides = array<i32>} : memref<104x64xf32, #tpu.memory_space<vmem>>, vector<16xf32>,
      %get3A_431 = arith.constant 102 : i32
      %get3A_432 = arith.index_cast %get3A_431 : i32 to index
      %get3A_433 = arith.constant 16 : index
      %get3A_434 = tpu.vector_load %arg9[%get3A_432, %get3A_433] {strides = array<i32>} : memref<104x128xf32, #tpu.memory_space<vmem>>, vector<16xf32>,
      %mul3A_435 = arith.mulf %broadcast_in_dim3A_421, %get3A_434 : vector<16xf32>
      %swap3A_436 = arith.constant 102 : i32
      %swap3A_437 = arith.index_cast %swap3A_436 : i32 to index
      %swap3A_438 = arith.constant 16 : index
      %swap3A_439 = tpu.vector_load %arg11[%swap3A_437, %swap3A_438] {strides = array<i32>} : memref<104x64xf32, #tpu.memory_space<vmem>>, vector<16xf32>,
      tpu.vector_store %arg11[%swap3A_437, %swap3A_438], %mul3A_435 {strides = array<i32>} : memref<104x64xf32, #tpu.memory_space<vmem>>, vector<16xf32>,
      %get3A_440 = arith.constant 102 : i32
      %get3A_441 = arith.index_cast %get3A_440 : i32 to index
      %get3A_442 = arith.constant 32 : index
      %get3A_443 = tpu.vector_load %arg9[%get3A_441, %get3A_442] {strides = array<i32>} : memref<104x128xf32, #tpu.memory_space<vmem>>, vector<16xf32>,
      %mul3A_444 = arith.mulf %broadcast_in_dim3A_421, %get3A_443 : vector<16xf32>
      %swap3A_445 = arith.constant 102 : i32
      %swap3A_446 = arith.index_cast %swap3A_445 : i32 to index
      %swap3A_447 = arith.constant 32 : index
      %swap3A_448 = tpu.vector_load %arg11[%swap3A_446, %swap3A_447] {strides = array<i32>} : memref<104x64xf32, #tpu.memory_space<vmem>>, vector<16xf32>,
      tpu.vector_store %arg11[%swap3A_446, %swap3A_447], %mul3A_444 {strides = array<i32>} : memref<104x64xf32, #tpu.memory_space<vmem>>, vector<16xf32>,
      %get3A_449 = arith.constant 102 : i32
      %get3A_450 = arith.index_cast %get3A_449 : i32 to index
      %get3A_451 = arith.constant 48 : index
      %get3A_452 = tpu.vector_load %arg9[%get3A_450, %get3A_451] {strides = array<i32>} : memref<104x128xf32, #tpu.memory_space<vmem>>, vector<16xf32>,
      %mul3A_453 = arith.mulf %broadcast_in_dim3A_421, %get3A_452 : vector<16xf32>
      %swap3A_454 = arith.constant 102 : i32
      %swap3A_455 = arith.index_cast %swap3A_454 : i32 to index
      %swap3A_456 = arith.constant 48 : index
      %swap3A_457 = tpu.vector_load %arg11[%swap3A_455, %swap3A_456] {strides = array<i32>} : memref<104x64xf32, #tpu.memory_space<vmem>>, vector<16xf32>,
      tpu.vector_store %arg11[%swap3A_455, %swap3A_456], %mul3A_453 {strides = array<i32>} : memref<104x64xf32, #tpu.memory_space<vmem>>, vector<16xf32>,
      %slice3A_458 = vector.extract_strided_slice %mul3A_188 {offsets = [15], sizes = [1], strides = [1]} : vector<16xf32> to vector<1xf32>
      %squeeze3A_459 = vector.extract %slice3A_458[0] : f32 from vector<1xf32>
      %broadcast_in_dim3A_460 = vector.broadcast %squeeze3A_459 : f32 to vector<16xf32>
      %get3A_461 = arith.constant 103 : i32
      %get3A_462 = arith.index_cast %get3A_461 : i32 to index
      %get3A_463 = arith.constant 0 : index
      %get3A_464 = tpu.vector_load %arg9[%get3A_462, %get3A_463] {strides = array<i32>} : memref<104x128xf32, #tpu.memory_space<vmem>>, vector<16xf32>,
      %mul3A_465 = arith.mulf %broadcast_in_dim3A_460, %get3A_464 : vector<16xf32>
      %swap3A_466 = arith.constant 103 : i32
      %swap3A_467 = arith.index_cast %swap3A_466 : i32 to index
      %swap3A_468 = arith.constant 0 : index
      %swap3A_469 = tpu.vector_load %arg11[%swap3A_467, %swap3A_468] {strides = array<i32>} : memref<104x64xf32, #tpu.memory_space<vmem>>, vector<16xf32>,
      tpu.vector_store %arg11[%swap3A_467, %swap3A_468], %mul3A_465 {strides = array<i32>} : memref<104x64xf32, #tpu.memory_space<vmem>>, vector<16xf32>,
      %get3A_470 = arith.constant 103 : i32
      %get3A_471 = arith.index_cast %get3A_470 : i32 to index
      %get3A_472 = arith.constant 16 : index
      %get3A_473 = tpu.vector_load %arg9[%get3A_471, %get3A_472] {strides = array<i32>} : memref<104x128xf32, #tpu.memory_space<vmem>>, vector<16xf32>,
      %mul3A_474 = arith.mulf %broadcast_in_dim3A_460, %get3A_473 : vector<16xf32>
      %swap3A_475 = arith.constant 103 : i32
      %swap3A_476 = arith.index_cast %swap3A_475 : i32 to index
      %swap3A_477 = arith.constant 16 : index
      %swap3A_478 = tpu.vector_load %arg11[%swap3A_476, %swap3A_477] {strides = array<i32>} : memref<104x64xf32, #tpu.memory_space<vmem>>, vector<16xf32>,
      tpu.vector_store %arg11[%swap3A_476, %swap3A_477], %mul3A_474 {strides = array<i32>} : memref<104x64xf32, #tpu.memory_space<vmem>>, vector<16xf32>,
      %get3A_479 = arith.constant 103 : i32
      %get3A_480 = arith.index_cast %get3A_479 : i32 to index
      %get3A_481 = arith.constant 32 : index
      %get3A_482 = tpu.vector_load %arg9[%get3A_480, %get3A_481] {strides = array<i32>} : memref<104x128xf32, #tpu.memory_space<vmem>>, vector<16xf32>,
      %mul3A_483 = arith.mulf %broadcast_in_dim3A_460, %get3A_482 : vector<16xf32>
      %swap3A_484 = arith.constant 103 : i32
      %swap3A_485 = arith.index_cast %swap3A_484 : i32 to index
      %swap3A_486 = arith.constant 32 : index
      %swap3A_487 = tpu.vector_load %arg11[%swap3A_485, %swap3A_486] {strides = array<i32>} : memref<104x64xf32, #tpu.memory_space<vmem>>, vector<16xf32>,
      tpu.vector_store %arg11[%swap3A_485, %swap3A_486], %mul3A_483 {strides = array<i32>} : memref<104x64xf32, #tpu.memory_space<vmem>>, vector<16xf32>,
      %get3A_488 = arith.constant 103 : i32
      %get3A_489 = arith.index_cast %get3A_488 : i32 to index
      %get3A_490 = arith.constant 48 : index
      %get3A_491 = tpu.vector_load %arg9[%get3A_489, %get3A_490] {strides = array<i32>} : memref<104x128xf32, #tpu.memory_space<vmem>>, vector<16xf32>,
      %mul3A_492 = arith.mulf %broadcast_in_dim3A_460, %get3A_491 : vector<16xf32>
      %swap3A_493 = arith.constant 103 : i32
      %swap3A_494 = arith.index_cast %swap3A_493 : i32 to index
      %swap3A_495 = arith.constant 48 : index
      %swap3A_496 = tpu.vector_load %arg11[%swap3A_494, %swap3A_495] {strides = array<i32>} : memref<104x64xf32, #tpu.memory_space<vmem>>, vector<16xf32>,
      tpu.vector_store %arg11[%swap3A_494, %swap3A_495], %mul3A_492 {strides = array<i32>} : memref<104x64xf32, #tpu.memory_space<vmem>>, vector<16xf32>,
      %add3A_497 = arith.addi %mul3A_2, %scan3A_88 : i32
      %dma_start3A_498 = arith.constant 0 : i32
      %dma_start3A_499 = arith.constant 0 : i32
      %dma_start3A_500 = tpu.memref_slice %arg11[%dma_start3A_498, %dma_start3A_499] : memref<104x64xf32, #tpu.memory_space<vmem>> -> memref<104x64xf32, #tpu.memory_space<vmem>>
      %dma_start3A_501 = arith.constant 96 : i32
      %dma_start3A_502 = arith.constant 0 : i32
      %dma_start3A_503 = tpu.memref_slice %arg5[%add3A_497, %dma_start3A_501, %dma_start3A_502] : memref<1024x200x64xf32, #tpu.memory_space<hbm>> -> memref<1x104x64xf32, #tpu.memory_space<hbm>>
      %dma_start3A_504 = tpu.memref_squeeze %dma_start3A_503 : memref<1x104x64xf32, #tpu.memory_space<hbm>> -> memref<104x64xf32, #tpu.memory_space<hbm>>
      %dma_start3A_505 = arith.constant 96 : i32
      %dma_start3A_506 = arith.constant 0 : i32
      %dma_start3A_507 = tpu.memref_slice %arg5[%add3A_497, %dma_start3A_505, %dma_start3A_506] : memref<1024x200x64xf32, #tpu.memory_space<hbm>> -> memref<1x104x64xf32, #tpu.memory_space<hbm>>
      %dma_start3A_508 = tpu.memref_squeeze %dma_start3A_507 : memref<1x104x64xf32, #tpu.memory_space<hbm>> -> memref<104x64xf32, #tpu.memory_space<hbm>>
      %dma_start3A_509 = arith.constant 0 : i32
      %dma_start3A_510 = arith.constant 0 : i32
      %dma_start3A_511 = tpu.memref_slice %arg11[%dma_start3A_509, %dma_start3A_510] : memref<104x64xf32, #tpu.memory_space<vmem>> -> memref<104x64xf32, #tpu.memory_space<vmem>>
      tpu.enqueue_dma source(%dma_start3A_511 : memref<104x64xf32, #tpu.memory_space<vmem>>) target(%dma_start3A_508 : memref<104x64xf32, #tpu.memory_space<hbm>>) target_semaphore(%arg21 : memref<!tpu.dma_semaphore, #tpu.memory_space<semaphore_mem>>)
    }
    %scan3A_55 = arith.constant 32 : i32
    %add3A_56 = arith.constant 31 : i32
    %add3A_57 = arith.addi %mul3A_2, %add3A_56 : i32
    %dma_wait3A_58 = arith.constant 0 : i32
    %dma_wait3A_59 = arith.constant 0 : i32
    %dma_wait3A_60 = tpu.memref_slice %arg10[%dma_wait3A_58, %dma_wait3A_59] : memref<104x64xf32, #tpu.memory_space<vmem>> -> memref<96x64xf32, #tpu.memory_space<vmem>>
    %dma_wait3A_61 = arith.constant 0 : i32
    %dma_wait3A_62 = arith.constant 0 : i32
    %dma_wait3A_63 = tpu.memref_slice %arg5[%add3A_57, %dma_wait3A_61, %dma_wait3A_62] : memref<1024x200x64xf32, #tpu.memory_space<hbm>> -> memref<1x96x64xf32, #tpu.memory_space<hbm>>
    %dma_wait3A_64 = tpu.memref_squeeze %dma_wait3A_63 : memref<1x96x64xf32, #tpu.memory_space<hbm>> -> memref<96x64xf32, #tpu.memory_space<hbm>>
    %dma_wait3A_65 = arith.constant 0 : i32
    %dma_wait3A_66 = arith.constant 0 : i32
    %dma_wait3A_67 = tpu.memref_slice %arg5[%add3A_57, %dma_wait3A_65, %dma_wait3A_66] : memref<1024x200x64xf32, #tpu.memory_space<hbm>> -> memref<1x96x64xf32, #tpu.memory_space<hbm>>
    %dma_wait3A_68 = tpu.memref_squeeze %dma_wait3A_67 : memref<1x96x64xf32, #tpu.memory_space<hbm>> -> memref<96x64xf32, #tpu.memory_space<hbm>>
    %dma_wait3A_69 = arith.constant 0 : i32
    %dma_wait3A_70 = arith.constant 0 : i32
    %dma_wait3A_71 = tpu.memref_slice %arg10[%dma_wait3A_69, %dma_wait3A_70] : memref<104x64xf32, #tpu.memory_space<vmem>> -> memref<96x64xf32, #tpu.memory_space<vmem>>
    tpu.wait_dma2 semaphore(%arg20 : memref<!tpu.dma_semaphore, #tpu.memory_space<semaphore_mem>>) src(%dma_wait3A_71 : memref<96x64xf32, #tpu.memory_space<vmem>>) dst(%dma_wait3A_68 : memref<96x64xf32, #tpu.memory_space<hbm>>)
    %add3A_72 = arith.constant 31 : i32
    %add3A_73 = arith.addi %mul3A_2, %add3A_72 : i32
    %dma_wait3A_74 = arith.constant 0 : i32
    %dma_wait3A_75 = arith.constant 0 : i32
    %dma_wait3A_76 = tpu.memref_slice %arg11[%dma_wait3A_74, %dma_wait3A_75] : memref<104x64xf32, #tpu.memory_space<vmem>> -> memref<104x64xf32, #tpu.memory_space<vmem>>
    %dma_wait3A_77 = arith.constant 96 : i32
    %dma_wait3A_78 = arith.constant 0 : i32
    %dma_wait3A_79 = tpu.memref_slice %arg5[%add3A_73, %dma_wait3A_77, %dma_wait3A_78] : memref<1024x200x64xf32, #tpu.memory_space<hbm>> -> memref<1x104x64xf32, #tpu.memory_space<hbm>>
    %dma_wait3A_80 = tpu.memref_squeeze %dma_wait3A_79 : memref<1x104x64xf32, #tpu.memory_space<hbm>> -> memref<104x64xf32, #tpu.memory_space<hbm>>
    %dma_wait3A_81 = arith.constant 96 : i32
    %dma_wait3A_82 = arith.constant 0 : i32
    %dma_wait3A_83 = tpu.memref_slice %arg5[%add3A_73, %dma_wait3A_81, %dma_wait3A_82] : memref<1024x200x64xf32, #tpu.memory_space<hbm>> -> memref<1x104x64xf32, #tpu.memory_space<hbm>>
    %dma_wait3A_84 = tpu.memref_squeeze %dma_wait3A_83 : memref<1x104x64xf32, #tpu.memory_space<hbm>> -> memref<104x64xf32, #tpu.memory_space<hbm>>
    %dma_wait3A_85 = arith.constant 0 : i32
    %dma_wait3A_86 = arith.constant 0 : i32
    %dma_wait3A_87 = tpu.memref_slice %arg11[%dma_wait3A_85, %dma_wait3A_86] : memref<104x64xf32, #tpu.memory_space<vmem>> -> memref<104x64xf32, #tpu.memory_space<vmem>>
    tpu.wait_dma2 semaphore(%arg21 : memref<!tpu.dma_semaphore, #tpu.memory_space<semaphore_mem>>) src(%dma_wait3A_87 : memref<104x64xf32, #tpu.memory_space<vmem>>) dst(%dma_wait3A_84 : memref<104x64xf32, #tpu.memory_space<hbm>>)
    return
  }
}

module attributes {stable_mosaic.version = 14 : i64} {
  func.func @_transpose_body(%arg0: i32, %arg1: memref<64x8192xf32, #tpu.memory_space<vmem>>, %arg2: memref<8192x128xf32, #tpu.memory_space<vmem>>) attributes {dimension_semantics = [#tpu.dimension_semantics<arbitrary>], iteration_bounds = array<i64: 123>, scalar_prefetch = 0 : i64, scratch_operands = 0 : i64, tpu.core_type = #tpu.core_type<tc>, window_params = [{transform_indices = @transform_0, window_bounds = array<i64: 64, 8192>}, {transform_indices = @transform_1, window_bounds = array<i64: 8192, 128>}]} {
    %get3A = arith.constant 0 : index
    %get3A_0 = arith.constant 0 : index
    %get3A_1 = vector.load %arg1[%get3A, %get3A_0] : memref<64x8192xf32, #tpu.memory_space<vmem>>, vector<64x8192xf32>
    %transpose3A = tpu.transpose %get3A_1, [1, 0] : vector<64x8192xf32> -> vector<8192x64xf32>
    %swap3A = arith.constant 0 : index
    %swap3A_2 = arith.constant 0 : index
    %swap3A_3 = vector.load %arg2[%swap3A, %swap3A_2] : memref<8192x128xf32, #tpu.memory_space<vmem>>, vector<8192x64xf32>
    tpu.vector_store %arg2[%swap3A, %swap3A_2], %transpose3A {strides = array<i32>} : memref<8192x128xf32, #tpu.memory_space<vmem>>, vector<8192x64xf32>,
    return
  }
  func.func @transform_0(%arg0: i32) -> (i32, i32) {
    %c0_i32 = arith.constant 0 : i32
    %c0_i32_0 = arith.constant 0 : i32
    return %c0_i32, %arg0 : i32, i32
  }
  func.func @transform_1(%arg0: i32) -> (i32, i32) {
    %c0_i32 = arith.constant 0 : i32
    %c0_i32_0 = arith.constant 0 : i32
    return %arg0, %c0_i32 : i32, i32
  }
}

</mosaic_0001>

<sc_bundles>
// kernel: kernel.4.cloned.1.call-start
scs
__scs_entry_jumppad:
0x0: {  	(pc) =	sbr.rel $0x88, $3  }
0x1: {  	(tag) =	ssettag $0x0;
	lr =	simm.s32 $0x1  }
0x2: {  	[smem:$0x3F9D] =	sst lr;
	_ =	strace $0xD0000000  }
0x3: {  	_ = 	snop  }
0x4: {  	_ = 	snop  }
0x5: {  	_ = 	snop  }
0x6: {  	_ = 	snop  }
0x7: {  	_ = 	snop  }
__scs_overlays_trampoline_lowered:
0x8: {  	[smem:$0x3FAC] =	sst s0  }
0x9: {  	[smem:$0x3FAD] =	sst s1  }
0xa: {  	[smem:$0x3FAE] =	sst s2  }
0xb: {  	[smem:$0x3FAF] =	sst s3  }
0xc: {  	[smem:$0x3FB0] =	sst s4  }
0xd: {  	[smem:$0x3FB1] =	sst s5  }
0xe: {  	[smem:$0x3FB2] =	sst s6  }
0xf: {  	[smem:$0x3FB3] =	sst s7  }
0x10: {  	[smem:$0x3FB4] =	sst s8  }
0x11: {  	[smem:$0x3FB5] =	sst s9;
	s0 =	simm.s32 @!p0 $0x0  }
0x12: {  	s1 =	sld [smem:$0x3F9B];
	s0 =	simm.s32 @p0 $0x1  }
0x13: {  	[smem:$0x3FB6] =	sst s0;
	s0 =	simm.s32 @!p1 $0x0  }
0x14: {  	s2 =	sld [smem:$0x3F9A];
	s0 =	simm.s32 @p1 $0x1  }
0x15: {  	[smem:$0x3FB7] =	sst s0;
	s0 =	simm.s32 @!p2 $0x0  }
0x16: {  	s3 =	sld [smem:$0x3FDB];
	s0 =	simm.s32 @p2 $0x1  }
0x17: {  	s4 =	simm.s32 $0x1BF5;
	[smem:$0x3FB9] =	sst s0  }
0x18: {  	s0 =	sld [smem:$0x3F9C];
	_ =	swait.ge [sflag:s4], $0x0  }
0x19: {  	s7 =	sld [smem:$0x3F9D]  }
0x1a: {  	s8 =	sadd.s32 $0xFFFFE003, lr  }
0x1b: {  	s9 =	sadd.s32 $0xFFFFFEF7, lr;
	s5 =	simm.s32 $0xFFFFFFFF;
	p2 =	slt.u32 s8, $0xFFFFF086  }
0x1c: {  	p1 =	slt.u32 s9, $0xF7A;
	s5 =	simm.s32 @!p2 $0x0  }
0x1d: {  	s5 =	simm.s32 @p1 $0x1;
	p0 =	seq.s32 s7, s2  }
0x1e: {  	s7 =	smul.u32 @!p0 $0xF7A, s2;
	p2 =	seq.s32 @!p0 s5, $0x0  }
0x1f: {  	s9 =	smul.u32 $0xF7A, s1;
	s8 =	simm.s32 @!p0 $0x1BF5;
	p2 =	por !p2, p0  }
0x20: {  	[sflag:s8] =	ssyncset.s32 @!p0 $0xFFFFF086;
	s6 =	sadd.s32 @!p0 s3, s7;
	s7 =	simm.s32 @!p0 $0x108  }
0x21: {  	s3 =	sadd.s32 s3, s9;
	s6 =	sadd.s32 @!p0 $0x88, s6;
	s7 =	simm.s32 @p2 $0x1082  }
0x22: {  	[simem:s7], [sflag:s8] =	dma.local @!p0 [hbm:s6], $0xF7A  }
0x23: {  	s9 =	sor.u32 $0xD0000000, s2;
	s6 =	simm.s32 $0x108;
	_ =	swait.ge @!p0 [sflag:s8], $0x0  }
0x24: {  	s3 =	sadd.s32 $0x88, s3;
	s6 =	simm.s32 @!p1 $0x1082;
	[sflag:s4] =	ssyncset.s32 $0xFFFFF086  }
0x25: {  	[simem:s6], [sflag:s4] =	dma.local [hbm:s3], $0xF7A  }
0x26: {  	[smem:$0x3F9D] =	sst s1;
	(tag) =	ssettag s2;
	_ =	strace s9  }
0x27: {  	s1 =	sld [smem:$0x3FAD]  }
0x28: {  	s2 =	sld [smem:$0x3FAE]  }
0x29: {  	s4 =	sld [smem:$0x3FB0]  }
0x2a: {  	p0 =	seq.s32 s5, $0x0;
	s5 =	sld [smem:$0x3FB1]  }
0x2b: {  	s6 =	sld [smem:$0x3FB2]  }
0x2c: {  	s7 =	sld [smem:$0x3FB3]  }
0x2d: {  	s3 =	simm.s32 $0x108;
	s8 =	sld [smem:$0x3FB4]  }
0x2e: {  	s3 =	simm.s32 @!p0 $0x1082;
	s9 =	sld [smem:$0x3FB5]  }
0x2f: {  	lr =	sadd.s32 s0, s3;
	s0 =	sld [smem:$0x3FAC]  }
0x30: {  	s3 =	sld [smem:$0x3FAF]  }
0x31: {  	[smem:$0x3FB8] =	sst s10  }
0x32: {  	s10 =	sld [smem:$0x3FB6];
	_ =	sdelay $0x3  }
0x33: {  	p0 =	seq.s32 s10, $0x1;
	s10 =	sld [smem:$0x3FB8];
	_ =	sdelay $0x3  }
0x34: {  	[smem:$0x3FB8] =	sst s10  }
0x35: {  	s10 =	sld [smem:$0x3FB7];
	_ =	sdelay $0x3  }
0x36: {  	p1 =	seq.s32 s10, $0x1;
	s10 =	sld [smem:$0x3FB8];
	_ =	sdelay $0x3  }
0x37: {  	[smem:$0x3FB8] =	sst s10  }
0x38: {  	s10 =	sld [smem:$0x3FB9]  }
0x39: {  	_ = 	snop;
	(pc) =	sbr.ind lr, $3  }
0x3a: {  	_ = 	snop  }
0x3b: {  	_ = 	snop  }
0x3c: {  	p2 =	seq.s32 s10, $0x1;
	s10 =	sld [smem:$0x3FB8]  }
0x3d: {  	_ =	shalt  }
0x3e: {  	_ =	shalt  }
0x3f: {  	_ =	shalt  }
0x40: {  	_ =	shalt  }
0x41: {  	_ =	shalt  }
0x42: {  	_ =	shalt  }
0x43: {  	_ =	shalt  }
0x44: {  	_ =	shalt  }
0x45: {  	_ =	shalt  }
0x46: {  	_ =	shalt  }
0x47: {  	_ =	shalt  }
0x48: {  	_ =	shalt  }
0x49: {  	_ =	shalt  }
0x4a: {  	_ =	shalt  }
0x4b: {  	_ =	shalt  }
0x4c: {  	_ =	shalt  }
0x4d: {  	_ =	shalt  }
0x4e: {  	_ =	shalt  }
0x4f: {  	_ =	shalt  }
0x50: {  	_ =	shalt  }
0x51: {  	_ =	shalt  }
0x52: {  	_ =	shalt  }
0x53: {  	_ =	shalt  }
0x54: {  	_ =	shalt  }
0x55: {  	_ =	shalt  }
0x56: {  	_ =	shalt  }
0x57: {  	_ =	shalt  }
0x58: {  	_ =	shalt  }
0x59: {  	_ =	shalt  }
0x5a: {  	_ =	shalt  }
0x5b: {  	_ =	shalt  }
0x5c: {  	_ =	shalt  }
0x5d: {  	_ =	shalt  }
0x5e: {  	_ =	shalt  }
0x5f: {  	_ =	shalt  }
0x60: {  	_ =	shalt  }
0x61: {  	_ =	shalt  }
0x62: {  	_ =	shalt  }
0x63: {  	_ =	shalt  }
0x64: {  	_ =	shalt  }
0x65: {  	_ =	shalt  }
0x66: {  	_ =	shalt  }
0x67: {  	_ =	shalt  }
0x68: {  	_ =	shalt  }
0x69: {  	_ =	shalt  }
0x6a: {  	_ =	shalt  }
0x6b: {  	_ =	shalt  }
0x6c: {  	_ =	shalt  }
0x6d: {  	_ =	shalt  }
0x6e: {  	_ =	shalt  }
0x6f: {  	_ =	shalt  }
0x70: {  	_ =	shalt  }
0x71: {  	_ =	shalt  }
0x72: {  	_ =	shalt  }
0x73: {  	_ =	shalt  }
0x74: {  	_ =	shalt  }
0x75: {  	_ =	shalt  }
0x76: {  	_ =	shalt  }
0x77: {  	_ =	shalt  }
0x78: {  	_ =	shalt  }
0x79: {  	_ =	shalt  }
0x7a: {  	_ =	shalt  }
0x7b: {  	_ =	shalt  }
0x7c: {  	_ =	shalt  }
0x7d: {  	_ =	shalt  }
0x7e: {  	_ =	shalt  }
0x7f: {  	_ =	shalt  }
0x80: {  	_ =	shalt  }
0x81: {  	_ =	shalt  }
0x82: {  	_ =	shalt  }
0x83: {  	_ =	shalt  }
0x84: {  	_ =	shalt  }
0x85: {  	_ =	shalt  }
0x86: {  	_ =	shalt  }
0x87: {  	_ =	shalt  }
.Lfunc_end0:
.L_simem_size_0:
called_computation.1_lowered:
.L_overlay_start_0:
0x88: {  	s2 =	sld [smem:$0x3FD9]  }
0x89: {  	s3 =	sld [smem:$0x3FFE];
	_ =	sdelay $0x1  }
0x8a: {  	s1 =	srdreg.scid  }
0x8b: {  	s0 =	sand.u32 $0x1, s1  }
0x8c: {  	s17 =	sshll.u32 s0, $0xA;
	s2 =	sadd.s32 s3, s2  }
0x8d: {  	s2 =	sadd.s32 s2, s17  }
0x8e: {  	[smem:$0x3FC4] =	sst s2  }
0x8f: {  	_ = 	snop  }
0x90: {  	s2 =	sld [smem:$0x3FC6]  }
0x91: {  	s18 =	sld [smem:$0x3FD0];
	(tm) =	ssettm $0x1  }
0x92: {  	s4 =	sld [smem:$0x3FFB];
	_ =	sdelay $0x3  }
0x93: {  	_ =	strace s4  }
0x94: {  	s4 =	sld [smem:$0x3FFC];
	_ =	sdelay $0x3  }
0x95: {  	_ =	strace s4  }
0x96: {  	s4 =	sld [smem:$0x3FFD];
	_ =	sdelay $0x3  }
0x97: {  	_ =	strace s4  }
0x98: {  	_ =	strace $0x8FFFFFFF  }
0x99: {  	s19 =	sld [smem:$0x3FDB];
	_ =	sdelay $0x1  }
0x9a: {  	s5 =	simm.s32 $_scs_section_size  }
0x9b: {  	s6 =	simm.s32 $_size__tile_overlayer_lowered;
	s7 =	simm.s32 $_tile_overlayer_lowered  }
0x9c: {  	s22 =	simm.s32 $0x1BFF;
	s21 =	sshll.u32 s7, $0x1;
	s4 =	sadd.s32 s5, s19  }
0x9d: {  	s8 =	simm.s32 $0x0;
	s20 =	sshll.u32 s6, $0x1;
	s6 =	sadd.s32 s21, s4  }
0x9e: {  	[timem:s8], [sflag:s22] =	dma.local [hbm:s6], s20  }
0x9f: {  	_ =	swait.ge [sflag:s22], s20  }
0xa0: {  	s5 =	ssub.s32 $0x0, s20;
	[sflag:s22] =	ssyncset.done $0x0  }
0xa1: {  	[sflag:s22] =	ssyncadd.s32 s5;
	_ =	sdelay $0x1  }
0xa2: {  	s23 =	simm.s32 $0x1B8B  }
0xa3: {  	_ =	swait.ge [sflag:s23], $0x1  }
0xa4: {  	[sflag:s23] =	ssyncset.done $0x0  }
0xa5: {  	s25 =	simm.s32 $0x1B8E;
	s24 =	sld [smem:$0x3FFE];
	[sflag:s23] =	ssyncadd.s32 $0xFFFFFFFF  }
0xa6: {  	s26 =	simm.s32 $execute0_lowered;
	[smem:$0x3FD2] =	sst s25  }
0xa7: {  	s6 =	sshll.u32 s26, $0x1;
	_ =	strace $0x80000046;
	[dreg:$0x1] =	wrdreg $0xFFFFFFFF  }
0xa8: {  	s28 =	simm.s32 $_size_execute0_lowered;
	s4 =	sadd.s32 s4, s6;
	[dreg:$0x0] =	wrdreg $0x0  }
0xa9: {  	s6 =	sshll.u32 s28, $0x1;
	[dreg:$0x2] =	wrdreg s4  }
0xaa: {  	[dreg:$0x3] =	wrdreg s6  }
0xab: {  	[dreg:$0x4] =	wrdreg $0xC0  }
0xac: {  	_ =	task [dreg:s8], $0x5FFFF  }
0xad: {  	[dreg:$0x1] =	wrdreg $0xFFFFFFFF  }
0xae: {  	[dreg:$0x0] =	wrdreg $0x60  }
0xaf: {  	[dreg:$0x2] =	wrdreg s18  }
0xb0: {  	[dreg:$0x3] =	wrdreg s24  }
0xb1: {  	[dreg:$0x4] =	wrdreg s2  }
0xb2: {  	[dreg:$0x5] =	wrdreg $0x9  }
0xb3: {  	_ =	task.clear_ibuf [dreg:s8], $0x6FFFF;
	_ =	strace $0x90000046  }
0xb4: {  	s29 =	simm.s32 $0x9;
	_ =	strace $0x80000048  }
0xb5: {  	_ =	swait.ge [sflag:s29], $0x1  }
0xb6: {  	[sflag:s29] =	ssyncadd.s32 $0xFFFFFFFF  }
0xb7: {  	_ =	strace $0x90000048  }
0xb8: {  	_ =	sfence  }
0xb9: {  	s30 =	sld [smem:$0x0];
	_ =	sdelay $0x2  }
0xba: {  	s31 =	sshll.u32 s1, $0xD;
	s1 =	sshrl.u32 s1, $0x2  }
0xbb: {  	s3 =	sand.u32 $0x4000, s31;
	s1 =	sadd.s32 s1, s30  }
0xbc: {  	s0 =	sor.u32 s3, s0;
	s1 =	sshll.u32 s1, $0x11  }
0xbd: {  	s0 =	sor.u32 s1, s0  }
0xbe: {  	s0 =	sadd.s32 $0x8F2B, s0  }
0xbf: {  	[sflag:s0] =	ssyncadd.remote.s32 $0x1  }
0xc0: {  	_ =	sfence.sel $0xFFFF  }
0xc1: {  	[dreg:$0x0] =	wrdreg $0xFFFFFFFF;
	(pc) =	sbr.abs _section_cstart, $3  }
0xc2: {  	[dreg:$0x1] =	wrdreg $0xFFFFFFFF  }
0xc3: {  	_ =	task.clear_ibuf [dreg:s8], $0x2FFFF;
	_ =	strace $0x9FFFFFFF  }
0xc4: {  	(tm) =	ssettm $0x7FFFFFFF  }
0xc5: {  	_ =	shalt  }
tec
execute0_lowered:
.L_overlay_start_1:
0x0: {  	(tag) =	ssettag $0x1  }
0x1: {  	s1 =	rddreg [dreg:$0x0]  }
0x2: {  	s0 =	rddreg [dreg:$0x1]  }
0x3: {  	s3 =	rddreg [dreg:$0x2]  }
0x4: {  	s2 =	srdreg.scid;
	s5 =	stileid.u32  }
0x5: {  	s4 =	simm.s32 $0x0;
	s12 =	simm.s32 $0x1;
	s16 =	simm.s32 $0x80  }
0x6: {  	s17 =	simm.s32 $0x2;
	s18 =	simm.s32 $0x68;
	s19 =	simm.s32 $0x3500  }
0x7: {  	s20 =	simm.s32 $0xD180;
	s21 =	simm.s32 $0x3;
	s22 =	simm.s32 $0x5  }
0x8: {  	s23 =	simm.s32 $0x6900;
	s24 =	simm.s32 $0x4;
	s25 =	simm.s32 $0x6  }
0x9: {  	s28 =	simm.s32 $0x7;
	s2 =	sand.u32 $0x1, s2;
	s5 =	sshll.u32 s5, $0x1  }
0xa: {  	s29 =	simm.s32 $0x8;
	s30 =	simm.s32 $0x0;
	s7 =	sor.u32 s2, s5  }
0xb: {  	[smem:$0x7FF] =	sst s4;
	s6 =	sadd.s32 $0xF42E00, s0;
	s8 =	smul.u32 $0x320, s7  }
0xc: {  	_ =	strace $0x80000047;
	s2 =	ssub.s32 $0x2, s2;
	s5 =	sadd.s32 $0xA00, s0  }
0xd: {  	s26 =	sshrl.u32 s2, $0x1;
	s7 =	sshll.u32 s7, $0x5;
	s8 =	sadd.s32 s1, s8  }
0xe: {  	s0 =	ssub.s32 s2, s26;
	s10 =	sor.u32 $0x1, s7;
	s31 =	sadd.s32 $0xC, s8  }
0xf: {  	s26 =	simm.s32 $0x9D00;
	s11 =	smax.u32 s0, $0x1;
	[dreg:$0x4] =	wrdreg s31  }
.LBB2_1:
0x10: {  	[tilespmem:s4], [sflag:$0x1] =	stream.linear.gather [hbm4b:s8+s4], $0x60, $0x38;
	[tilespmem:$0xD200] =	vst v63  }
0x11: {  	_ =	swait.ge [sflag:s12], $0x60  }
0x12: {  	[sflag:s12] =	ssyncset.done $0x0  }
0x13: {  	s0 =	simm.s32 $0x60;
	s2 =	simm.s32 $0x100;
	[sflag:s12] =	ssyncadd.s32 $0xFFFFFFA0  }
0x14: {  	[tilespmem:s2], [sflag:$0x3] =	stream.indirect.gather [hbm4b:s5+s0], $0x80, s4, s0, $0xb8;
	[tilespmem:$0xD200] =	vst v63  }
0x15: {  	s14 =	simm.s32 $0xD100  }
0x16: {  	[tilespmem:s14], [sflag:$0x5] =	stream.indirect.gather [hbm4b:s3+s0], $0x1, s4, s0, $0xb8;
	[tilespmem:$0xD200] =	vst v63  }
0x17: {  	s31 =	simm.s32 $0x0;
	s15 =	rddreg [dreg:$0x4]  }
0x18: {  	[tilespmem:s16], [sflag:$0x2] =	stream.linear.gather [hbm4b:s15+s4], $0x68, $0x38;
	[tilespmem:$0xD200] =	vst v63  }
.LBB2_2:
0x19: {  	p0 =	seq.s32 s31, $0x1F  }
0x1a: {  	s2 =	sadd.s32 @!p0 s31, s10  }
0x1b: {  	s0 =	smul.u32 @!p0 $0x19, s2;
	_ =	sdelay $0x1  }
0x1c: {  	s9 =	simm.s32 @!p0 $0x0;
	s0 =	sadd.s32 @!p0 s1, s0  }
0x1d: {  	[tilespmem:s9], [sflag:$0x1] =	stream.linear.gather @!p0 [hbm4b:s0+s9], $0x60, $0x38;
	[tilespmem:$0xD200] =	vst v63  }
0x1e: {  	_ =	swait.ge [sflag:s17], $0x68  }
0x1f: {  	[sflag:s17] =	ssyncset.done $0x0  }
0x20: {  	[sflag:s17] =	ssyncadd.s32 $0xFFFFFF98  }
0x21: {  	[tilespmem:s19], [sflag:$0x4] =	stream.indirect.gather [hbm4b:s5+s18], $0x80, s16, s18, $0xb8;
	[tilespmem:$0xD200] =	vst v63  }
0x22: {  	_ = 	snop  }
0x23: {  	[tilespmem:s20], [sflag:$0x6] =	stream.indirect.gather [hbm4b:s3+s18], $0x1, s16, s18, $0xb8;
	[tilespmem:$0xD200] =	vst v63  }
0x24: {  	_ =	swait.ge [sflag:s21], $0x3000  }
0x25: {  	[sflag:s21] =	ssyncset.done $0x0  }
0x26: {  	[sflag:s21] =	ssyncadd.s32 $0xFFFFD000  }
0x27: {  	_ =	swait.ge [sflag:s22], $0x60  }
0x28: {  	p1 =	seq.s32 s31, $0x0;
	[sflag:s22] =	ssyncset.done $0x0  }
0x29: {  	s0 =	simm.s32 @!p1 $0x7;
	[sflag:s22] =	ssyncadd.s32 $0xFFFFFFA0  }
0x2a: {  	_ =	swait.ge @!p1 [sflag:s0], $0x3000  }
0x2b: {  	[sflag:s0] =	ssyncset.done @!p1 $0x0  }
0x2c: {  	[sflag:s0] =	ssyncadd.s32 @!p1 $0xFFFFD000;
	s0 =	simm.s32 $0x7B0  }
0x2d: {  	v22 =	vld [tilespmem:s0+$0xFFFFF950]  }
0x2e: {  	v23 =	vld [tilespmem:s0+$0xFFFFF960]  }
0x2f: {  	v21 =	vld [tilespmem:s0+$0xFFFFF970]  }
0x30: {  	v20 =	vld [tilespmem:s0+$0xFFFFF980]  }
0x31: {  	v18 =	vld [tilespmem:s0+$0xFFFFF9D0]  }
0x32: {  	v19 =	vld [tilespmem:s0+$0xFFFFF9E0]  }
0x33: {  	v17 =	vld [tilespmem:s0+$0xFFFFF9F0]  }
0x34: {  	v16 =	vld [tilespmem:s0+$0xFFFFFA00]  }
0x35: {  	v14 =	vld [tilespmem:s0+$0xFFFFFA50]  }
0x36: {  	v15 =	vld [tilespmem:s0+$0xFFFFFA60]  }
0x37: {  	v13 =	vld [tilespmem:s0+$0xFFFFFA70]  }
0x38: {  	v12 =	vld [tilespmem:s0+$0xFFFFFA80]  }
0x39: {  	v10 =	vld [tilespmem:s0+$0xFFFFFAD0]  }
0x3a: {  	v11 =	vld [tilespmem:s0+$0xFFFFFAE0]  }
0x3b: {  	v8 =	vld [tilespmem:s0+$0xFFFFFAF0]  }
0x3c: {  	v9 =	vld [tilespmem:s0+$0xFFFFFB00]  }
0x3d: {  	v5 =	vld [tilespmem:s0+$0xFFFFFB50]  }
0x3e: {  	v6 =	vld [tilespmem:s0+$0xFFFFFB60]  }
0x3f: {  	v4 =	vld [tilespmem:s0+$0xFFFFFB70]  }
0x40: {  	v3 =	vld [tilespmem:s0+$0xFFFFFB80]  }
0x41: {  	v1 =	vld [tilespmem:s0+$0xFFFFFBD0]  }
0x42: {  	v2 =	vld [tilespmem:s0+$0xFFFFFBE0]  }
0x43: {  	s15 =	simm.s32 $0xD100;
	v0 =	vld [tilespmem:s0+$0xFFFFFBF0]  }
0x44: {  	s14 =	sor.u32 s7, s31;
	s13 =	simm.s32 $0x3EC0;
	v7 =	vld [tilespmem:s15+$0x0]  }
.LBB2_3:
0x45: {  	p2 =	sne.s32 s13, $0xBEC0;
	v24 =	vld [tilespmem:s0+$0xFFFFFC00]  }
0x46: {  	v25 =	vld [tilespmem:s0+$0xFFFFFC50]  }
0x47: {  	v26 =	vld [tilespmem:s0+$0xFFFFFC60]  }
0x48: {  	v27 =	vld [tilespmem:s0+$0xFFFFFC70]  }
0x49: {  	v7 =	vmul.f32 $5.000000000e+00, v7;
	v28 =	vld [tilespmem:s0+$0xFFFFFC80]  }
0x4a: {  	v29 =	vld [tilespmem:s0+$0xFFFFFCD0]  }
0x4b: {  	v30 =	vbroadcast v7, $0x0;
	v31 =	vbroadcast v7, $0x1;
	v32 =	vld [tilespmem:s0+$0xFFFFFCE0]  }
0x4c: {  	v33 =	vbroadcast v7, $0x2;
	v34 =	vbroadcast v7, $0x3;
	v35 =	vld [tilespmem:s0+$0xFFFFFCF0]  }
0x4d: {  	v22 =	vmul.f32 v30, v22;
	v23 =	vmul.f32 v23, v30;
	v36 =	vld [tilespmem:s0+$0xFFFFFD00]  }
0x4e: {  	v21 =	vmul.f32 v21, v30;
	v20 =	vmul.f32 v20, v30;
	v30 =	vld [tilespmem:s0+$0xFFFFFD50]  }
0x4f: {  	v18 =	vmul.f32 v18, v31;
	v19 =	vmul.f32 v19, v31;
	[tilespmem:s0+$0x6150] =	vst v22;
	v22 =	vld [tilespmem:s0+$0xFFFFFD60]  }
0x50: {  	v17 =	vmul.f32 v17, v31;
	v16 =	vmul.f32 v16, v31;
	[tilespmem:s0+$0x6160] =	vst v23;
	v23 =	vld [tilespmem:s0+$0xFFFFFD70]  }
0x51: {  	v14 =	vmul.f32 v14, v33;
	v15 =	vmul.f32 v15, v33;
	[tilespmem:s0+$0x6170] =	vst v21;
	v21 =	vld [tilespmem:s0+$0xFFFFFD80]  }
0x52: {  	v13 =	vmul.f32 v13, v33;
	v12 =	vmul.f32 v12, v33;
	[tilespmem:s0+$0x6180] =	vst v20;
	v20 =	vld [tilespmem:s0+$0xFFFFFDD0]  }
0x53: {  	v10 =	vmul.f32 v10, v34;
	v11 =	vmul.f32 v11, v34;
	[tilespmem:s0+$0x61D0] =	vst v18;
	v18 =	vld [tilespmem:s0+$0xFFFFFDE0]  }
0x54: {  	v8 =	vmul.f32 v8, v34;
	v9 =	vmul.f32 v9, v34;
	[tilespmem:s0+$0x61E0] =	vst v19;
	v19 =	vld [tilespmem:s0+$0xFFFFFDF0]  }
0x55: {  	v31 =	vbroadcast v7, $0x5;
	[tilespmem:s0+$0x61F0] =	vst v17;
	v17 =	vbroadcast v7, $0x4;
	v33 =	vld [tilespmem:s0+$0xFFFFFE00]  }
0x56: {  	v34 =	vbroadcast v7, $0x7;
	[tilespmem:s0+$0x6200] =	vst v16;
	v16 =	vbroadcast v7, $0x6;
	v37 =	vld [tilespmem:s0+$0xFFFFFE50]  }
0x57: {  	[tilespmem:s0+$0x6250] =	vst v14;
	v5 =	vmul.f32 v5, v17;
	v6 =	vmul.f32 v6, v17;
	v14 =	vld [tilespmem:s0+$0xFFFFFE60]  }
0x58: {  	v4 =	vmul.f32 v4, v17;
	v3 =	vmul.f32 v3, v17;
	[tilespmem:s0+$0x6260] =	vst v15;
	v15 =	vld [tilespmem:s0+$0xFFFFFE70]  }
0x59: {  	v1 =	vmul.f32 v1, v31;
	v2 =	vmul.f32 v2, v31;
	[tilespmem:s0+$0x6270] =	vst v13;
	v13 =	vld [tilespmem:s0+$0xFFFFFE80]  }
0x5a: {  	v0 =	vmul.f32 v0, v31;
	[tilespmem:s0+$0x6280] =	vst v12;
	v12 =	vmul.f32 v24, v31;
	v17 =	vld [tilespmem:s0+$0xFFFFFED0]  }
0x5b: {  	v24 =	vmul.f32 v26, v16;
	[tilespmem:s0+$0x62D0] =	vst v10;
	v10 =	vmul.f32 v25, v16;
	v25 =	vld [tilespmem:s0+$0xFFFFFEE0]  }
0x5c: {  	[tilespmem:s0+$0x62E0] =	vst v11;
	v11 =	vmul.f32 v27, v16;
	v16 =	vmul.f32 v28, v16;
	v26 =	vld [tilespmem:s0+$0xFFFFFEF0]  }
0x5d: {  	v27 =	vmul.f32 v32, v34;
	[tilespmem:s0+$0x62F0] =	vst v8;
	v8 =	vmul.f32 v29, v34;
	v28 =	vld [tilespmem:s0+$0xFFFFFF00]  }
0x5e: {  	v29 =	vmul.f32 v36, v34;
	[tilespmem:s0+$0x6300] =	vst v9;
	v9 =	vmul.f32 v35, v34;
	v31 =	vld [tilespmem:s0+$0xFFFFFF50]  }
0x5f: {  	v32 =	vbroadcast v7, $0x9;
	[tilespmem:s0+$0x6350] =	vst v5;
	v5 =	vbroadcast v7, $0x8;
	v34 =	vld [tilespmem:s0+$0xFFFFFF60]  }
0x60: {  	v35 =	vbroadcast v7, $0xB;
	[tilespmem:s0+$0x6360] =	vst v6;
	v6 =	vbroadcast v7, $0xA;
	v36 =	vld [tilespmem:s0+$0xFFFFFF70]  }
0x61: {  	[tilespmem:s0+$0x6370] =	vst v4;
	v4 =	vmul.f32 v30, v5;
	v22 =	vmul.f32 v22, v5;
	v30 =	vld [tilespmem:s0+$0xFFFFFF80]  }
0x62: {  	[tilespmem:s0+$0x6380] =	vst v3;
	v3 =	vmul.f32 v23, v5;
	v5 =	vmul.f32 v21, v5;
	v21 =	vld [tilespmem:s0+$0xFFFFFFD0]  }
0x63: {  	v18 =	vmul.f32 v18, v32;
	[tilespmem:s0+$0x63D0] =	vst v1;
	v1 =	vmul.f32 v20, v32;
	v20 =	vld [tilespmem:s0+$0xFFFFFFE0]  }
0x64: {  	[tilespmem:s0+$0x63E0] =	vst v2;
	v2 =	vmul.f32 v19, v32;
	v19 =	vmul.f32 v33, v32;
	v23 =	vld [tilespmem:s0+$0xFFFFFFF0]  }
0x65: {  	v14 =	vmul.f32 v14, v6;
	[tilespmem:s0+$0x63F0] =	vst v0;
	v0 =	vmul.f32 v37, v6;
	v32 =	vld [tilespmem:s0+$0x0]  }
0x66: {  	[tilespmem:s0+$0x6400] =	vst v12;
	v12 =	vmul.f32 v15, v6;
	v6 =	vmul.f32 v13, v6;
	v13 =	vld [tilespmem:s0+$0x50]  }
0x67: {  	v15 =	vmul.f32 v25, v35;
	[tilespmem:s0+$0x6450] =	vst v10;
	v10 =	vmul.f32 v17, v35;
	v17 =	vld [tilespmem:s0+$0x60]  }
0x68: {  	v25 =	vmul.f32 v28, v35;
	[tilespmem:s0+$0x6460] =	vst v24;
	v24 =	vmul.f32 v26, v35;
	v26 =	vld [tilespmem:s0+$0x70]  }
0x69: {  	v28 =	vbroadcast v7, $0xD;
	[tilespmem:s0+$0x6470] =	vst v11;
	v11 =	vbroadcast v7, $0xC;
	v33 =	vld [tilespmem:s0+$0x80]  }
0x6a: {  	[tilespmem:s0+$0x6480] =	vst v16;
	v16 =	vbroadcast v7, $0xE;
	v7 =	vbroadcast v7, $0xF;
	v35 =	vld [tilespmem:s0+$0xD0]  }
0x6b: {  	[tilespmem:s0+$0x64D0] =	vst v8;
	v8 =	vmul.f32 v31, v11;
	v31 =	vmul.f32 v34, v11;
	v34 =	vld [tilespmem:s0+$0xE0]  }
0x6c: {  	[tilespmem:s0+$0x64E0] =	vst v27;
	v27 =	vmul.f32 v36, v11;
	v11 =	vmul.f32 v30, v11;
	v30 =	vld [tilespmem:s0+$0xF0]  }
0x6d: {  	v36 =	vmul.f32 v20, v28;
	[tilespmem:s0+$0x64F0] =	vst v9;
	v9 =	vmul.f32 v21, v28;
	v20 =	vld [tilespmem:s0+$0x100]  }
0x6e: {  	[tilespmem:s0+$0x6500] =	vst v29;
	v29 =	vmul.f32 v23, v28;
	v28 =	vmul.f32 v32, v28  }
0x6f: {  	v32 =	vmul.f32 v17, v16;
	[tilespmem:s0+$0x6550] =	vst v4;
	v4 =	vmul.f32 v13, v16  }
0x70: {  	v26 =	vmul.f32 v26, v16;
	v33 =	vmul.f32 v33, v16;
	[tilespmem:s0+$0x6560] =	vst v22  }
0x71: {  	v35 =	vmul.f32 v35, v7;
	v34 =	vmul.f32 v34, v7;
	[tilespmem:s0+$0x6570] =	vst v3  }
0x72: {  	v30 =	vmul.f32 v30, v7;
	[tilespmem:s0+$0x6580] =	vst v5;
	v7 =	vmul.f32 v20, v7  }
0x73: {  	[tilespmem:s0+$0x65D0] =	vst v1  }
0x74: {  	[tilespmem:s0+$0x65E0] =	vst v18  }
0x75: {  	[tilespmem:s0+$0x65F0] =	vst v2  }
0x76: {  	[tilespmem:s0+$0x6600] =	vst v19  }
0x77: {  	s9 =	sshra.s32 s13, $0x2;
	[tilespmem:s0+$0x6650] =	vst v0  }
0x78: {  	v22 =	vld [tilespmem:s9+$0xFFFFF950];
	[tilespmem:s0+$0x6660] =	vst v14  }
0x79: {  	v23 =	vld [tilespmem:s9+$0xFFFFF960];
	[tilespmem:s0+$0x6670] =	vst v12  }
0x7a: {  	v21 =	vld [tilespmem:s9+$0xFFFFF970];
	[tilespmem:s0+$0x6680] =	vst v6  }
0x7b: {  	v20 =	vld [tilespmem:s9+$0xFFFFF980];
	[tilespmem:s0+$0x66D0] =	vst v10  }
0x7c: {  	v18 =	vld [tilespmem:s9+$0xFFFFF9D0];
	[tilespmem:s0+$0x66E0] =	vst v15  }
0x7d: {  	v19 =	vld [tilespmem:s9+$0xFFFFF9E0];
	[tilespmem:s0+$0x66F0] =	vst v24  }
0x7e: {  	v17 =	vld [tilespmem:s9+$0xFFFFF9F0];
	[tilespmem:s0+$0x6700] =	vst v25  }
0x7f: {  	v16 =	vld [tilespmem:s9+$0xFFFFFA00];
	[tilespmem:s0+$0x6750] =	vst v8  }
0x80: {  	v14 =	vld [tilespmem:s9+$0xFFFFFA50];
	[tilespmem:s0+$0x6760] =	vst v31  }
0x81: {  	v15 =	vld [tilespmem:s9+$0xFFFFFA60];
	[tilespmem:s0+$0x6770] =	vst v27  }
0x82: {  	v13 =	vld [tilespmem:s9+$0xFFFFFA70];
	[tilespmem:s0+$0x6780] =	vst v11  }
0x83: {  	v12 =	vld [tilespmem:s9+$0xFFFFFA80];
	[tilespmem:s0+$0x67D0] =	vst v9  }
0x84: {  	v10 =	vld [tilespmem:s9+$0xFFFFFAD0];
	[tilespmem:s0+$0x67E0] =	vst v36  }
0x85: {  	v11 =	vld [tilespmem:s9+$0xFFFFFAE0];
	[tilespmem:s0+$0x67F0] =	vst v29  }
0x86: {  	v8 =	vld [tilespmem:s9+$0xFFFFFAF0];
	[tilespmem:s0+$0x6800] =	vst v28  }
0x87: {  	v9 =	vld [tilespmem:s9+$0xFFFFFB00];
	[tilespmem:s0+$0x6850] =	vst v4  }
0x88: {  	v5 =	vld [tilespmem:s9+$0xFFFFFB50];
	[tilespmem:s0+$0x6860] =	vst v32  }
0x89: {  	v6 =	vld [tilespmem:s9+$0xFFFFFB60];
	[tilespmem:s0+$0x6870] =	vst v26  }
0x8a: {  	v4 =	vld [tilespmem:s9+$0xFFFFFB70];
	[tilespmem:s0+$0x6880] =	vst v33  }
.Ltmp0:
0x8b: {  	v3 =	vld [tilespmem:s9+$0xFFFFFB80];
	[tilespmem:s0+$0x68D0] =	vst v35;
	(pc) =	sbr.rel @p2 .LBB2_3-.Ltmp0, $4  }
0x8c: {  	v1 =	vld [tilespmem:s9+$0xFFFFFBD0];
	[tilespmem:s0+$0x68E0] =	vst v34  }
0x8d: {  	v2 =	vld [tilespmem:s9+$0xFFFFFBE0];
	[tilespmem:s0+$0x68F0] =	vst v30  }
0x8e: {  	s15 =	sadd.s32 $0x10, s15;
	v0 =	vld [tilespmem:s9+$0xFFFFFBF0];
	[tilespmem:s0+$0x6900] =	vst v7;
	s0 =	smov.u32 s9  }
0x8f: {  	s13 =	sadd.s32 $0x2000, s13;
	v7 =	vld [tilespmem:s15+$0x0]  }
0x90: {  	_ =	sdelay $0x3  }
0x91: {  	v7 =	vmul.f32 $5.000000000e+00, v7;
	_ =	sdelay $0x1  }
0x92: {  	v30 =	vbroadcast v7, $0x0;
	_ =	sdelay $0x1  }
0x93: {  	v22 =	vmul.f32 v30, v22  }
0x94: {  	v23 =	vmul.f32 v23, v30  }
0x95: {  	v35 =	vbroadcast v7, $0x1;
	v21 =	vmul.f32 v21, v30;
	[tilespmem:s0+$0x6150] =	vst v22  }
0x96: {  	v20 =	vmul.f32 v20, v30;
	[tilespmem:s0+$0x6160] =	vst v23  }
0x97: {  	v18 =	vmul.f32 v18, v35;
	[tilespmem:s0+$0x6170] =	vst v21  }
0x98: {  	v19 =	vmul.f32 v19, v35;
	[tilespmem:s0+$0x6180] =	vst v20  }
0x99: {  	v45 =	vbroadcast v7, $0x2;
	v17 =	vmul.f32 v17, v35;
	[tilespmem:s0+$0x61D0] =	vst v18  }
0x9a: {  	v16 =	vmul.f32 v16, v35;
	[tilespmem:s0+$0x61E0] =	vst v19  }
0x9b: {  	v14 =	vmul.f32 v14, v45;
	[tilespmem:s0+$0x61F0] =	vst v17  }
0x9c: {  	v15 =	vmul.f32 v15, v45;
	[tilespmem:s0+$0x6200] =	vst v16  }
0x9d: {  	v46 =	vbroadcast v7, $0x3;
	v13 =	vmul.f32 v13, v45;
	[tilespmem:s0+$0x6250] =	vst v14  }
0x9e: {  	v12 =	vmul.f32 v12, v45;
	[tilespmem:s0+$0x6260] =	vst v15  }
0x9f: {  	v10 =	vmul.f32 v10, v46;
	[tilespmem:s0+$0x6270] =	vst v13  }
0xa0: {  	v11 =	vmul.f32 v11, v46;
	[tilespmem:s0+$0x6280] =	vst v12  }
0xa1: {  	v47 =	vbroadcast v7, $0x4;
	v8 =	vmul.f32 v8, v46;
	[tilespmem:s0+$0x62D0] =	vst v10  }
0xa2: {  	v9 =	vmul.f32 v9, v46;
	[tilespmem:s0+$0x62E0] =	vst v11  }
0xa3: {  	v5 =	vmul.f32 v5, v47;
	[tilespmem:s0+$0x62F0] =	vst v8  }
0xa4: {  	v6 =	vmul.f32 v6, v47;
	[tilespmem:s0+$0x6300] =	vst v9  }
0xa5: {  	v24 =	vld [tilespmem:s0+$0xFFFFFC00];
	v48 =	vbroadcast v7, $0x5;
	v4 =	vmul.f32 v4, v47;
	[tilespmem:s0+$0x6350] =	vst v5  }
0xa6: {  	v25 =	vld [tilespmem:s0+$0xFFFFFC50];
	v3 =	vmul.f32 v3, v47;
	[tilespmem:s0+$0x6360] =	vst v6  }
0xa7: {  	v26 =	vld [tilespmem:s0+$0xFFFFFC60];
	v1 =	vmul.f32 v1, v48;
	[tilespmem:s0+$0x6370] =	vst v4  }
0xa8: {  	v27 =	vld [tilespmem:s0+$0xFFFFFC70];
	v2 =	vmul.f32 v2, v48;
	[tilespmem:s0+$0x6380] =	vst v3  }
0xa9: {  	v28 =	vld [tilespmem:s0+$0xFFFFFC80];
	v49 =	vbroadcast v7, $0x6;
	v0 =	vmul.f32 v0, v48;
	[tilespmem:s0+$0x63D0] =	vst v1  }
0xaa: {  	v29 =	vld [tilespmem:s0+$0xFFFFFCD0];
	v24 =	vmul.f32 v24, v48;
	[tilespmem:s0+$0x63E0] =	vst v2  }
0xab: {  	v31 =	vld [tilespmem:s0+$0xFFFFFCE0];
	v25 =	vmul.f32 v25, v49;
	[tilespmem:s0+$0x63F0] =	vst v0  }
0xac: {  	v32 =	vld [tilespmem:s0+$0xFFFFFCF0];
	v26 =	vmul.f32 v26, v49;
	[tilespmem:s0+$0x6400] =	vst v24  }
0xad: {  	v33 =	vld [tilespmem:s0+$0xFFFFFD00];
	v53 =	vbroadcast v7, $0x7;
	v27 =	vmul.f32 v27, v49;
	[tilespmem:s0+$0x6450] =	vst v25  }
0xae: {  	v34 =	vld [tilespmem:s0+$0xFFFFFD50];
	v28 =	vmul.f32 v28, v49;
	[tilespmem:s0+$0x6460] =	vst v26  }
0xaf: {  	v29 =	vmul.f32 v29, v53;
	v22 =	vld [tilespmem:s0+$0xFFFFFD60];
	[tilespmem:s0+$0x6470] =	vst v27  }
0xb0: {  	v56 =	vmul.f32 v31, v53;
	v23 =	vld [tilespmem:s0+$0xFFFFFD70];
	[tilespmem:s0+$0x6480] =	vst v28  }
0xb1: {  	v59 =	vbroadcast v7, $0x8;
	v58 =	vmul.f32 v32, v53;
	v21 =	vld [tilespmem:s0+$0xFFFFFD80];
	[tilespmem:s0+$0x64D0] =	vst v29  }
0xb2: {  	v33 =	vmul.f32 v33, v53;
	v20 =	vld [tilespmem:s0+$0xFFFFFDD0];
	[tilespmem:s0+$0x64E0] =	vst v56  }
0xb3: {  	v61 =	vmul.f32 v34, v59;
	v18 =	vld [tilespmem:s0+$0xFFFFFDE0];
	[tilespmem:s0+$0x64F0] =	vst v58  }
0xb4: {  	v19 =	vld [tilespmem:s0+$0xFFFFFDF0];
	[tilespmem:s0+$0x6500] =	vst v33;
	v22 =	vmul.f32 v22, v59  }
0xb5: {  	v63 =	vbroadcast v7, $0x9;
	v17 =	vld [tilespmem:s0+$0xFFFFFE00];
	[tilespmem:s0+$0x6550] =	vst v61;
	v23 =	vmul.f32 v23, v59  }
0xb6: {  	v16 =	vld [tilespmem:s0+$0xFFFFFE50];
	v21 =	vmul.f32 v21, v59;
	[tilespmem:s0+$0x6560] =	vst v22  }
0xb7: {  	v14 =	vld [tilespmem:s0+$0xFFFFFE60];
	v20 =	vmul.f32 v20, v63;
	[tilespmem:s0+$0x6570] =	vst v23  }
0xb8: {  	v15 =	vld [tilespmem:s0+$0xFFFFFE70];
	v18 =	vmul.f32 v18, v63;
	[tilespmem:s0+$0x6580] =	vst v21  }
0xb9: {  	v13 =	vld [tilespmem:s0+$0xFFFFFE80];
	v19 =	vmul.f32 v19, v63;
	v21 =	vbroadcast v7, $0xA;
	[tilespmem:s0+$0x65D0] =	vst v20  }
0xba: {  	v12 =	vld [tilespmem:s0+$0xFFFFFED0];
	v17 =	vmul.f32 v17, v63;
	[tilespmem:s0+$0x65E0] =	vst v18  }
0xbb: {  	v10 =	vld [tilespmem:s0+$0xFFFFFEE0];
	[tilespmem:s0+$0x65F0] =	vst v19;
	v16 =	vmul.f32 v16, v21  }
0xbc: {  	v11 =	vld [tilespmem:s0+$0xFFFFFEF0];
	[tilespmem:s0+$0x6600] =	vst v17;
	v14 =	vmul.f32 v14, v21  }
0xbd: {  	v8 =	vld [tilespmem:s0+$0xFFFFFF00];
	v17 =	vbroadcast v7, $0xB;
	v15 =	vmul.f32 v15, v21;
	[tilespmem:s0+$0x6650] =	vst v16  }
0xbe: {  	v9 =	vld [tilespmem:s0+$0xFFFFFF50];
	v13 =	vmul.f32 v13, v21;
	[tilespmem:s0+$0x6660] =	vst v14  }
0xbf: {  	v5 =	vld [tilespmem:s0+$0xFFFFFF60];
	v12 =	vmul.f32 v12, v17;
	[tilespmem:s0+$0x6670] =	vst v15  }
0xc0: {  	v6 =	vld [tilespmem:s0+$0xFFFFFF70];
	v10 =	vmul.f32 v10, v17;
	[tilespmem:s0+$0x6680] =	vst v13  }
0xc1: {  	v4 =	vld [tilespmem:s0+$0xFFFFFF80];
	v11 =	vmul.f32 v11, v17;
	v13 =	vbroadcast v7, $0xC;
	[tilespmem:s0+$0x66D0] =	vst v12  }
0xc2: {  	v3 =	vld [tilespmem:s0+$0xFFFFFFD0];
	v8 =	vmul.f32 v8, v17;
	[tilespmem:s0+$0x66E0] =	vst v10  }
0xc3: {  	v1 =	vld [tilespmem:s0+$0xFFFFFFE0];
	[tilespmem:s0+$0x66F0] =	vst v11;
	v9 =	vmul.f32 v9, v13  }
0xc4: {  	v2 =	vld [tilespmem:s0+$0xFFFFFFF0];
	[tilespmem:s0+$0x6700] =	vst v8;
	v5 =	vmul.f32 v5, v13  }
0xc5: {  	v0 =	vld [tilespmem:s0+$0x0];
	v8 =	vbroadcast v7, $0xD;
	v6 =	vmul.f32 v6, v13;
	[tilespmem:s0+$0x6750] =	vst v9  }
0xc6: {  	v50 =	vld [tilespmem:s0+$0x50];
	v4 =	vmul.f32 v4, v13;
	[tilespmem:s0+$0x6760] =	vst v5  }
0xc7: {  	v51 =	vld [tilespmem:s0+$0x60];
	v3 =	vmul.f32 v3, v8;
	[tilespmem:s0+$0x6770] =	vst v6  }
0xc8: {  	v52 =	vld [tilespmem:s0+$0x70];
	v1 =	vmul.f32 v1, v8;
	[tilespmem:s0+$0x6780] =	vst v4  }
0xc9: {  	v54 =	vld [tilespmem:s0+$0x80];
	v2 =	vmul.f32 v2, v8;
	v4 =	vbroadcast v7, $0xE;
	[tilespmem:s0+$0x67D0] =	vst v3  }
0xca: {  	v55 =	vld [tilespmem:s0+$0xD0];
	v0 =	vmul.f32 v0, v8;
	[tilespmem:s0+$0x67E0] =	vst v1  }
0xcb: {  	v57 =	vld [tilespmem:s0+$0xE0];
	[tilespmem:s0+$0x67F0] =	vst v2;
	v1 =	vmul.f32 v50, v4  }
0xcc: {  	v60 =	vld [tilespmem:s0+$0xF0];
	[tilespmem:s0+$0x6800] =	vst v0;
	v2 =	vmul.f32 v51, v4  }
0xcd: {  	v62 =	vld [tilespmem:s0+$0x100];
	v0 =	vbroadcast v7, $0xF;
	v3 =	vmul.f32 v52, v4;
	[tilespmem:s0+$0x6850] =	vst v1  }
0xce: {  	v1 =	vmul.f32 v54, v4;
	[tilespmem:s0+$0x6860] =	vst v2  }
0xcf: {  	v2 =	vmul.f32 v55, v0;
	[tilespmem:s0+$0x6870] =	vst v3  }
0xd0: {  	s9 =	smul.u32 $0x6400, s14;
	v3 =	vmul.f32 v57, v0;
	[tilespmem:s0+$0x6880] =	vst v1  }
0xd1: {  	s2 =	smul.u32 @!p0 $0xC8, s2;
	v1 =	vmul.f32 v60, v0;
	[tilespmem:s0+$0x68D0] =	vst v2  }
0xd2: {  	v0 =	vmul.f32 v62, v0;
	[tilespmem:s0+$0x68E0] =	vst v3  }
0xd3: {  	s9 =	sshrl.u32 s9, $0x3;
	s2 =	sshrl.u32 @!p0 s2, $0x3;
	[tilespmem:s0+$0x68F0] =	vst v1  }
0xd4: {  	s2 =	sadd.s32 @!p0 s1, s2;
	[tilespmem:s0+$0x6900] =	vst v0;
	s0 =	sadd.s32 s6, s9  }
0xd5: {  	[hbm4b:s0+s4] =	stream.linear.scatter [tilespmem:s23], [sflag:$0x7], $0x3000, $0x38;
	[tilespmem:$0xD200] =	vst v63  }
0xd6: {  	s13 =	simm.s32 @!p0 $0x80;
	s2 =	sadd.s32 @!p0 $0xC, s2;
	s9 =	simm.s32 @!p0 $0x0  }
0xd7: {  	[tilespmem:s13], [sflag:$0x2] =	stream.linear.gather @!p0 [hbm4b:s2+s9], $0x68, $0x38;
	[tilespmem:$0xD200] =	vst v63  }
0xd8: {  	s2 =	simm.s32 @!p0 $0x1  }
0xd9: {  	_ =	swait.ge @!p0 [sflag:s2], $0x60  }
0xda: {  	[sflag:s2] =	ssyncset.done @!p0 $0x0  }
0xdb: {  	s13 =	simm.s32 @!p0 $0x100;
	[sflag:s2] =	ssyncadd.s32 @!p0 $0xFFFFFFA0;
	s2 =	simm.s32 @!p0 $0x60  }
0xdc: {  	[tilespmem:s13], [sflag:$0x3] =	stream.indirect.gather @!p0 [hbm4b:s5+s2], $0x80, s9, s2, $0xb8;
	[tilespmem:$0xD200] =	vst v63  }
0xdd: {  	s13 =	simm.s32 @!p0 $0xD100  }
0xde: {  	[tilespmem:s13], [sflag:$0x5] =	stream.indirect.gather @!p0 [hbm4b:s3+s2], $0x1, s9, s2, $0xb8;
	[tilespmem:$0xD200] =	vst v63  }
0xdf: {  	_ =	swait.ge [sflag:s24], $0x3400  }
0xe0: {  	[sflag:s24] =	ssyncset.done $0x0  }
0xe1: {  	[sflag:s24] =	ssyncadd.s32 $0xFFFFCC00  }
0xe2: {  	_ =	swait.ge [sflag:s25], $0x68  }
0xe3: {  	[sflag:s25] =	ssyncset.done $0x0  }
0xe4: {  	s2 =	simm.s32 @!p1 $0x8;
	[sflag:s25] =	ssyncadd.s32 $0xFFFFFF98  }
0xe5: {  	_ =	swait.ge @!p1 [sflag:s2], $0x3400  }
0xe6: {  	[sflag:s2] =	ssyncset.done @!p1 $0x0  }
0xe7: {  	[sflag:s2] =	ssyncadd.s32 @!p1 $0xFFFFCC00;
	s2 =	simm.s32 $0x7B0  }
0xe8: {  	v22 =	vld [tilespmem:s2+$0x2D50]  }
0xe9: {  	v23 =	vld [tilespmem:s2+$0x2D60]  }
0xea: {  	v21 =	vld [tilespmem:s2+$0x2D70]  }
0xeb: {  	v20 =	vld [tilespmem:s2+$0x2D80]  }
0xec: {  	v18 =	vld [tilespmem:s2+$0x2DD0]  }
0xed: {  	v19 =	vld [tilespmem:s2+$0x2DE0]  }
0xee: {  	v17 =	vld [tilespmem:s2+$0x2DF0]  }
0xef: {  	v16 =	vld [tilespmem:s2+$0x2E00]  }
0xf0: {  	v14 =	vld [tilespmem:s2+$0x2E50]  }
0xf1: {  	v15 =	vld [tilespmem:s2+$0x2E60]  }
0xf2: {  	v13 =	vld [tilespmem:s2+$0x2E70]  }
0xf3: {  	v12 =	vld [tilespmem:s2+$0x2E80]  }
0xf4: {  	v10 =	vld [tilespmem:s2+$0x2ED0]  }
0xf5: {  	v11 =	vld [tilespmem:s2+$0x2EE0]  }
0xf6: {  	v8 =	vld [tilespmem:s2+$0x2EF0]  }
0xf7: {  	v9 =	vld [tilespmem:s2+$0x2F00]  }
0xf8: {  	v5 =	vld [tilespmem:s2+$0x2F50]  }
0xf9: {  	v6 =	vld [tilespmem:s2+$0x2F60]  }
0xfa: {  	v4 =	vld [tilespmem:s2+$0x2F70]  }
0xfb: {  	v3 =	vld [tilespmem:s2+$0x2F80]  }
0xfc: {  	v1 =	vld [tilespmem:s2+$0x2FD0]  }
0xfd: {  	v2 =	vld [tilespmem:s2+$0x2FE0]  }
0xfe: {  	s14 =	simm.s32 $0xD180;
	v0 =	vld [tilespmem:s2+$0x2FF0]  }
0xff: {  	s13 =	simm.s32 $0x3EC0;
	v7 =	vld [tilespmem:s14+$0x0]  }
.LBB2_5:
0x100: {  	p0 =	sne.s32 s13, $0xBEC0;
	v24 =	vld [tilespmem:s2+$0x3000]  }
0x101: {  	v25 =	vld [tilespmem:s2+$0x3050]  }
0x102: {  	v26 =	vld [tilespmem:s2+$0x3060]  }
0x103: {  	v27 =	vld [tilespmem:s2+$0x3070]  }
0x104: {  	v7 =	vmul.f32 $5.000000000e+00, v7;
	v28 =	vld [tilespmem:s2+$0x3080]  }
0x105: {  	v29 =	vld [tilespmem:s2+$0x30D0]  }
0x106: {  	v30 =	vbroadcast v7, $0x0;
	v31 =	vbroadcast v7, $0x1;
	v32 =	vld [tilespmem:s2+$0x30E0]  }
0x107: {  	v33 =	vbroadcast v7, $0x2;
	v34 =	vbroadcast v7, $0x3;
	v35 =	vld [tilespmem:s2+$0x30F0]  }
0x108: {  	v22 =	vmul.f32 v30, v22;
	v23 =	vmul.f32 v23, v30;
	v36 =	vld [tilespmem:s2+$0x3100]  }
0x109: {  	v21 =	vmul.f32 v21, v30;
	v20 =	vmul.f32 v20, v30;
	v30 =	vld [tilespmem:s2+$0x3150]  }
0x10a: {  	v18 =	vmul.f32 v18, v31;
	v19 =	vmul.f32 v19, v31;
	[tilespmem:s2+$0x9550] =	vst v22;
	v22 =	vld [tilespmem:s2+$0x3160]  }
0x10b: {  	v17 =	vmul.f32 v17, v31;
	v16 =	vmul.f32 v16, v31;
	[tilespmem:s2+$0x9560] =	vst v23;
	v23 =	vld [tilespmem:s2+$0x3170]  }
0x10c: {  	v14 =	vmul.f32 v14, v33;
	v15 =	vmul.f32 v15, v33;
	[tilespmem:s2+$0x9570] =	vst v21;
	v21 =	vld [tilespmem:s2+$0x3180]  }
0x10d: {  	v13 =	vmul.f32 v13, v33;
	v12 =	vmul.f32 v12, v33;
	[tilespmem:s2+$0x9580] =	vst v20;
	v20 =	vld [tilespmem:s2+$0x31D0]  }
0x10e: {  	v10 =	vmul.f32 v10, v34;
	v11 =	vmul.f32 v11, v34;
	[tilespmem:s2+$0x95D0] =	vst v18;
	v18 =	vld [tilespmem:s2+$0x31E0]  }
0x10f: {  	v8 =	vmul.f32 v8, v34;
	v9 =	vmul.f32 v9, v34;
	[tilespmem:s2+$0x95E0] =	vst v19;
	v19 =	vld [tilespmem:s2+$0x31F0]  }
0x110: {  	v31 =	vbroadcast v7, $0x5;
	[tilespmem:s2+$0x95F0] =	vst v17;
	v17 =	vbroadcast v7, $0x4;
	v33 =	vld [tilespmem:s2+$0x3200]  }
0x111: {  	v34 =	vbroadcast v7, $0x7;
	[tilespmem:s2+$0x9600] =	vst v16;
	v16 =	vbroadcast v7, $0x6;
	v37 =	vld [tilespmem:s2+$0x3250]  }
0x112: {  	[tilespmem:s2+$0x9650] =	vst v14;
	v5 =	vmul.f32 v5, v17;
	v6 =	vmul.f32 v6, v17;
	v14 =	vld [tilespmem:s2+$0x3260]  }
0x113: {  	v4 =	vmul.f32 v4, v17;
	v3 =	vmul.f32 v3, v17;
	[tilespmem:s2+$0x9660] =	vst v15;
	v15 =	vld [tilespmem:s2+$0x3270]  }
0x114: {  	v1 =	vmul.f32 v1, v31;
	v2 =	vmul.f32 v2, v31;
	[tilespmem:s2+$0x9670] =	vst v13;
	v13 =	vld [tilespmem:s2+$0x3280]  }
0x115: {  	v0 =	vmul.f32 v0, v31;
	[tilespmem:s2+$0x9680] =	vst v12;
	v12 =	vmul.f32 v24, v31;
	v17 =	vld [tilespmem:s2+$0x32D0]  }
0x116: {  	v24 =	vmul.f32 v26, v16;
	[tilespmem:s2+$0x96D0] =	vst v10;
	v10 =	vmul.f32 v25, v16;
	v25 =	vld [tilespmem:s2+$0x32E0]  }
0x117: {  	[tilespmem:s2+$0x96E0] =	vst v11;
	v11 =	vmul.f32 v27, v16;
	v16 =	vmul.f32 v28, v16;
	v26 =	vld [tilespmem:s2+$0x32F0]  }
0x118: {  	v27 =	vmul.f32 v32, v34;
	[tilespmem:s2+$0x96F0] =	vst v8;
	v8 =	vmul.f32 v29, v34;
	v28 =	vld [tilespmem:s2+$0x3300]  }
0x119: {  	v29 =	vmul.f32 v36, v34;
	[tilespmem:s2+$0x9700] =	vst v9;
	v9 =	vmul.f32 v35, v34;
	v31 =	vld [tilespmem:s2+$0x3350]  }
0x11a: {  	v32 =	vbroadcast v7, $0x9;
	[tilespmem:s2+$0x9750] =	vst v5;
	v5 =	vbroadcast v7, $0x8;
	v34 =	vld [tilespmem:s2+$0x3360]  }
0x11b: {  	v35 =	vbroadcast v7, $0xB;
	[tilespmem:s2+$0x9760] =	vst v6;
	v6 =	vbroadcast v7, $0xA;
	v36 =	vld [tilespmem:s2+$0x3370]  }
0x11c: {  	[tilespmem:s2+$0x9770] =	vst v4;
	v4 =	vmul.f32 v30, v5;
	v22 =	vmul.f32 v22, v5;
	v30 =	vld [tilespmem:s2+$0x3380]  }
0x11d: {  	[tilespmem:s2+$0x9780] =	vst v3;
	v3 =	vmul.f32 v23, v5;
	v5 =	vmul.f32 v21, v5;
	v21 =	vld [tilespmem:s2+$0x33D0]  }
0x11e: {  	v18 =	vmul.f32 v18, v32;
	[tilespmem:s2+$0x97D0] =	vst v1;
	v1 =	vmul.f32 v20, v32;
	v20 =	vld [tilespmem:s2+$0x33E0]  }
0x11f: {  	[tilespmem:s2+$0x97E0] =	vst v2;
	v2 =	vmul.f32 v19, v32;
	v19 =	vmul.f32 v33, v32;
	v23 =	vld [tilespmem:s2+$0x33F0]  }
0x120: {  	v14 =	vmul.f32 v14, v6;
	[tilespmem:s2+$0x97F0] =	vst v0;
	v0 =	vmul.f32 v37, v6;
	v32 =	vld [tilespmem:s2+$0x3400]  }
0x121: {  	[tilespmem:s2+$0x9800] =	vst v12;
	v12 =	vmul.f32 v15, v6;
	v6 =	vmul.f32 v13, v6;
	v13 =	vld [tilespmem:s2+$0x3450]  }
0x122: {  	v15 =	vmul.f32 v25, v35;
	[tilespmem:s2+$0x9850] =	vst v10;
	v10 =	vmul.f32 v17, v35;
	v17 =	vld [tilespmem:s2+$0x3460]  }
0x123: {  	v25 =	vmul.f32 v28, v35;
	[tilespmem:s2+$0x9860] =	vst v24;
	v24 =	vmul.f32 v26, v35;
	v26 =	vld [tilespmem:s2+$0x3470]  }
0x124: {  	v28 =	vbroadcast v7, $0xD;
	[tilespmem:s2+$0x9870] =	vst v11;
	v11 =	vbroadcast v7, $0xC;
	v33 =	vld [tilespmem:s2+$0x3480]  }
0x125: {  	[tilespmem:s2+$0x9880] =	vst v16;
	v16 =	vbroadcast v7, $0xE;
	v7 =	vbroadcast v7, $0xF;
	v35 =	vld [tilespmem:s2+$0x34D0]  }
0x126: {  	[tilespmem:s2+$0x98D0] =	vst v8;
	v8 =	vmul.f32 v31, v11;
	v31 =	vmul.f32 v34, v11;
	v34 =	vld [tilespmem:s2+$0x34E0]  }
0x127: {  	[tilespmem:s2+$0x98E0] =	vst v27;
	v27 =	vmul.f32 v36, v11;
	v11 =	vmul.f32 v30, v11;
	v30 =	vld [tilespmem:s2+$0x34F0]  }
0x128: {  	v36 =	vmul.f32 v20, v28;
	[tilespmem:s2+$0x98F0] =	vst v9;
	v9 =	vmul.f32 v21, v28;
	v20 =	vld [tilespmem:s2+$0x3500]  }
0x129: {  	[tilespmem:s2+$0x9900] =	vst v29;
	v29 =	vmul.f32 v23, v28;
	v28 =	vmul.f32 v32, v28  }
0x12a: {  	v32 =	vmul.f32 v17, v16;
	[tilespmem:s2+$0x9950] =	vst v4;
	v4 =	vmul.f32 v13, v16  }
0x12b: {  	v26 =	vmul.f32 v26, v16;
	v33 =	vmul.f32 v33, v16;
	[tilespmem:s2+$0x9960] =	vst v22  }
0x12c: {  	v35 =	vmul.f32 v35, v7;
	v34 =	vmul.f32 v34, v7;
	[tilespmem:s2+$0x9970] =	vst v3  }
0x12d: {  	v30 =	vmul.f32 v30, v7;
	[tilespmem:s2+$0x9980] =	vst v5;
	v7 =	vmul.f32 v20, v7  }
0x12e: {  	[tilespmem:s2+$0x99D0] =	vst v1  }
0x12f: {  	[tilespmem:s2+$0x99E0] =	vst v18  }
0x130: {  	[tilespmem:s2+$0x99F0] =	vst v2  }
0x131: {  	[tilespmem:s2+$0x9A00] =	vst v19  }
0x132: {  	s9 =	sshra.s32 s13, $0x2;
	[tilespmem:s2+$0x9A50] =	vst v0  }
0x133: {  	v22 =	vld [tilespmem:s9+$0x2D50];
	[tilespmem:s2+$0x9A60] =	vst v14  }
0x134: {  	v23 =	vld [tilespmem:s9+$0x2D60];
	[tilespmem:s2+$0x9A70] =	vst v12  }
0x135: {  	v21 =	vld [tilespmem:s9+$0x2D70];
	[tilespmem:s2+$0x9A80] =	vst v6  }
0x136: {  	v20 =	vld [tilespmem:s9+$0x2D80];
	[tilespmem:s2+$0x9AD0] =	vst v10  }
0x137: {  	v18 =	vld [tilespmem:s9+$0x2DD0];
	[tilespmem:s2+$0x9AE0] =	vst v15  }
0x138: {  	v19 =	vld [tilespmem:s9+$0x2DE0];
	[tilespmem:s2+$0x9AF0] =	vst v24  }
0x139: {  	v17 =	vld [tilespmem:s9+$0x2DF0];
	[tilespmem:s2+$0x9B00] =	vst v25  }
0x13a: {  	v16 =	vld [tilespmem:s9+$0x2E00];
	[tilespmem:s2+$0x9B50] =	vst v8  }
0x13b: {  	v14 =	vld [tilespmem:s9+$0x2E50];
	[tilespmem:s2+$0x9B60] =	vst v31  }
0x13c: {  	v15 =	vld [tilespmem:s9+$0x2E60];
	[tilespmem:s2+$0x9B70] =	vst v27  }
0x13d: {  	v13 =	vld [tilespmem:s9+$0x2E70];
	[tilespmem:s2+$0x9B80] =	vst v11  }
0x13e: {  	v12 =	vld [tilespmem:s9+$0x2E80];
	[tilespmem:s2+$0x9BD0] =	vst v9  }
0x13f: {  	v10 =	vld [tilespmem:s9+$0x2ED0];
	[tilespmem:s2+$0x9BE0] =	vst v36  }
0x140: {  	v11 =	vld [tilespmem:s9+$0x2EE0];
	[tilespmem:s2+$0x9BF0] =	vst v29  }
0x141: {  	v8 =	vld [tilespmem:s9+$0x2EF0];
	[tilespmem:s2+$0x9C00] =	vst v28  }
0x142: {  	v9 =	vld [tilespmem:s9+$0x2F00];
	[tilespmem:s2+$0x9C50] =	vst v4  }
0x143: {  	v5 =	vld [tilespmem:s9+$0x2F50];
	[tilespmem:s2+$0x9C60] =	vst v32  }
0x144: {  	v6 =	vld [tilespmem:s9+$0x2F60];
	[tilespmem:s2+$0x9C70] =	vst v26  }
0x145: {  	v4 =	vld [tilespmem:s9+$0x2F70];
	[tilespmem:s2+$0x9C80] =	vst v33  }
.Ltmp1:
0x146: {  	v3 =	vld [tilespmem:s9+$0x2F80];
	[tilespmem:s2+$0x9CD0] =	vst v35;
	(pc) =	sbr.rel @p0 .LBB2_5-.Ltmp1, $4  }
0x147: {  	v1 =	vld [tilespmem:s9+$0x2FD0];
	[tilespmem:s2+$0x9CE0] =	vst v34  }
0x148: {  	v2 =	vld [tilespmem:s9+$0x2FE0];
	[tilespmem:s2+$0x9CF0] =	vst v30  }
0x149: {  	s14 =	sadd.s32 $0x10, s14;
	v0 =	vld [tilespmem:s9+$0x2FF0];
	[tilespmem:s2+$0x9D00] =	vst v7;
	s2 =	smov.u32 s9  }
0x14a: {  	s13 =	sadd.s32 $0x2000, s13;
	v7 =	vld [tilespmem:s14+$0x0]  }
0x14b: {  	_ =	sdelay $0x3  }
0x14c: {  	v7 =	vmul.f32 $5.000000000e+00, v7;
	_ =	sdelay $0x1  }
0x14d: {  	v30 =	vbroadcast v7, $0x0;
	_ =	sdelay $0x1  }
0x14e: {  	v22 =	vmul.f32 v30, v22  }
0x14f: {  	v23 =	vmul.f32 v23, v30  }
0x150: {  	v35 =	vbroadcast v7, $0x1;
	v21 =	vmul.f32 v21, v30;
	[tilespmem:s2+$0x9550] =	vst v22  }
0x151: {  	v20 =	vmul.f32 v20, v30;
	[tilespmem:s2+$0x9560] =	vst v23  }
0x152: {  	v18 =	vmul.f32 v18, v35;
	[tilespmem:s2+$0x9570] =	vst v21  }
0x153: {  	v19 =	vmul.f32 v19, v35;
	[tilespmem:s2+$0x9580] =	vst v20  }
0x154: {  	v41 =	vbroadcast v7, $0x2;
	v17 =	vmul.f32 v17, v35;
	[tilespmem:s2+$0x95D0] =	vst v18  }
0x155: {  	v16 =	vmul.f32 v16, v35;
	[tilespmem:s2+$0x95E0] =	vst v19  }
0x156: {  	v14 =	vmul.f32 v14, v41;
	[tilespmem:s2+$0x95F0] =	vst v17  }
0x157: {  	v15 =	vmul.f32 v15, v41;
	[tilespmem:s2+$0x9600] =	vst v16  }
0x158: {  	v42 =	vbroadcast v7, $0x3;
	v13 =	vmul.f32 v13, v41;
	[tilespmem:s2+$0x9650] =	vst v14  }
0x159: {  	v12 =	vmul.f32 v12, v41;
	[tilespmem:s2+$0x9660] =	vst v15  }
0x15a: {  	v10 =	vmul.f32 v10, v42;
	[tilespmem:s2+$0x9670] =	vst v13  }
0x15b: {  	v11 =	vmul.f32 v11, v42;
	[tilespmem:s2+$0x9680] =	vst v12  }
0x15c: {  	v43 =	vbroadcast v7, $0x4;
	v8 =	vmul.f32 v8, v42;
	[tilespmem:s2+$0x96D0] =	vst v10  }
0x15d: {  	v9 =	vmul.f32 v9, v42;
	[tilespmem:s2+$0x96E0] =	vst v11  }
0x15e: {  	v5 =	vmul.f32 v5, v43;
	[tilespmem:s2+$0x96F0] =	vst v8  }
0x15f: {  	v6 =	vmul.f32 v6, v43;
	[tilespmem:s2+$0x9700] =	vst v9  }
0x160: {  	v24 =	vld [tilespmem:s2+$0x3000];
	v48 =	vbroadcast v7, $0x5;
	v4 =	vmul.f32 v4, v43;
	[tilespmem:s2+$0x9750] =	vst v5  }
0x161: {  	v25 =	vld [tilespmem:s2+$0x3050];
	v3 =	vmul.f32 v3, v43;
	[tilespmem:s2+$0x9760] =	vst v6  }
0x162: {  	v26 =	vld [tilespmem:s2+$0x3060];
	v1 =	vmul.f32 v1, v48;
	[tilespmem:s2+$0x9770] =	vst v4  }
0x163: {  	v27 =	vld [tilespmem:s2+$0x3070];
	v2 =	vmul.f32 v2, v48;
	[tilespmem:s2+$0x9780] =	vst v3  }
0x164: {  	v28 =	vld [tilespmem:s2+$0x3080];
	v53 =	vbroadcast v7, $0x6;
	v0 =	vmul.f32 v0, v48;
	[tilespmem:s2+$0x97D0] =	vst v1  }
0x165: {  	v29 =	vld [tilespmem:s2+$0x30D0];
	v24 =	vmul.f32 v24, v48;
	[tilespmem:s2+$0x97E0] =	vst v2  }
0x166: {  	v31 =	vld [tilespmem:s2+$0x30E0];
	v25 =	vmul.f32 v25, v53;
	[tilespmem:s2+$0x97F0] =	vst v0  }
0x167: {  	v32 =	vld [tilespmem:s2+$0x30F0];
	v26 =	vmul.f32 v26, v53;
	[tilespmem:s2+$0x9800] =	vst v24  }
0x168: {  	v33 =	vld [tilespmem:s2+$0x3100];
	v58 =	vbroadcast v7, $0x7;
	v27 =	vmul.f32 v27, v53;
	[tilespmem:s2+$0x9850] =	vst v25  }
0x169: {  	v34 =	vld [tilespmem:s2+$0x3150];
	v28 =	vmul.f32 v28, v53;
	[tilespmem:s2+$0x9860] =	vst v26  }
0x16a: {  	v40 =	vld [tilespmem:s2+$0x3160];
	v29 =	vmul.f32 v29, v58;
	[tilespmem:s2+$0x9870] =	vst v27  }
0x16b: {  	v44 =	vld [tilespmem:s2+$0x3300];
	v61 =	vmul.f32 v31, v58;
	[tilespmem:s2+$0x9880] =	vst v28  }
0x16c: {  	v45 =	vld [tilespmem:s2+$0x3350];
	v36 =	vbroadcast v7, $0x8;
	v63 =	vmul.f32 v32, v58;
	[tilespmem:s2+$0x98D0] =	vst v29  }
0x16d: {  	v46 =	vld [tilespmem:s2+$0x3360];
	v33 =	vmul.f32 v33, v58;
	[tilespmem:s2+$0x98E0] =	vst v61  }
0x16e: {  	v47 =	vld [tilespmem:s2+$0x3370];
	v38 =	vmul.f32 v34, v36;
	v42 =	vbroadcast v7, $0xB;
	[tilespmem:s2+$0x98F0] =	vst v63  }
0x16f: {  	v49 =	vld [tilespmem:s2+$0x3380];
	v43 =	vbroadcast v7, $0xC;
	v22 =	vmul.f32 v40, v36;
	[tilespmem:s2+$0x9900] =	vst v33  }
0x170: {  	v37 =	vld [tilespmem:s2+$0x34F0];
	[tilespmem:s2+$0x9950] =	vst v38;
	v8 =	vmul.f32 v44, v42  }
0x171: {  	v50 =	vld [tilespmem:s2+$0x33D0];
	v9 =	vmul.f32 v45, v43;
	[tilespmem:s2+$0x9960] =	vst v22  }
0x172: {  	v51 =	vld [tilespmem:s2+$0x33E0];
	v5 =	vmul.f32 v46, v43;
	[tilespmem:s2+$0x9B00] =	vst v8  }
0x173: {  	v52 =	vld [tilespmem:s2+$0x33F0];
	v48 =	vbroadcast v7, $0xF;
	v6 =	vmul.f32 v47, v43;
	[tilespmem:s2+$0x9B50] =	vst v9  }
0x174: {  	v54 =	vld [tilespmem:s2+$0x3400];
	v44 =	vbroadcast v7, $0xD;
	v4 =	vmul.f32 v49, v43;
	[tilespmem:s2+$0x9B60] =	vst v5  }
0x175: {  	v55 =	vld [tilespmem:s2+$0x3450];
	v53 =	vmul.f32 v37, v48;
	[tilespmem:s2+$0x9B70] =	vst v6  }
0x176: {  	v56 =	vld [tilespmem:s2+$0x3460];
	v3 =	vmul.f32 v50, v44;
	[tilespmem:s2+$0x9B80] =	vst v4  }
0x177: {  	v57 =	vld [tilespmem:s2+$0x3470];
	v1 =	vmul.f32 v51, v44;
	[tilespmem:s2+$0x9CF0] =	vst v53  }
0x178: {  	v59 =	vld [tilespmem:s2+$0x3480];
	v45 =	vbroadcast v7, $0xE;
	v2 =	vmul.f32 v52, v44;
	[tilespmem:s2+$0x9BD0] =	vst v3  }
0x179: {  	v60 =	vld [tilespmem:s2+$0x34D0];
	v0 =	vmul.f32 v54, v44;
	[tilespmem:s2+$0x9BE0] =	vst v1  }
0x17a: {  	v62 =	vld [tilespmem:s2+$0x34E0];
	v46 =	vmul.f32 v55, v45;
	[tilespmem:s2+$0x9BF0] =	vst v2  }
0x17b: {  	v39 =	vld [tilespmem:s2+$0x3500];
	v47 =	vmul.f32 v56, v45;
	[tilespmem:s2+$0x9C00] =	vst v0  }
0x17c: {  	v23 =	vld [tilespmem:s2+$0x3170];
	v49 =	vmul.f32 v57, v45;
	[tilespmem:s2+$0x9C50] =	vst v46  }
0x17d: {  	v21 =	vld [tilespmem:s2+$0x3180];
	v50 =	vmul.f32 v59, v45;
	[tilespmem:s2+$0x9C60] =	vst v47  }
0x17e: {  	v20 =	vld [tilespmem:s2+$0x31D0];
	v51 =	vmul.f32 v60, v48;
	[tilespmem:s2+$0x9C70] =	vst v49  }
0x17f: {  	v18 =	vld [tilespmem:s2+$0x31E0];
	v52 =	vmul.f32 v62, v48;
	[tilespmem:s2+$0x9C80] =	vst v50  }
0x180: {  	v19 =	vld [tilespmem:s2+$0x31F0];
	[tilespmem:s2+$0x9CD0] =	vst v51;
	v0 =	vmul.f32 v39, v48  }
0x181: {  	v17 =	vld [tilespmem:s2+$0x3200];
	v40 =	vbroadcast v7, $0x9;
	[tilespmem:s2+$0x9CE0] =	vst v52;
	v23 =	vmul.f32 v23, v36  }
0x182: {  	v16 =	vld [tilespmem:s2+$0x3250];
	v21 =	vmul.f32 v21, v36;
	[tilespmem:s2+$0x9D00] =	vst v0  }
0x183: {  	v14 =	vld [tilespmem:s2+$0x3260];
	v20 =	vmul.f32 v20, v40;
	[tilespmem:s2+$0x9970] =	vst v23  }
0x184: {  	v15 =	vld [tilespmem:s2+$0x3270];
	v18 =	vmul.f32 v18, v40;
	[tilespmem:s2+$0x9980] =	vst v21  }
0x185: {  	v41 =	vbroadcast v7, $0xA;
	v13 =	vld [tilespmem:s2+$0x3280];
	v19 =	vmul.f32 v19, v40;
	[tilespmem:s2+$0x99D0] =	vst v20  }
0x186: {  	v12 =	vld [tilespmem:s2+$0x32D0];
	v17 =	vmul.f32 v17, v40;
	[tilespmem:s2+$0x99E0] =	vst v18  }
0x187: {  	v10 =	vld [tilespmem:s2+$0x32E0];
	v16 =	vmul.f32 v16, v41;
	[tilespmem:s2+$0x99F0] =	vst v19  }
0x188: {  	v11 =	vld [tilespmem:s2+$0x32F0];
	v14 =	vmul.f32 v14, v41;
	[tilespmem:s2+$0x9A00] =	vst v17  }
0x189: {  	v15 =	vmul.f32 v15, v41;
	[tilespmem:s2+$0x9A50] =	vst v16  }
0x18a: {  	v13 =	vmul.f32 v13, v41;
	[tilespmem:s2+$0x9A60] =	vst v14  }
0x18b: {  	v12 =	vmul.f32 v12, v42;
	[tilespmem:s2+$0x9A70] =	vst v15  }
0x18c: {  	v10 =	vmul.f32 v10, v42;
	[tilespmem:s2+$0x9A80] =	vst v13  }
0x18d: {  	v11 =	vmul.f32 v11, v42;
	[tilespmem:s2+$0x9AD0] =	vst v12  }
0x18e: {  	[tilespmem:s2+$0x9AE0] =	vst v10  }
0x18f: {  	[tilespmem:s2+$0x9AF0] =	vst v11  }
0x190: {  	v0 =	vld [tilespmem:$0xD1D8];
	_ =	sdelay $0x3  }
0x191: {  	v1 =	vld [tilespmem:$0x6500]  }
0x192: {  	v2 =	vld [tilespmem:$0x6510];
	v0 =	vmul.f32 $5.000000000e+00, v0  }
0x193: {  	v3 =	vld [tilespmem:$0x6520]  }
0x194: {  	v5 =	vld [tilespmem:$0x6530];
	v54 =	vbroadcast v0, $0x8  }
0x195: {  	v6 =	vld [tilespmem:$0x6580]  }
0x196: {  	v55 =	vld [tilespmem:$0x6590];
	v1 =	vmul.f32 v54, v1  }
0x197: {  	v56 =	vld [tilespmem:$0x65A0];
	v2 =	vmul.f32 v2, v54  }
0x198: {  	v9 =	vld [tilespmem:$0x65B0];
	v58 =	vbroadcast v0, $0x9;
	v57 =	vmul.f32 v3, v54;
	[tilespmem:$0xCD00] =	vst v1  }
0x199: {  	v60 =	vld [tilespmem:$0x6600];
	v59 =	vmul.f32 v5, v54;
	[tilespmem:$0xCD10] =	vst v2  }
0x19a: {  	v62 =	vld [tilespmem:$0x6610];
	v61 =	vmul.f32 v6, v58;
	[tilespmem:$0xCD20] =	vst v57  }
0x19b: {  	v12 =	vld [tilespmem:$0x6620];
	v63 =	vmul.f32 v55, v58;
	[tilespmem:$0xCD30] =	vst v59  }
0x19c: {  	v15 =	vld [tilespmem:$0x6630];
	v14 =	vbroadcast v0, $0xA;
	v13 =	vmul.f32 v56, v58;
	[tilespmem:$0xCD80] =	vst v61  }
0x19d: {  	v17 =	vld [tilespmem:$0x6680];
	v16 =	vmul.f32 v9, v58;
	[tilespmem:$0xCD90] =	vst v63  }
0x19e: {  	v19 =	vld [tilespmem:$0x6690];
	v18 =	vmul.f32 v60, v14;
	[tilespmem:$0xCDA0] =	vst v13  }
0x19f: {  	v21 =	vld [tilespmem:$0x66A0];
	v20 =	vmul.f32 v62, v14;
	[tilespmem:$0xCDB0] =	vst v16  }
0x1a0: {  	v24 =	vld [tilespmem:$0x66B0];
	v23 =	vbroadcast v0, $0xB;
	v22 =	vmul.f32 v12, v14;
	[tilespmem:$0xCE00] =	vst v18  }
0x1a1: {  	v26 =	vld [tilespmem:$0x6700];
	v25 =	vmul.f32 v15, v14;
	[tilespmem:$0xCE10] =	vst v20  }
0x1a2: {  	v28 =	vld [tilespmem:$0x6710];
	v27 =	vmul.f32 v17, v23;
	[tilespmem:$0xCE20] =	vst v22  }
0x1a3: {  	v30 =	vld [tilespmem:$0x6720];
	v29 =	vmul.f32 v19, v23;
	[tilespmem:$0xCE30] =	vst v25  }
0x1a4: {  	v33 =	vld [tilespmem:$0x6730];
	v32 =	vbroadcast v0, $0xC;
	v31 =	vmul.f32 v21, v23;
	[tilespmem:$0xCE80] =	vst v27  }
0x1a5: {  	v35 =	vld [tilespmem:$0x6780];
	v34 =	vmul.f32 v24, v23;
	[tilespmem:$0xCE90] =	vst v29  }
0x1a6: {  	v37 =	vld [tilespmem:$0x6790];
	v36 =	vmul.f32 v26, v32;
	[tilespmem:$0xCEA0] =	vst v31  }
0x1a7: {  	v39 =	vld [tilespmem:$0x67A0];
	v38 =	vmul.f32 v28, v32;
	[tilespmem:$0xCEB0] =	vst v34  }
0x1a8: {  	v42 =	vld [tilespmem:$0x67B0];
	v41 =	vbroadcast v0, $0xD;
	v40 =	vmul.f32 v30, v32;
	[tilespmem:$0xCF00] =	vst v36  }
0x1a9: {  	v44 =	vld [tilespmem:$0x6800];
	v43 =	vmul.f32 v33, v32;
	[tilespmem:$0xCF10] =	vst v38  }
0x1aa: {  	v46 =	vld [tilespmem:$0x6810];
	v45 =	vmul.f32 v35, v41;
	[tilespmem:$0xCF20] =	vst v40  }
0x1ab: {  	v48 =	vld [tilespmem:$0x6820];
	v47 =	vmul.f32 v37, v41;
	[tilespmem:$0xCF30] =	vst v43  }
0x1ac: {  	v51 =	vld [tilespmem:$0x6830];
	v50 =	vbroadcast v0, $0xE;
	v49 =	vmul.f32 v39, v41;
	[tilespmem:$0xCF80] =	vst v45  }
0x1ad: {  	v53 =	vld [tilespmem:$0x6880];
	v52 =	vmul.f32 v42, v41;
	[tilespmem:$0xCF90] =	vst v47  }
0x1ae: {  	v54 =	vmul.f32 v44, v50;
	v55 =	vld [tilespmem:$0x6890];
	[tilespmem:$0xCFA0] =	vst v49  }
0x1af: {  	v56 =	vmul.f32 v46, v50;
	[tilespmem:$0xCFB0] =	vst v52;
	v57 =	vld [tilespmem:$0x68A0]  }
0x1b0: {  	v0 =	vbroadcast v0, $0xF;
	v58 =	vmul.f32 v48, v50;
	[tilespmem:$0xD000] =	vst v54;
	v59 =	vld [tilespmem:$0x68B0]  }
0x1b1: {  	v60 =	vmul.f32 v51, v50;
	[tilespmem:$0xD010] =	vst v56  }
0x1b2: {  	s31 =	sadd.s32 $0x1, s31;
	[tilespmem:$0xD020] =	vst v58;
	v61 =	vmul.f32 v53, v0  }
0x1b3: {  	p0 =	sne.s32 s31, $0x20;
	[tilespmem:$0xD030] =	vst v60;
	v62 =	vmul.f32 v55, v0  }
.Ltmp2:
0x1b4: {  	[tilespmem:$0xD080] =	vst v61;
	v63 =	vmul.f32 v57, v0;
	(pc) =	sbr.rel @p0 .LBB2_2-.Ltmp2, $4  }
0x1b5: {  	[tilespmem:$0xD090] =	vst v62;
	v0 =	vmul.f32 v59, v0  }
0x1b6: {  	[tilespmem:$0xD0A0] =	vst v63  }
0x1b7: {  	s0 =	sadd.s32 $0x600, s0;
	[tilespmem:$0xD0B0] =	vst v0  }
0x1b8: {  	[hbm4b:s0+s4] =	stream.linear.scatter [tilespmem:s26], [sflag:$0x8], $0x3400, $0x38;
	[tilespmem:$0xD200] =	vst v63  }
0x1b9: {  	s30 =	sadd.s32 $0x1, s30  }
0x1ba: {  	_ =	swait.ge [sflag:s28], $0x3000;
	p0 =	sne.s32 s30, s11  }
.Ltmp3:
0x1bb: {  	[sflag:s28] =	ssyncset.done $0x0;
	(pc) =	sbr.rel @p0 .LBB2_1-.Ltmp3, $4  }
0x1bc: {  	[sflag:s28] =	ssyncadd.s32 $0xFFFFD000  }
0x1bd: {  	_ =	swait.ge [sflag:s29], $0x3400  }
0x1be: {  	[sflag:s29] =	ssyncset.done $0x0  }
0x1bf: {  	[sflag:s29] =	ssyncadd.s32 $0xFFFFCC00  }
0x1c0: {  	_ =	sfence.sel $0x180000  }
0x1c1: {  	[bflag:$0x0] =	sbarrier.arrive $0xFFFF  }
0x1c2: {  	_ =	strace $0x90000047  }
0x1c3: {  	s0 =	stileid.u32;
	[bflag:$0x2] =	sbarrier.arrive $0xFFFF  }
0x1c4: {  	p0 =	sne.s32 s0, $0x0;
	s0 =	rddreg [dreg:$0x3]  }
0x1c5: {  	s0 =	sadd.s32 @!p0 $0x100000, s0  }
0x1c6: {  	[sflag:s0] =	ssyncadd.tile.s32 @!p0 $0x1;
	_ =	shalt  }
.Lfunc_end2:
_tile_overlayer_lowered:
.L_overlay_start_2:
0x1c7: {  	(tag) =	ssettag $0x2  }
0x1c8: {  	s0 =	rddreg [dreg:$0x0];
	s2 =	stileid.u32  }
0x1c9: {  	s1 =	rddreg [dreg:$0x1];
	p0 =	sne.s32 s2, $0x0  }
0x1ca: {  	s3 =	rddreg [dreg:$0x2];
	[bflag:$0x3] =	sbarrier.arrive $0xFFFF;
	s2 =	simm.s32 @!p0 $0x1C09  }
0x1cb: {  	[timem:s3], [sflag:s2] =	dma.local @!p0 [hbm:s0], s1  }
0x1cc: {  	s0 =	simm.s32 @!p0 $0x9  }
0x1cd: {  	_ =	swait.ge @!p0 [sflag:s0], s1  }
0x1ce: {  	s1 =	ssub.s32 @!p0 $0x0, s1;
	[sflag:s0] =	ssyncset.done @!p0 $0x0  }
0x1cf: {  	[sflag:s0] =	ssyncadd.s32 @!p0 s1  }
0x1d0: {  	[bflag:$0x3] =	sbarrier.arrive $0xFFFF  }
0x1d1: {  	_ =	shalt  }

// kernel: sparse-core-data-format-call.cloned.1.call-start
scs
called_computation_lowered:
.L_overlay_start_0:
0x0: {  	s2 =	sld [smem:$0x3FD9]  }
0x1: {  	s3 =	sld [smem:$0x3FFE];
	_ =	sdelay $0x1  }
0x2: {  	s1 =	srdreg.scid  }
0x3: {  	s0 =	sand.u32 $0x1, s1  }
0x4: {  	s18 =	sshll.u32 s0, $0xA;
	s2 =	sadd.s32 s3, s2  }
0x5: {  	s2 =	sadd.s32 s2, s18  }
0x6: {  	[smem:$0x3FC4] =	sst s2  }
0x7: {  	_ = 	snop  }
0x8: {  	s2 =	sld [smem:$0x3FD0];
	(tm) =	ssettm $0x1  }
0x9: {  	s19 =	sld [smem:$0x3FFB];
	_ =	sdelay $0x3  }
0xa: {  	_ =	strace s19  }
0xb: {  	s3 =	sld [smem:$0x3FFC];
	_ =	sdelay $0x3  }
0xc: {  	_ =	strace s3  }
0xd: {  	s3 =	sld [smem:$0x3FFD];
	_ =	sdelay $0x3  }
0xe: {  	_ =	strace s3  }
0xf: {  	_ =	strace $0x8FFFFFFF  }
0x10: {  	s20 =	sld [smem:$0x3FDB];
	_ =	sdelay $0x1  }
0x11: {  	s4 =	simm.s32 $_scs_section_size  }
0x12: {  	s5 =	simm.s32 $_size__tile_overlayer_lowered;
	s6 =	simm.s32 $_tile_overlayer_lowered  }
0x13: {  	s23 =	simm.s32 $0x1BFF;
	s22 =	sshll.u32 s6, $0x1;
	s3 =	sadd.s32 s4, s20  }
0x14: {  	s7 =	simm.s32 $0x0;
	s21 =	sshll.u32 s5, $0x1;
	s5 =	sadd.s32 s22, s3  }
0x15: {  	[timem:s7], [sflag:s23] =	dma.local [hbm:s5], s21  }
0x16: {  	_ =	swait.ge [sflag:s23], s21  }
0x17: {  	s4 =	ssub.s32 $0x0, s21;
	[sflag:s23] =	ssyncset.done $0x0  }
0x18: {  	[sflag:s23] =	ssyncadd.s32 s4;
	_ =	sdelay $0x1  }
0x19: {  	s24 =	simm.s32 $0x1B8B  }
0x1a: {  	_ =	swait.ge [sflag:s24], $0x1  }
0x1b: {  	[sflag:s24] =	ssyncset.done $0x0  }
0x1c: {  	s26 =	simm.s32 $0x1B8E;
	s25 =	sld [smem:$0x3FFE];
	[sflag:s24] =	ssyncadd.s32 $0xFFFFFFFF  }
0x1d: {  	s27 =	simm.s32 $execute0_lowered;
	[smem:$0x3FD2] =	sst s26  }
0x1e: {  	s5 =	sshll.u32 s27, $0x1;
	_ =	strace $0x80000049;
	[dreg:$0x1] =	wrdreg $0xFFFFFFFF  }
0x1f: {  	s28 =	simm.s32 $_size_execute0_lowered;
	s3 =	sadd.s32 s3, s5;
	[dreg:$0x0] =	wrdreg $0x0  }
0x20: {  	s5 =	sshll.u32 s28, $0x1;
	[dreg:$0x2] =	wrdreg s3  }
0x21: {  	[dreg:$0x3] =	wrdreg s5  }
0x22: {  	[dreg:$0x4] =	wrdreg $0xC0  }
0x23: {  	_ =	task [dreg:s7], $0x5FFFF  }
0x24: {  	[dreg:$0x1] =	wrdreg $0xFFFFFFFF  }
0x25: {  	[dreg:$0x0] =	wrdreg $0x60  }
0x26: {  	[dreg:$0x2] =	wrdreg s25  }
0x27: {  	[dreg:$0x3] =	wrdreg s2  }
0x28: {  	[dreg:$0x4] =	wrdreg $0x9  }
0x29: {  	_ =	task.clear_ibuf [dreg:s7], $0x5FFFF;
	_ =	strace $0x90000049  }
0x2a: {  	s29 =	simm.s32 $0x9;
	_ =	strace $0x8000004B  }
0x2b: {  	_ =	swait.ge [sflag:s29], $0x1  }
0x2c: {  	[sflag:s29] =	ssyncadd.s32 $0xFFFFFFFF  }
0x2d: {  	_ =	strace $0x9000004B  }
0x2e: {  	_ =	sfence  }
0x2f: {  	s30 =	sld [smem:$0x0];
	_ =	sdelay $0x2  }
0x30: {  	s31 =	sshll.u32 s1, $0xD;
	s1 =	sshrl.u32 s1, $0x2  }
0x31: {  	s3 =	sand.u32 $0x4000, s31;
	s1 =	sadd.s32 s1, s30  }
0x32: {  	s0 =	sor.u32 s3, s0;
	s1 =	sshll.u32 s1, $0x11  }
0x33: {  	s0 =	sor.u32 s1, s0  }
0x34: {  	s0 =	sadd.s32 $0x8F2B, s0  }
0x35: {  	[sflag:s0] =	ssyncadd.remote.s32 $0x1  }
0x36: {  	_ =	sfence.sel $0xFFFF  }
0x37: {  	[dreg:$0x0] =	wrdreg $0xFFFFFFFF;
	(pc) =	sbr.abs _section_cstart, $3  }
0x38: {  	[dreg:$0x1] =	wrdreg $0xFFFFFFFF  }
0x39: {  	_ =	task.clear_ibuf [dreg:s7], $0x2FFFF;
	_ =	strace $0x9FFFFFFF  }
0x3a: {  	(tm) =	ssettm $0x7FFFFFFF  }
0x3b: {  	_ =	shalt  }
tec
execute0_lowered:
.L_overlay_start_1:
0x0: {  	(tag) =	ssettag $0x1  }
0x1: {  	s0 =	stileid.u32;
	s6 =	rddreg [dreg:$0x0]  }
0x2: {  	s2 =	rddreg [dreg:$0x1];
	s5 =	srdreg.scid  }
0x3: {  	s31 =	simm.s32 $0x2;
	s13 =	simm.s32 $0x0;
	s1 =	sshll.u32 s0, $0x7  }
0x4: {  	s14 =	simm.s32 $0x0;
	s12 =	simm.s32 $0x0;
	s3 =	sand.u32 $0x380, s1  }
0x5: {  	s5 =	sshll.u32 s5, $0x4;
	s6 =	sadd.s32 $0x1262E00, s6;
	s4 =	ssub.s32 $0x400, s3  }
0x6: {  	s1 =	rddreg [dreg:$0x2];
	_ =	strace $0x8000004A;
	s7 =	sand.u32 $0x380, s4  }
0x7: {  	s5 =	sand.u32 $0x10, s5;
	p0 =	sne.s32 s7, $0x0;
	s7 =	simm.s32 $0x1  }
.Ltmp0:
0x8: {  	s8 =	sshrl.u32 s4, $0xA;
	s7 =	simm.s32 @!p0 $0x0;
	(pc) =	sbr.rel .LBB1_1-.Ltmp0, $4  }
0x9: {  	s9 =	sor.u32 s0, s5;
	s4 =	simm.s32 $0x1;
	s30 =	sadd.s32 s7, s8  }
0xa: {  	s11 =	smov.u32 s3;
	[sflag:s4] =	ssyncpa.u1 $0x0;
	s5 =	smul.u32 $0x32, s30  }
0xb: {  	[sflag:s31] =	ssyncpa.u1 $0x0;
	p0 =	por $0x0, $0x0;
	s7 =	sshrl.u32 s9, $0x3  }
0xc: {  	s9 =	simm.s32 $0x2000;
	s10 =	smov.u32 s7;
	s8 =	sor.u32 $0x1, s5  }
.LBB1_4:
0xd: {  	s17 =	sand.u32 $0x1F80, s14;
	s13 =	sshll.u32 s13, $0xD  }
0xe: {  	[tilespmem:s16+$0x810 ss:$0x81] =	vst.msk $0xffff, v2;
	s18 =	sshrl.u32 s14, $0x3;
	s31 =	sand.u32 $0x7, s14;
	s17 =	sadd.s32 s2, s17  }
0xf: {  	[tilespmem:s16+$0x1020 ss:$0x81] =	vst.msk $0xffff, v0;
	s18 =	sand.u32 $0xF, s18;
	s14 =	sshll.u32 s31, $0x12;
	s13 =	sadd.s32 s13, s17  }
0x10: {  	[tilespmem:s16+$0x0 ss:$0x81] =	vst.msk $0xffff, v1;
	s14 =	sor.u32 $0x400, s14;
	s13 =	sadd.s32 s18, s13  }
0x11: {  	[hbm4b:s13+s14] =	stream.strided.scatter [tilespmem:s15], [sflag:$0x2], $0x2000, s9, s14, $0x20;
	[tilespmem:$0x8080] =	vst v63  }
.LBB1_5:
0x12: {  	s15 =	sadd.s32 $0x4, s10  }
0x13: {  	s13 =	sadd.s32 $0x400, s11;
	s17 =	smov.u32 s11;
	p2 =	sgt.s32 s15, $0xC7  }
0x14: {  	s17 =	smov.u32 @p2 s13  }
0x15: {  	s15 =	smov.u32 @p2 s7;
	p2 =	sgt.s32 s17, $0x3FF  }
0x16: {  	s17 =	smov.u32 @p2 s3;
	p2 =	sne.s32 s12, s8  }
.Ltmp1:
0x17: {  	p1 =	slt.u32 s12, $0x2;
	(pc) =	sbr.rel @!p2 .LBB1_6-.Ltmp1, $4  }
0x18: {  	s16 =	simm.s32 @!p1 $0x2  }
0x19: {  	s14 =	smov.u32 s11;
	p0 =	por !p0, !p0;
	_ =	swait.ge @!p1 [sflag:s16], $0x2000  }
0x1a: {  	s13 =	smov.u32 s10;
	[sflag:s16] =	ssyncset.done @!p1 $0x0;
	s10 =	smov.u32 s15  }
0x1b: {  	s12 =	sadd.s32 $0x1, s12;
	[sflag:s16] =	ssyncadd.s32 @!p1 $0xFFFFE000;
	s11 =	smov.u32 s17  }
.LBB1_1:
0x1c: {  	p1 =	sge.u32 s12, s5  }
0x1d: {  	s15 =	sand.u32 @!p1 $0x1FFFFFF, s10  }
0x1e: {  	s16 =	smulhi.u32 @!p1 $0x147AE15, s15;
	_ =	sdelay $0x1  }
0x1f: {  	s16 =	smul.u32 @!p1 $0xC8, s16  }
0x20: {  	s17 =	sxor.u32 @!p1 $0xFFFFFFFF, s12;
	s18 =	smul.u32 @!p1 $0xC80, s11  }
0x21: {  	s31 =	sadd.s32 $0xFFFFFFFF, s12;
	s17 =	sshll.u32 @!p1 s17, $0xD;
	s15 =	ssub.s32 @!p1 s15, s16  }
0x22: {  	s16 =	sand.u32 @!p1 $0x2000, s17;
	s17 =	sadd.s32 @!p1 s6, s18;
	s15 =	sshll.u32 @!p1 s15, $0x4  }
0x23: {  	s18 =	simm.s32 @!p1 $0x6400;
	s15 =	sadd.s32 @!p1 s15, s17;
	s17 =	simm.s32 @!p1 $0x40  }
0x24: {  	[tilespmem:s16], [sflag:$0x1] =	stream.strided.gather @!p1 [hbm4b:s15+s17], $0x2000, s18, s17, $0x38;
	[tilespmem:$0x8080] =	vst v63  }
0x25: {  	p1 =	sge.u32 s31, s5  }
.Ltmp2:
0x26: {  	_ = 	snop;
	(pc) =	sbr.rel @p1 .LBB1_5-.Ltmp2, $1  }
0x27: {  	_ =	sdelay $0x3  }
0x28: {  	s15 =	simm.s32 $0x1  }
0x29: {  	_ =	swait.ge [sflag:s4], $0x2000;
	s15 =	simm.s32 @!p0 $0x0  }
0x2a: {  	[sflag:s4] =	ssyncset.done $0x0;
	s16 =	sshll.u32 s15, $0xD  }
0x2b: {  	[sflag:s4] =	ssyncadd.s32 $0xFFFFE000;
	s19 =	sor.u32 $0x20, s16  }
0x2c: {  	s15 =	smul.u32 $0x8100, s15;
	v3 =	vld [tilespmem:s19+$0x10]  }
0x2d: {  	s30 =	sand.u32 $0x1, s12;
	v2 =	vld [tilespmem:s19+$0xFFFFFFF0]  }
0x2e: {  	s16 =	smul.u32 $0x8100, s30;
	s15 =	sshrl.u32 s15, $0x2;
	v0 =	vld [tilespmem:s19+$0x0]  }
0x2f: {  	v1 =	vld [tilespmem:s19+$0xFFFFFFE0];
	s17 =	sor.u32 $0x4000, s15  }
0x30: {  	s31 =	sshrl.u32 s16, $0x2;
	s16 =	sadd.s32 $0x0, s17  }
0x31: {  	s18 =	simm.s32 $0x4;
	s19 =	sadd.s32 $0x40, s19;
	s15 =	sor.u32 $0x4000, s31;
	[tilespmem:s16+$0x1830 ss:$0x81] =	vst.msk $0xffff, v3  }
.LBB1_3:
0x32: {  	v3 =	vld [tilespmem:s19+$0x10];
	p1 =	sne.s32 s18, $0x1FC;
	[tilespmem:s16+$0x810 ss:$0x81] =	vst.msk $0xffff, v2;
	s20 =	smov.u32 s18;
	s18 =	sadd.s32 $0x4, s18  }
.Ltmp3:
0x33: {  	v2 =	vld [tilespmem:s19+$0xFFFFFFF0];
	[tilespmem:s16+$0x1020 ss:$0x81] =	vst.msk $0xffff, v0;
	(pc) =	sbr.rel @p1 .LBB1_3-.Ltmp3, $4  }
0x34: {  	v0 =	vld [tilespmem:s19+$0x0];
	[tilespmem:s16+$0x0 ss:$0x81] =	vst.msk $0xffff, v1  }
0x35: {  	s16 =	sshra.s32 s20, $0x2;
	v1 =	vld [tilespmem:s19+$0xFFFFFFE0]  }
0x36: {  	s16 =	sadd.s32 s16, s17  }
0x37: {  	s19 =	sadd.s32 $0x40, s19;
	[tilespmem:s16+$0x1830 ss:$0x81] =	vst.msk $0xffff, v3  }
.Ltmp4:
0x38: {  	_ = 	snop;
	(pc) =	sbr.rel .LBB1_4-.Ltmp4, $1  }
0x39: {  	_ =	sdelay $0x3  }
.LBB1_6:
0x3a: {  	_ =	sfence.sel $0x180000  }
0x3b: {  	s2 =	simm.s32 $0x1;
	[bflag:$0x0] =	sbarrier.arrive $0xFFFF  }
0x3c: {  	s31 =	simm.s32 $0x2;
	[sflag:s2] =	ssyncpa.u1 $0x1  }
0x3d: {  	[sflag:s31] =	ssyncpa.u1 $0x1  }
0x3e: {  	p0 =	sne.s32 s0, $0x0;
	_ =	strace $0x9000004A  }
0x3f: {  	s0 =	sadd.s32 @!p0 $0x100000, s1;
	[bflag:$0x2] =	sbarrier.arrive $0xFFFF  }
0x40: {  	[sflag:s0] =	ssyncadd.tile.s32 @!p0 $0x1;
	_ =	shalt  }
.Lfunc_end1:
_tile_overlayer_lowered:
.L_overlay_start_2:
0x41: {  	(tag) =	ssettag $0x2  }
0x42: {  	s0 =	rddreg [dreg:$0x0];
	s2 =	stileid.u32  }
0x43: {  	s1 =	rddreg [dreg:$0x1];
	p0 =	sne.s32 s2, $0x0  }
0x44: {  	s3 =	rddreg [dreg:$0x2];
	[bflag:$0x3] =	sbarrier.arrive $0xFFFF;
	s2 =	simm.s32 @!p0 $0x1C01  }
0x45: {  	[timem:s3], [sflag:s2] =	dma.local @!p0 [hbm:s0], s1  }
0x46: {  	s0 =	simm.s32 @!p0 $0x1  }
0x47: {  	_ =	swait.ge @!p0 [sflag:s0], s1  }
0x48: {  	s1 =	ssub.s32 @!p0 $0x0, s1;
	[sflag:s0] =	ssyncset.done @!p0 $0x0  }
0x49: {  	[sflag:s0] =	ssyncadd.s32 @!p0 s1  }
0x4a: {  	[bflag:$0x3] =	sbarrier.arrive $0xFFFF  }
0x4b: {  	_ =	shalt  }

</sc_bundles>
